<compile_context>
chip_gen: v7x
topology: tpu7x:2x2x1
jax: 0.10.2.dev20260603
libtpu: 0.0.44.dev20260713+nightly
codegen_flags: <defaults>
</compile_context>

<pallas_src>
import functools

import jax
import jax.numpy as jnp
from jax import lax
from jax.experimental import pallas as pl
from jax.experimental.pallas import tpu as pltpu
from jax.experimental.pallas import tpu_sc as plsc

EMBED_DIM = 64
NUM_CLASSES = 1000000
BATCH = 16384
LAMBDA_MCE = 1.0
SCALE = 8.0

_CB = 1024
_TGRID = (NUM_CLASSES + 2 * _CB - 1) // (2 * _CB)
_PAIR_ROWS = _TGRID * _CB

_info = plsc.get_sparse_core_info()
_NC, _NS = _info.num_cores, _info.num_subcores
_NW = _NC * _NS
_B_PER_W = BATCH // _NW
_G = 16
_NGROUP = _B_PER_W // _G
_CHUNK = 128
_NCHUNK = _B_PER_W // _CHUNK

_mesh = plsc.VectorSubcoreMesh(core_axis_name="c", subcore_axis_name="s")


def _rsqrt(x):
    i = plsc.bitcast(x, jnp.int32)
    i = 0x5F3759DF - lax.shift_right_arithmetic(i, 1)
    y = plsc.bitcast(i, jnp.float32)
    for _ in range(3):
        y = y * (1.5 - 0.5 * x * y * y)
    return y


@functools.partial(
    pl.kernel,
    mesh=_mesh,
    out_type=jax.ShapeDtypeStruct((2, BATCH), jnp.float32),
    scratch_types=[
        pltpu.VMEM((_B_PER_W,), jnp.int32),
        pltpu.VMEM((_NCHUNK, _CHUNK), jnp.int32),
        pltpu.VMEM((EMBED_DIM, _B_PER_W), jnp.float32),
        pltpu.VMEM((_B_PER_W, 128), jnp.float32),
        pltpu.VMEM((_B_PER_W,), jnp.float32),
        pltpu.VMEM((_B_PER_W,), jnp.float32),
        pltpu.SemaphoreType.DMA,
    ],
    compiler_params=pltpu.CompilerParams(needs_layout_passes=False),
)
def _sc_fused(pairs_hbm, feat_t, labels_hbm, streak_hbm, out_hbm,
              labels_v, idx_v, featv, rows_v, streak_v, outv, sem):
    wid = lax.axis_index("s") * _NC + lax.axis_index("c")
    base = wid * _B_PER_W

    pltpu.sync_copy(labels_hbm.at[pl.ds(base, _B_PER_W)], labels_v)
    lane = lax.iota(jnp.int32, _G)
    for j in range(_NCHUNK):
        for k in range(_CHUNK // _G):
            lbl = labels_v[pl.ds(j * _CHUNK + k * _G, _G)]
            pr = lax.shift_left(lax.shift_right_logical(lbl, 11), 10)
            idx_v[j, pl.ds(k * _G, _G)] = pr | (lbl & 1023)
    copies = []
    for j in range(_NCHUNK):
        copies.append(
            pltpu.async_copy(
                pairs_hbm.at[idx_v.at[j]],
                rows_v.at[pl.ds(j * _CHUNK, _CHUNK)],
                sem,
            )
        )
    pltpu.sync_copy(feat_t.at[:, pl.ds(base, _B_PER_W)], featv)
    pltpu.sync_copy(streak_hbm.at[pl.ds(base, _B_PER_W)], streak_v)
    for c in copies:
        c.wait()

    def group(g, _):
        loc = g * _G
        slot = loc + lane
        half = (lax.shift_right_logical(labels_v[pl.ds(loc, _G)], 10) & 1) * EMBED_DIM
        dot = jnp.zeros((_G,), jnp.float32)
        nrm = jnp.zeros((_G,), jnp.float32)
        for d in range(EMBED_DIM):
            e = plsc.load_gather(rows_v, [slot, half + d])
            f = featv[d, pl.ds(loc, _G)]
            dot = dot + e * f
            nrm = nrm + f * f
        ns = jnp.maximum(nrm, 1e-30)
        norm = jnp.maximum(ns * _rsqrt(ns), 1e-6)
        alpha = 1.0 / (1.0 + jnp.exp(-(dot / (SCALE * norm))))
        amp = 1.0 + LAMBDA_MCE * (1.0 - alpha) * streak_v[pl.ds(loc, _G)]
        outv[pl.ds(loc, _G)] = amp
        return ()

    lax.fori_loop(0, _NGROUP, group, (), unroll=False)

    pltpu.sync_copy(outv, out_hbm.at[0, pl.ds(base, _B_PER_W)])
    pltpu.sync_copy(outv, out_hbm.at[1, pl.ds(base, _B_PER_W)])


def _tc_pairs_body(x1_ref, x2_ref, o_ref):
    x = jnp.concatenate([x1_ref[...], x2_ref[...]], axis=0)
    o_ref[...] = jnp.transpose(x)


_LASTB = 2 * _TGRID - 2


def _tc_pairs(table_t):
    return pl.pallas_call(
        _tc_pairs_body,
        grid=(_TGRID,),
        in_specs=[
            pl.BlockSpec((EMBED_DIM, _CB), lambda i: (0, jnp.minimum(2 * i, _LASTB))),
            pl.BlockSpec((EMBED_DIM, _CB), lambda i: (0, jnp.minimum(2 * i + 1, _LASTB))),
        ],
        out_specs=pl.BlockSpec((_CB, 2 * EMBED_DIM), lambda i: (i, 0)),
        out_shape=jax.ShapeDtypeStruct((_PAIR_ROWS, 2 * EMBED_DIM), jnp.float32),
    )(table_t, table_t)


def kernel(gt_labels, pooled_features, streak_ratio, table):
    table_t = jnp.swapaxes(table, 0, 1)
    pairs = _tc_pairs(table_t)
    feat_t = jnp.swapaxes(pooled_features, 0, 1)
    return _sc_fused(pairs, feat_t, gt_labels, streak_ratio)

# --- scband reference (transcript-rebuilt; emitter-appended) ---
"""Pipeline reference for scband-miss-conditioned-embedding-52613349376370 (READ-ONLY COPY).

The authoritative reference and input builder live on the scoring server;
editing this copy changes nothing except your own understanding.
"""

import jax, jax.numpy as jnp
import numpy as np

EMBED_DIM = 64
NUM_CLASSES = 1000000
BATCH = 16384
LAMBDA_MCE = 1.0
SCALE = float(np.sqrt(float(EMBED_DIM)))


def setup_inputs(seed: int = 0) -> dict:
    key = jax.random.key(seed)
    k1, k2, k3, k4 = jax.random.split(key, 4)
    gt_labels = jax.random.randint(k1, (BATCH,), 0, NUM_CLASSES, dtype=jnp.int32)
    pooled_features = jax.random.normal(k2, (BATCH, EMBED_DIM), dtype=jnp.float32)
    streak_ratio = jax.random.uniform(k3, (BATCH,), dtype=jnp.float32)
    # learned per-class prototype table (nn.Embedding weight, init std=0.01)
    table = jax.random.normal(k4, (NUM_CLASSES, EMBED_DIM), dtype=jnp.float32) * 0.01
    return {"gt_labels": gt_labels, "pooled_features": pooled_features, "streak_ratio": streak_ratio, "table": table}


def reference(gt_labels, pooled_features, streak_ratio, table):
    # Vectorized faithful translation of MissConditionedEmbedding.compute_gt_weights
    # (the miss_type-unknown branch: both cls and reg weights amplified).
    # e_c = embeddings.weight[class_id]  -> gather from the prototype table
    e_c = jnp.take(table, gt_labels, axis=0)                      # [B, D]
    # f_gt = F.normalize(pooled_features[i], dim=-1, eps=1e-6)
    norm = jnp.linalg.norm(pooled_features, axis=-1, keepdims=True)
    f_gt = pooled_features / jnp.maximum(norm, 1e-6)              # [B, D]
    # alpha = sigmoid(dot(e_c, f_gt) / sqrt(D))
    alpha = jax.nn.sigmoid(jnp.sum(e_c * f_gt, axis=-1) / SCALE)  # [B]
    # amp = 1 + lambda_mce * (1 - alpha) * (n / w)
    amp = 1.0 + LAMBDA_MCE * (1.0 - alpha) * streak_ratio         # [B]
    cls_weights = amp
    reg_weights = amp
    return jnp.stack((cls_weights, reg_weights))                  # [2, B]

if __name__ == "__main__":
    import jax
    _d = setup_inputs()
    print(jax.jit(kernel)(*tuple(_d.values())))

</pallas_src>

<mosaic_0001>
#map = affine_map<(d0, d1) -> (0, 0)>
#map1 = affine_map<(d0, d1) -> (0)>
module attributes {stable_mosaic.version = 14 : i64} {
  func.func @_sc_fused(%arg0: i32, %arg1: i32, %arg2: memref<500736x128xf32, #tpu.memory_space<hbm>>, %arg3: memref<64x16384xf32, #tpu.memory_space<hbm>>, %arg4: memref<16384xi32, #tpu.memory_space<hbm>>, %arg5: memref<16384xf32, #tpu.memory_space<hbm>>, %arg6: memref<2x16384xf32, #tpu.memory_space<hbm>>, %arg7: memref<512xi32, #tpu.memory_space<vmem>>, %arg8: memref<4x128xi32, #tpu.memory_space<vmem>>, %arg9: memref<64x512xf32, #tpu.memory_space<vmem>>, %arg10: memref<512x128xf32, #tpu.memory_space<vmem>>, %arg11: memref<512xf32, #tpu.memory_space<vmem>>, %arg12: memref<512xf32, #tpu.memory_space<vmem>>, %arg13: memref<!tpu.dma_semaphore, #tpu.memory_space<semaphore_mem>>) attributes {dimension_semantics = [#tpu.dimension_semantics<core_parallel>, #tpu.dimension_semantics<subcore_parallel>], iteration_bounds = array<i64: 2, 16>, scalar_prefetch = 0 : i64, scratch_operands = 7 : i64, tpu.core_type = #tpu.core_type<sc_vector_subcore>, window_params = [{transform_indices = #map}, {transform_indices = #map}, {transform_indices = #map1}, {transform_indices = #map1}, {transform_indices = #map}]} {
    %mul3A = arith.constant 2 : i32
    %mul3A_0 = arith.muli %arg1, %mul3A : i32
    %add3A = arith.addi %mul3A_0, %arg0 : i32
    %mul3A_1 = arith.constant 512 : i32
    %mul3A_2 = arith.muli %add3A, %mul3A_1 : i32
    "tpu.region"() ({
      %run_scoped3A_592 = tpu.sem_alloc : memref<!tpu.dma_semaphore, #tpu.memory_space<semaphore_mem>>
      %dma_start3A_593 = tpu.memref_slice %arg4[%mul3A_2] : memref<16384xi32, #tpu.memory_space<hbm>> -> memref<512xi32, #tpu.memory_space<hbm>>
      %dma_start3A_594 = tpu.memref_slice %arg4[%mul3A_2] : memref<16384xi32, #tpu.memory_space<hbm>> -> memref<512xi32, #tpu.memory_space<hbm>>
      tpu.enqueue_dma source(%dma_start3A_594 : memref<512xi32, #tpu.memory_space<hbm>>) target(%arg7 : memref<512xi32, #tpu.memory_space<vmem>>) target_semaphore(%run_scoped3A_592 : memref<!tpu.dma_semaphore, #tpu.memory_space<semaphore_mem>>)
      %dma_wait3A_595 = tpu.memref_slice %arg4[%mul3A_2] : memref<16384xi32, #tpu.memory_space<hbm>> -> memref<512xi32, #tpu.memory_space<hbm>>
      %dma_wait3A_596 = tpu.memref_slice %arg4[%mul3A_2] : memref<16384xi32, #tpu.memory_space<hbm>> -> memref<512xi32, #tpu.memory_space<hbm>>
      tpu.wait_dma2 semaphore(%run_scoped3A_592 : memref<!tpu.dma_semaphore, #tpu.memory_space<semaphore_mem>>) src(%dma_wait3A_596 : memref<512xi32, #tpu.memory_space<hbm>>) dst(%arg7 : memref<512xi32, #tpu.memory_space<vmem>>)
      tpu.yield
    }) : () -> ()
    %iota3A = tpu.iota {dimensions = array<i32: 0>} : vector<16xi32>
    %get3A = arith.constant 0 : index
    %get3A_3 = tpu.vector_load %arg7[%get3A] {strides = array<i32>} : memref<512xi32, #tpu.memory_space<vmem>>, vector<16xi32>,
    %shift_right_logical3A = arith.constant 11 : i32
    %shift_right_logical3A_4 = vector.broadcast %shift_right_logical3A : i32 to vector<16xi32>
    %shift_right_logical3A_5 = arith.shrui %get3A_3, %shift_right_logical3A_4 : vector<16xi32>
    %shift_left3A = arith.constant 10 : i32
    %shift_left3A_6 = vector.broadcast %shift_left3A : i32 to vector<16xi32>
    %shift_left3A_7 = arith.shli %shift_right_logical3A_5, %shift_left3A_6 : vector<16xi32>
    %and3A = arith.constant 1023 : i32
    %and3A_8 = vector.broadcast %and3A : i32 to vector<16xi32>
    %and3A_9 = arith.andi %get3A_3, %and3A_8 : vector<16xi32>
    %or3A = arith.ori %shift_left3A_7, %and3A_9 : vector<16xi32>
    %swap3A = arith.constant 0 : i32
    %swap3A_10 = arith.index_cast %swap3A : i32 to index
    %swap3A_11 = arith.constant 0 : index
    %swap3A_12 = tpu.vector_load %arg8[%swap3A_10, %swap3A_11] {strides = array<i32>} : memref<4x128xi32, #tpu.memory_space<vmem>>, vector<16xi32>,
    tpu.vector_store %arg8[%swap3A_10, %swap3A_11], %or3A {strides = array<i32>} : memref<4x128xi32, #tpu.memory_space<vmem>>, vector<16xi32>,
    %get3A_13 = arith.constant 16 : index
    %get3A_14 = tpu.vector_load %arg7[%get3A_13] {strides = array<i32>} : memref<512xi32, #tpu.memory_space<vmem>>, vector<16xi32>,
    %shift_right_logical3A_15 = arith.constant 11 : i32
    %shift_right_logical3A_16 = vector.broadcast %shift_right_logical3A_15 : i32 to vector<16xi32>
    %shift_right_logical3A_17 = arith.shrui %get3A_14, %shift_right_logical3A_16 : vector<16xi32>
    %shift_left3A_18 = arith.constant 10 : i32
    %shift_left3A_19 = vector.broadcast %shift_left3A_18 : i32 to vector<16xi32>
    %shift_left3A_20 = arith.shli %shift_right_logical3A_17, %shift_left3A_19 : vector<16xi32>
    %and3A_21 = arith.constant 1023 : i32
    %and3A_22 = vector.broadcast %and3A_21 : i32 to vector<16xi32>
    %and3A_23 = arith.andi %get3A_14, %and3A_22 : vector<16xi32>
    %or3A_24 = arith.ori %shift_left3A_20, %and3A_23 : vector<16xi32>
    %swap3A_25 = arith.constant 0 : i32
    %swap3A_26 = arith.index_cast %swap3A_25 : i32 to index
    %swap3A_27 = arith.constant 16 : index
    %swap3A_28 = tpu.vector_load %arg8[%swap3A_26, %swap3A_27] {strides = array<i32>} : memref<4x128xi32, #tpu.memory_space<vmem>>, vector<16xi32>,
    tpu.vector_store %arg8[%swap3A_26, %swap3A_27], %or3A_24 {strides = array<i32>} : memref<4x128xi32, #tpu.memory_space<vmem>>, vector<16xi32>,
    %get3A_29 = arith.constant 32 : index
    %get3A_30 = tpu.vector_load %arg7[%get3A_29] {strides = array<i32>} : memref<512xi32, #tpu.memory_space<vmem>>, vector<16xi32>,
    %shift_right_logical3A_31 = arith.constant 11 : i32
    %shift_right_logical3A_32 = vector.broadcast %shift_right_logical3A_31 : i32 to vector<16xi32>
    %shift_right_logical3A_33 = arith.shrui %get3A_30, %shift_right_logical3A_32 : vector<16xi32>
    %shift_left3A_34 = arith.constant 10 : i32
    %shift_left3A_35 = vector.broadcast %shift_left3A_34 : i32 to vector<16xi32>
    %shift_left3A_36 = arith.shli %shift_right_logical3A_33, %shift_left3A_35 : vector<16xi32>
    %and3A_37 = arith.constant 1023 : i32
    %and3A_38 = vector.broadcast %and3A_37 : i32 to vector<16xi32>
    %and3A_39 = arith.andi %get3A_30, %and3A_38 : vector<16xi32>
    %or3A_40 = arith.ori %shift_left3A_36, %and3A_39 : vector<16xi32>
    %swap3A_41 = arith.constant 0 : i32
    %swap3A_42 = arith.index_cast %swap3A_41 : i32 to index
    %swap3A_43 = arith.constant 32 : index
    %swap3A_44 = tpu.vector_load %arg8[%swap3A_42, %swap3A_43] {strides = array<i32>} : memref<4x128xi32, #tpu.memory_space<vmem>>, vector<16xi32>,
    tpu.vector_store %arg8[%swap3A_42, %swap3A_43], %or3A_40 {strides = array<i32>} : memref<4x128xi32, #tpu.memory_space<vmem>>, vector<16xi32>,
    %get3A_45 = arith.constant 48 : index
    %get3A_46 = tpu.vector_load %arg7[%get3A_45] {strides = array<i32>} : memref<512xi32, #tpu.memory_space<vmem>>, vector<16xi32>,
    %shift_right_logical3A_47 = arith.constant 11 : i32
    %shift_right_logical3A_48 = vector.broadcast %shift_right_logical3A_47 : i32 to vector<16xi32>
    %shift_right_logical3A_49 = arith.shrui %get3A_46, %shift_right_logical3A_48 : vector<16xi32>
    %shift_left3A_50 = arith.constant 10 : i32
    %shift_left3A_51 = vector.broadcast %shift_left3A_50 : i32 to vector<16xi32>
    %shift_left3A_52 = arith.shli %shift_right_logical3A_49, %shift_left3A_51 : vector<16xi32>
    %and3A_53 = arith.constant 1023 : i32
    %and3A_54 = vector.broadcast %and3A_53 : i32 to vector<16xi32>
    %and3A_55 = arith.andi %get3A_46, %and3A_54 : vector<16xi32>
    %or3A_56 = arith.ori %shift_left3A_52, %and3A_55 : vector<16xi32>
    %swap3A_57 = arith.constant 0 : i32
    %swap3A_58 = arith.index_cast %swap3A_57 : i32 to index
    %swap3A_59 = arith.constant 48 : index
    %swap3A_60 = tpu.vector_load %arg8[%swap3A_58, %swap3A_59] {strides = array<i32>} : memref<4x128xi32, #tpu.memory_space<vmem>>, vector<16xi32>,
    tpu.vector_store %arg8[%swap3A_58, %swap3A_59], %or3A_56 {strides = array<i32>} : memref<4x128xi32, #tpu.memory_space<vmem>>, vector<16xi32>,
    %get3A_61 = arith.constant 64 : index
    %get3A_62 = tpu.vector_load %arg7[%get3A_61] {strides = array<i32>} : memref<512xi32, #tpu.memory_space<vmem>>, vector<16xi32>,
    %shift_right_logical3A_63 = arith.constant 11 : i32
    %shift_right_logical3A_64 = vector.broadcast %shift_right_logical3A_63 : i32 to vector<16xi32>
    %shift_right_logical3A_65 = arith.shrui %get3A_62, %shift_right_logical3A_64 : vector<16xi32>
    %shift_left3A_66 = arith.constant 10 : i32
    %shift_left3A_67 = vector.broadcast %shift_left3A_66 : i32 to vector<16xi32>
    %shift_left3A_68 = arith.shli %shift_right_logical3A_65, %shift_left3A_67 : vector<16xi32>
    %and3A_69 = arith.constant 1023 : i32
    %and3A_70 = vector.broadcast %and3A_69 : i32 to vector<16xi32>
    %and3A_71 = arith.andi %get3A_62, %and3A_70 : vector<16xi32>
    %or3A_72 = arith.ori %shift_left3A_68, %and3A_71 : vector<16xi32>
    %swap3A_73 = arith.constant 0 : i32
    %swap3A_74 = arith.index_cast %swap3A_73 : i32 to index
    %swap3A_75 = arith.constant 64 : index
    %swap3A_76 = tpu.vector_load %arg8[%swap3A_74, %swap3A_75] {strides = array<i32>} : memref<4x128xi32, #tpu.memory_space<vmem>>, vector<16xi32>,
    tpu.vector_store %arg8[%swap3A_74, %swap3A_75], %or3A_72 {strides = array<i32>} : memref<4x128xi32, #tpu.memory_space<vmem>>, vector<16xi32>,
    %get3A_77 = arith.constant 80 : index
    %get3A_78 = tpu.vector_load %arg7[%get3A_77] {strides = array<i32>} : memref<512xi32, #tpu.memory_space<vmem>>, vector<16xi32>,
    %shift_right_logical3A_79 = arith.constant 11 : i32
    %shift_right_logical3A_80 = vector.broadcast %shift_right_logical3A_79 : i32 to vector<16xi32>
    %shift_right_logical3A_81 = arith.shrui %get3A_78, %shift_right_logical3A_80 : vector<16xi32>
    %shift_left3A_82 = arith.constant 10 : i32
    %shift_left3A_83 = vector.broadcast %shift_left3A_82 : i32 to vector<16xi32>
    %shift_left3A_84 = arith.shli %shift_right_logical3A_81, %shift_left3A_83 : vector<16xi32>
    %and3A_85 = arith.constant 1023 : i32
    %and3A_86 = vector.broadcast %and3A_85 : i32 to vector<16xi32>
    %and3A_87 = arith.andi %get3A_78, %and3A_86 : vector<16xi32>
    %or3A_88 = arith.ori %shift_left3A_84, %and3A_87 : vector<16xi32>
    %swap3A_89 = arith.constant 0 : i32
    %swap3A_90 = arith.index_cast %swap3A_89 : i32 to index
    %swap3A_91 = arith.constant 80 : index
    %swap3A_92 = tpu.vector_load %arg8[%swap3A_90, %swap3A_91] {strides = array<i32>} : memref<4x128xi32, #tpu.memory_space<vmem>>, vector<16xi32>,
    tpu.vector_store %arg8[%swap3A_90, %swap3A_91], %or3A_88 {strides = array<i32>} : memref<4x128xi32, #tpu.memory_space<vmem>>, vector<16xi32>,
    %get3A_93 = arith.constant 96 : index
    %get3A_94 = tpu.vector_load %arg7[%get3A_93] {strides = array<i32>} : memref<512xi32, #tpu.memory_space<vmem>>, vector<16xi32>,
    %shift_right_logical3A_95 = arith.constant 11 : i32
    %shift_right_logical3A_96 = vector.broadcast %shift_right_logical3A_95 : i32 to vector<16xi32>
    %shift_right_logical3A_97 = arith.shrui %get3A_94, %shift_right_logical3A_96 : vector<16xi32>
    %shift_left3A_98 = arith.constant 10 : i32
    %shift_left3A_99 = vector.broadcast %shift_left3A_98 : i32 to vector<16xi32>
    %shift_left3A_100 = arith.shli %shift_right_logical3A_97, %shift_left3A_99 : vector<16xi32>
    %and3A_101 = arith.constant 1023 : i32
    %and3A_102 = vector.broadcast %and3A_101 : i32 to vector<16xi32>
    %and3A_103 = arith.andi %get3A_94, %and3A_102 : vector<16xi32>
    %or3A_104 = arith.ori %shift_left3A_100, %and3A_103 : vector<16xi32>
    %swap3A_105 = arith.constant 0 : i32
    %swap3A_106 = arith.index_cast %swap3A_105 : i32 to index
    %swap3A_107 = arith.constant 96 : index
    %swap3A_108 = tpu.vector_load %arg8[%swap3A_106, %swap3A_107] {strides = array<i32>} : memref<4x128xi32, #tpu.memory_space<vmem>>, vector<16xi32>,
    tpu.vector_store %arg8[%swap3A_106, %swap3A_107], %or3A_104 {strides = array<i32>} : memref<4x128xi32, #tpu.memory_space<vmem>>, vector<16xi32>,
    %get3A_109 = arith.constant 112 : index
    %get3A_110 = tpu.vector_load %arg7[%get3A_109] {strides = array<i32>} : memref<512xi32, #tpu.memory_space<vmem>>, vector<16xi32>,
    %shift_right_logical3A_111 = arith.constant 11 : i32
    %shift_right_logical3A_112 = vector.broadcast %shift_right_logical3A_111 : i32 to vector<16xi32>
    %shift_right_logical3A_113 = arith.shrui %get3A_110, %shift_right_logical3A_112 : vector<16xi32>
    %shift_left3A_114 = arith.constant 10 : i32
    %shift_left3A_115 = vector.broadcast %shift_left3A_114 : i32 to vector<16xi32>
    %shift_left3A_116 = arith.shli %shift_right_logical3A_113, %shift_left3A_115 : vector<16xi32>
    %and3A_117 = arith.constant 1023 : i32
    %and3A_118 = vector.broadcast %and3A_117 : i32 to vector<16xi32>
    %and3A_119 = arith.andi %get3A_110, %and3A_118 : vector<16xi32>
    %or3A_120 = arith.ori %shift_left3A_116, %and3A_119 : vector<16xi32>
    %swap3A_121 = arith.constant 0 : i32
    %swap3A_122 = arith.index_cast %swap3A_121 : i32 to index
    %swap3A_123 = arith.constant 112 : index
    %swap3A_124 = tpu.vector_load %arg8[%swap3A_122, %swap3A_123] {strides = array<i32>} : memref<4x128xi32, #tpu.memory_space<vmem>>, vector<16xi32>,
    tpu.vector_store %arg8[%swap3A_122, %swap3A_123], %or3A_120 {strides = array<i32>} : memref<4x128xi32, #tpu.memory_space<vmem>>, vector<16xi32>,
    %get3A_125 = arith.constant 128 : index
    %get3A_126 = tpu.vector_load %arg7[%get3A_125] {strides = array<i32>} : memref<512xi32, #tpu.memory_space<vmem>>, vector<16xi32>,
    %shift_right_logical3A_127 = arith.constant 11 : i32
    %shift_right_logical3A_128 = vector.broadcast %shift_right_logical3A_127 : i32 to vector<16xi32>
    %shift_right_logical3A_129 = arith.shrui %get3A_126, %shift_right_logical3A_128 : vector<16xi32>
    %shift_left3A_130 = arith.constant 10 : i32
    %shift_left3A_131 = vector.broadcast %shift_left3A_130 : i32 to vector<16xi32>
    %shift_left3A_132 = arith.shli %shift_right_logical3A_129, %shift_left3A_131 : vector<16xi32>
    %and3A_133 = arith.constant 1023 : i32
    %and3A_134 = vector.broadcast %and3A_133 : i32 to vector<16xi32>
    %and3A_135 = arith.andi %get3A_126, %and3A_134 : vector<16xi32>
    %or3A_136 = arith.ori %shift_left3A_132, %and3A_135 : vector<16xi32>
    %swap3A_137 = arith.constant 1 : i32
    %swap3A_138 = arith.index_cast %swap3A_137 : i32 to index
    %swap3A_139 = arith.constant 0 : index
    %swap3A_140 = tpu.vector_load %arg8[%swap3A_138, %swap3A_139] {strides = array<i32>} : memref<4x128xi32, #tpu.memory_space<vmem>>, vector<16xi32>,
    tpu.vector_store %arg8[%swap3A_138, %swap3A_139], %or3A_136 {strides = array<i32>} : memref<4x128xi32, #tpu.memory_space<vmem>>, vector<16xi32>,
    %get3A_141 = arith.constant 144 : index
    %get3A_142 = tpu.vector_load %arg7[%get3A_141] {strides = array<i32>} : memref<512xi32, #tpu.memory_space<vmem>>, vector<16xi32>,
    %shift_right_logical3A_143 = arith.constant 11 : i32
    %shift_right_logical3A_144 = vector.broadcast %shift_right_logical3A_143 : i32 to vector<16xi32>
    %shift_right_logical3A_145 = arith.shrui %get3A_142, %shift_right_logical3A_144 : vector<16xi32>
    %shift_left3A_146 = arith.constant 10 : i32
    %shift_left3A_147 = vector.broadcast %shift_left3A_146 : i32 to vector<16xi32>
    %shift_left3A_148 = arith.shli %shift_right_logical3A_145, %shift_left3A_147 : vector<16xi32>
    %and3A_149 = arith.constant 1023 : i32
    %and3A_150 = vector.broadcast %and3A_149 : i32 to vector<16xi32>
    %and3A_151 = arith.andi %get3A_142, %and3A_150 : vector<16xi32>
    %or3A_152 = arith.ori %shift_left3A_148, %and3A_151 : vector<16xi32>
    %swap3A_153 = arith.constant 1 : i32
    %swap3A_154 = arith.index_cast %swap3A_153 : i32 to index
    %swap3A_155 = arith.constant 16 : index
    %swap3A_156 = tpu.vector_load %arg8[%swap3A_154, %swap3A_155] {strides = array<i32>} : memref<4x128xi32, #tpu.memory_space<vmem>>, vector<16xi32>,
    tpu.vector_store %arg8[%swap3A_154, %swap3A_155], %or3A_152 {strides = array<i32>} : memref<4x128xi32, #tpu.memory_space<vmem>>, vector<16xi32>,
    %get3A_157 = arith.constant 160 : index
    %get3A_158 = tpu.vector_load %arg7[%get3A_157] {strides = array<i32>} : memref<512xi32, #tpu.memory_space<vmem>>, vector<16xi32>,
    %shift_right_logical3A_159 = arith.constant 11 : i32
    %shift_right_logical3A_160 = vector.broadcast %shift_right_logical3A_159 : i32 to vector<16xi32>
    %shift_right_logical3A_161 = arith.shrui %get3A_158, %shift_right_logical3A_160 : vector<16xi32>
    %shift_left3A_162 = arith.constant 10 : i32
    %shift_left3A_163 = vector.broadcast %shift_left3A_162 : i32 to vector<16xi32>
    %shift_left3A_164 = arith.shli %shift_right_logical3A_161, %shift_left3A_163 : vector<16xi32>
    %and3A_165 = arith.constant 1023 : i32
    %and3A_166 = vector.broadcast %and3A_165 : i32 to vector<16xi32>
    %and3A_167 = arith.andi %get3A_158, %and3A_166 : vector<16xi32>
    %or3A_168 = arith.ori %shift_left3A_164, %and3A_167 : vector<16xi32>
    %swap3A_169 = arith.constant 1 : i32
    %swap3A_170 = arith.index_cast %swap3A_169 : i32 to index
    %swap3A_171 = arith.constant 32 : index
    %swap3A_172 = tpu.vector_load %arg8[%swap3A_170, %swap3A_171] {strides = array<i32>} : memref<4x128xi32, #tpu.memory_space<vmem>>, vector<16xi32>,
    tpu.vector_store %arg8[%swap3A_170, %swap3A_171], %or3A_168 {strides = array<i32>} : memref<4x128xi32, #tpu.memory_space<vmem>>, vector<16xi32>,
    %get3A_173 = arith.constant 176 : index
    %get3A_174 = tpu.vector_load %arg7[%get3A_173] {strides = array<i32>} : memref<512xi32, #tpu.memory_space<vmem>>, vector<16xi32>,
    %shift_right_logical3A_175 = arith.constant 11 : i32
    %shift_right_logical3A_176 = vector.broadcast %shift_right_logical3A_175 : i32 to vector<16xi32>
    %shift_right_logical3A_177 = arith.shrui %get3A_174, %shift_right_logical3A_176 : vector<16xi32>
    %shift_left3A_178 = arith.constant 10 : i32
    %shift_left3A_179 = vector.broadcast %shift_left3A_178 : i32 to vector<16xi32>
    %shift_left3A_180 = arith.shli %shift_right_logical3A_177, %shift_left3A_179 : vector<16xi32>
    %and3A_181 = arith.constant 1023 : i32
    %and3A_182 = vector.broadcast %and3A_181 : i32 to vector<16xi32>
    %and3A_183 = arith.andi %get3A_174, %and3A_182 : vector<16xi32>
    %or3A_184 = arith.ori %shift_left3A_180, %and3A_183 : vector<16xi32>
    %swap3A_185 = arith.constant 1 : i32
    %swap3A_186 = arith.index_cast %swap3A_185 : i32 to index
    %swap3A_187 = arith.constant 48 : index
    %swap3A_188 = tpu.vector_load %arg8[%swap3A_186, %swap3A_187] {strides = array<i32>} : memref<4x128xi32, #tpu.memory_space<vmem>>, vector<16xi32>,
    tpu.vector_store %arg8[%swap3A_186, %swap3A_187], %or3A_184 {strides = array<i32>} : memref<4x128xi32, #tpu.memory_space<vmem>>, vector<16xi32>,
    %get3A_189 = arith.constant 192 : index
    %get3A_190 = tpu.vector_load %arg7[%get3A_189] {strides = array<i32>} : memref<512xi32, #tpu.memory_space<vmem>>, vector<16xi32>,
    %shift_right_logical3A_191 = arith.constant 11 : i32
    %shift_right_logical3A_192 = vector.broadcast %shift_right_logical3A_191 : i32 to vector<16xi32>
    %shift_right_logical3A_193 = arith.shrui %get3A_190, %shift_right_logical3A_192 : vector<16xi32>
    %shift_left3A_194 = arith.constant 10 : i32
    %shift_left3A_195 = vector.broadcast %shift_left3A_194 : i32 to vector<16xi32>
    %shift_left3A_196 = arith.shli %shift_right_logical3A_193, %shift_left3A_195 : vector<16xi32>
    %and3A_197 = arith.constant 1023 : i32
    %and3A_198 = vector.broadcast %and3A_197 : i32 to vector<16xi32>
    %and3A_199 = arith.andi %get3A_190, %and3A_198 : vector<16xi32>
    %or3A_200 = arith.ori %shift_left3A_196, %and3A_199 : vector<16xi32>
    %swap3A_201 = arith.constant 1 : i32
    %swap3A_202 = arith.index_cast %swap3A_201 : i32 to index
    %swap3A_203 = arith.constant 64 : index
    %swap3A_204 = tpu.vector_load %arg8[%swap3A_202, %swap3A_203] {strides = array<i32>} : memref<4x128xi32, #tpu.memory_space<vmem>>, vector<16xi32>,
    tpu.vector_store %arg8[%swap3A_202, %swap3A_203], %or3A_200 {strides = array<i32>} : memref<4x128xi32, #tpu.memory_space<vmem>>, vector<16xi32>,
    %get3A_205 = arith.constant 208 : index
    %get3A_206 = tpu.vector_load %arg7[%get3A_205] {strides = array<i32>} : memref<512xi32, #tpu.memory_space<vmem>>, vector<16xi32>,
    %shift_right_logical3A_207 = arith.constant 11 : i32
    %shift_right_logical3A_208 = vector.broadcast %shift_right_logical3A_207 : i32 to vector<16xi32>
    %shift_right_logical3A_209 = arith.shrui %get3A_206, %shift_right_logical3A_208 : vector<16xi32>
    %shift_left3A_210 = arith.constant 10 : i32
    %shift_left3A_211 = vector.broadcast %shift_left3A_210 : i32 to vector<16xi32>
    %shift_left3A_212 = arith.shli %shift_right_logical3A_209, %shift_left3A_211 : vector<16xi32>
    %and3A_213 = arith.constant 1023 : i32
    %and3A_214 = vector.broadcast %and3A_213 : i32 to vector<16xi32>
    %and3A_215 = arith.andi %get3A_206, %and3A_214 : vector<16xi32>
    %or3A_216 = arith.ori %shift_left3A_212, %and3A_215 : vector<16xi32>
    %swap3A_217 = arith.constant 1 : i32
    %swap3A_218 = arith.index_cast %swap3A_217 : i32 to index
    %swap3A_219 = arith.constant 80 : index
    %swap3A_220 = tpu.vector_load %arg8[%swap3A_218, %swap3A_219] {strides = array<i32>} : memref<4x128xi32, #tpu.memory_space<vmem>>, vector<16xi32>,
    tpu.vector_store %arg8[%swap3A_218, %swap3A_219], %or3A_216 {strides = array<i32>} : memref<4x128xi32, #tpu.memory_space<vmem>>, vector<16xi32>,
    %get3A_221 = arith.constant 224 : index
    %get3A_222 = tpu.vector_load %arg7[%get3A_221] {strides = array<i32>} : memref<512xi32, #tpu.memory_space<vmem>>, vector<16xi32>,
    %shift_right_logical3A_223 = arith.constant 11 : i32
    %shift_right_logical3A_224 = vector.broadcast %shift_right_logical3A_223 : i32 to vector<16xi32>
    %shift_right_logical3A_225 = arith.shrui %get3A_222, %shift_right_logical3A_224 : vector<16xi32>
    %shift_left3A_226 = arith.constant 10 : i32
    %shift_left3A_227 = vector.broadcast %shift_left3A_226 : i32 to vector<16xi32>
    %shift_left3A_228 = arith.shli %shift_right_logical3A_225, %shift_left3A_227 : vector<16xi32>
    %and3A_229 = arith.constant 1023 : i32
    %and3A_230 = vector.broadcast %and3A_229 : i32 to vector<16xi32>
    %and3A_231 = arith.andi %get3A_222, %and3A_230 : vector<16xi32>
    %or3A_232 = arith.ori %shift_left3A_228, %and3A_231 : vector<16xi32>
    %swap3A_233 = arith.constant 1 : i32
    %swap3A_234 = arith.index_cast %swap3A_233 : i32 to index
    %swap3A_235 = arith.constant 96 : index
    %swap3A_236 = tpu.vector_load %arg8[%swap3A_234, %swap3A_235] {strides = array<i32>} : memref<4x128xi32, #tpu.memory_space<vmem>>, vector<16xi32>,
    tpu.vector_store %arg8[%swap3A_234, %swap3A_235], %or3A_232 {strides = array<i32>} : memref<4x128xi32, #tpu.memory_space<vmem>>, vector<16xi32>,
    %get3A_237 = arith.constant 240 : index
    %get3A_238 = tpu.vector_load %arg7[%get3A_237] {strides = array<i32>} : memref<512xi32, #tpu.memory_space<vmem>>, vector<16xi32>,
    %shift_right_logical3A_239 = arith.constant 11 : i32
    %shift_right_logical3A_240 = vector.broadcast %shift_right_logical3A_239 : i32 to vector<16xi32>
    %shift_right_logical3A_241 = arith.shrui %get3A_238, %shift_right_logical3A_240 : vector<16xi32>
    %shift_left3A_242 = arith.constant 10 : i32
    %shift_left3A_243 = vector.broadcast %shift_left3A_242 : i32 to vector<16xi32>
    %shift_left3A_244 = arith.shli %shift_right_logical3A_241, %shift_left3A_243 : vector<16xi32>
    %and3A_245 = arith.constant 1023 : i32
    %and3A_246 = vector.broadcast %and3A_245 : i32 to vector<16xi32>
    %and3A_247 = arith.andi %get3A_238, %and3A_246 : vector<16xi32>
    %or3A_248 = arith.ori %shift_left3A_244, %and3A_247 : vector<16xi32>
    %swap3A_249 = arith.constant 1 : i32
    %swap3A_250 = arith.index_cast %swap3A_249 : i32 to index
    %swap3A_251 = arith.constant 112 : index
    %swap3A_252 = tpu.vector_load %arg8[%swap3A_250, %swap3A_251] {strides = array<i32>} : memref<4x128xi32, #tpu.memory_space<vmem>>, vector<16xi32>,
    tpu.vector_store %arg8[%swap3A_250, %swap3A_251], %or3A_248 {strides = array<i32>} : memref<4x128xi32, #tpu.memory_space<vmem>>, vector<16xi32>,
    %get3A_253 = arith.constant 256 : index
    %get3A_254 = tpu.vector_load %arg7[%get3A_253] {strides = array<i32>} : memref<512xi32, #tpu.memory_space<vmem>>, vector<16xi32>,
    %shift_right_logical3A_255 = arith.constant 11 : i32
    %shift_right_logical3A_256 = vector.broadcast %shift_right_logical3A_255 : i32 to vector<16xi32>
    %shift_right_logical3A_257 = arith.shrui %get3A_254, %shift_right_logical3A_256 : vector<16xi32>
    %shift_left3A_258 = arith.constant 10 : i32
    %shift_left3A_259 = vector.broadcast %shift_left3A_258 : i32 to vector<16xi32>
    %shift_left3A_260 = arith.shli %shift_right_logical3A_257, %shift_left3A_259 : vector<16xi32>
    %and3A_261 = arith.constant 1023 : i32
    %and3A_262 = vector.broadcast %and3A_261 : i32 to vector<16xi32>
    %and3A_263 = arith.andi %get3A_254, %and3A_262 : vector<16xi32>
    %or3A_264 = arith.ori %shift_left3A_260, %and3A_263 : vector<16xi32>
    %swap3A_265 = arith.constant 2 : i32
    %swap3A_266 = arith.index_cast %swap3A_265 : i32 to index
    %swap3A_267 = arith.constant 0 : index
    %swap3A_268 = tpu.vector_load %arg8[%swap3A_266, %swap3A_267] {strides = array<i32>} : memref<4x128xi32, #tpu.memory_space<vmem>>, vector<16xi32>,
    tpu.vector_store %arg8[%swap3A_266, %swap3A_267], %or3A_264 {strides = array<i32>} : memref<4x128xi32, #tpu.memory_space<vmem>>, vector<16xi32>,
    %get3A_269 = arith.constant 272 : index
    %get3A_270 = tpu.vector_load %arg7[%get3A_269] {strides = array<i32>} : memref<512xi32, #tpu.memory_space<vmem>>, vector<16xi32>,
    %shift_right_logical3A_271 = arith.constant 11 : i32
    %shift_right_logical3A_272 = vector.broadcast %shift_right_logical3A_271 : i32 to vector<16xi32>
    %shift_right_logical3A_273 = arith.shrui %get3A_270, %shift_right_logical3A_272 : vector<16xi32>
    %shift_left3A_274 = arith.constant 10 : i32
    %shift_left3A_275 = vector.broadcast %shift_left3A_274 : i32 to vector<16xi32>
    %shift_left3A_276 = arith.shli %shift_right_logical3A_273, %shift_left3A_275 : vector<16xi32>
    %and3A_277 = arith.constant 1023 : i32
    %and3A_278 = vector.broadcast %and3A_277 : i32 to vector<16xi32>
    %and3A_279 = arith.andi %get3A_270, %and3A_278 : vector<16xi32>
    %or3A_280 = arith.ori %shift_left3A_276, %and3A_279 : vector<16xi32>
    %swap3A_281 = arith.constant 2 : i32
    %swap3A_282 = arith.index_cast %swap3A_281 : i32 to index
    %swap3A_283 = arith.constant 16 : index
    %swap3A_284 = tpu.vector_load %arg8[%swap3A_282, %swap3A_283] {strides = array<i32>} : memref<4x128xi32, #tpu.memory_space<vmem>>, vector<16xi32>,
    tpu.vector_store %arg8[%swap3A_282, %swap3A_283], %or3A_280 {strides = array<i32>} : memref<4x128xi32, #tpu.memory_space<vmem>>, vector<16xi32>,
    %get3A_285 = arith.constant 288 : index
    %get3A_286 = tpu.vector_load %arg7[%get3A_285] {strides = array<i32>} : memref<512xi32, #tpu.memory_space<vmem>>, vector<16xi32>,
    %shift_right_logical3A_287 = arith.constant 11 : i32
    %shift_right_logical3A_288 = vector.broadcast %shift_right_logical3A_287 : i32 to vector<16xi32>
    %shift_right_logical3A_289 = arith.shrui %get3A_286, %shift_right_logical3A_288 : vector<16xi32>
    %shift_left3A_290 = arith.constant 10 : i32
    %shift_left3A_291 = vector.broadcast %shift_left3A_290 : i32 to vector<16xi32>
    %shift_left3A_292 = arith.shli %shift_right_logical3A_289, %shift_left3A_291 : vector<16xi32>
    %and3A_293 = arith.constant 1023 : i32
    %and3A_294 = vector.broadcast %and3A_293 : i32 to vector<16xi32>
    %and3A_295 = arith.andi %get3A_286, %and3A_294 : vector<16xi32>
    %or3A_296 = arith.ori %shift_left3A_292, %and3A_295 : vector<16xi32>
    %swap3A_297 = arith.constant 2 : i32
    %swap3A_298 = arith.index_cast %swap3A_297 : i32 to index
    %swap3A_299 = arith.constant 32 : index
    %swap3A_300 = tpu.vector_load %arg8[%swap3A_298, %swap3A_299] {strides = array<i32>} : memref<4x128xi32, #tpu.memory_space<vmem>>, vector<16xi32>,
    tpu.vector_store %arg8[%swap3A_298, %swap3A_299], %or3A_296 {strides = array<i32>} : memref<4x128xi32, #tpu.memory_space<vmem>>, vector<16xi32>,
    %get3A_301 = arith.constant 304 : index
    %get3A_302 = tpu.vector_load %arg7[%get3A_301] {strides = array<i32>} : memref<512xi32, #tpu.memory_space<vmem>>, vector<16xi32>,
    %shift_right_logical3A_303 = arith.constant 11 : i32
    %shift_right_logical3A_304 = vector.broadcast %shift_right_logical3A_303 : i32 to vector<16xi32>
    %shift_right_logical3A_305 = arith.shrui %get3A_302, %shift_right_logical3A_304 : vector<16xi32>
    %shift_left3A_306 = arith.constant 10 : i32
    %shift_left3A_307 = vector.broadcast %shift_left3A_306 : i32 to vector<16xi32>
    %shift_left3A_308 = arith.shli %shift_right_logical3A_305, %shift_left3A_307 : vector<16xi32>
    %and3A_309 = arith.constant 1023 : i32
    %and3A_310 = vector.broadcast %and3A_309 : i32 to vector<16xi32>
    %and3A_311 = arith.andi %get3A_302, %and3A_310 : vector<16xi32>
    %or3A_312 = arith.ori %shift_left3A_308, %and3A_311 : vector<16xi32>
    %swap3A_313 = arith.constant 2 : i32
    %swap3A_314 = arith.index_cast %swap3A_313 : i32 to index
    %swap3A_315 = arith.constant 48 : index
    %swap3A_316 = tpu.vector_load %arg8[%swap3A_314, %swap3A_315] {strides = array<i32>} : memref<4x128xi32, #tpu.memory_space<vmem>>, vector<16xi32>,
    tpu.vector_store %arg8[%swap3A_314, %swap3A_315], %or3A_312 {strides = array<i32>} : memref<4x128xi32, #tpu.memory_space<vmem>>, vector<16xi32>,
    %get3A_317 = arith.constant 320 : index
    %get3A_318 = tpu.vector_load %arg7[%get3A_317] {strides = array<i32>} : memref<512xi32, #tpu.memory_space<vmem>>, vector<16xi32>,
    %shift_right_logical3A_319 = arith.constant 11 : i32
    %shift_right_logical3A_320 = vector.broadcast %shift_right_logical3A_319 : i32 to vector<16xi32>
    %shift_right_logical3A_321 = arith.shrui %get3A_318, %shift_right_logical3A_320 : vector<16xi32>
    %shift_left3A_322 = arith.constant 10 : i32
    %shift_left3A_323 = vector.broadcast %shift_left3A_322 : i32 to vector<16xi32>
    %shift_left3A_324 = arith.shli %shift_right_logical3A_321, %shift_left3A_323 : vector<16xi32>
    %and3A_325 = arith.constant 1023 : i32
    %and3A_326 = vector.broadcast %and3A_325 : i32 to vector<16xi32>
    %and3A_327 = arith.andi %get3A_318, %and3A_326 : vector<16xi32>
    %or3A_328 = arith.ori %shift_left3A_324, %and3A_327 : vector<16xi32>
    %swap3A_329 = arith.constant 2 : i32
    %swap3A_330 = arith.index_cast %swap3A_329 : i32 to index
    %swap3A_331 = arith.constant 64 : index
    %swap3A_332 = tpu.vector_load %arg8[%swap3A_330, %swap3A_331] {strides = array<i32>} : memref<4x128xi32, #tpu.memory_space<vmem>>, vector<16xi32>,
    tpu.vector_store %arg8[%swap3A_330, %swap3A_331], %or3A_328 {strides = array<i32>} : memref<4x128xi32, #tpu.memory_space<vmem>>, vector<16xi32>,
    %get3A_333 = arith.constant 336 : index
    %get3A_334 = tpu.vector_load %arg7[%get3A_333] {strides = array<i32>} : memref<512xi32, #tpu.memory_space<vmem>>, vector<16xi32>,
    %shift_right_logical3A_335 = arith.constant 11 : i32
    %shift_right_logical3A_336 = vector.broadcast %shift_right_logical3A_335 : i32 to vector<16xi32>
    %shift_right_logical3A_337 = arith.shrui %get3A_334, %shift_right_logical3A_336 : vector<16xi32>
    %shift_left3A_338 = arith.constant 10 : i32
    %shift_left3A_339 = vector.broadcast %shift_left3A_338 : i32 to vector<16xi32>
    %shift_left3A_340 = arith.shli %shift_right_logical3A_337, %shift_left3A_339 : vector<16xi32>
    %and3A_341 = arith.constant 1023 : i32
    %and3A_342 = vector.broadcast %and3A_341 : i32 to vector<16xi32>
    %and3A_343 = arith.andi %get3A_334, %and3A_342 : vector<16xi32>
    %or3A_344 = arith.ori %shift_left3A_340, %and3A_343 : vector<16xi32>
    %swap3A_345 = arith.constant 2 : i32
    %swap3A_346 = arith.index_cast %swap3A_345 : i32 to index
    %swap3A_347 = arith.constant 80 : index
    %swap3A_348 = tpu.vector_load %arg8[%swap3A_346, %swap3A_347] {strides = array<i32>} : memref<4x128xi32, #tpu.memory_space<vmem>>, vector<16xi32>,
    tpu.vector_store %arg8[%swap3A_346, %swap3A_347], %or3A_344 {strides = array<i32>} : memref<4x128xi32, #tpu.memory_space<vmem>>, vector<16xi32>,
    %get3A_349 = arith.constant 352 : index
    %get3A_350 = tpu.vector_load %arg7[%get3A_349] {strides = array<i32>} : memref<512xi32, #tpu.memory_space<vmem>>, vector<16xi32>,
    %shift_right_logical3A_351 = arith.constant 11 : i32
    %shift_right_logical3A_352 = vector.broadcast %shift_right_logical3A_351 : i32 to vector<16xi32>
    %shift_right_logical3A_353 = arith.shrui %get3A_350, %shift_right_logical3A_352 : vector<16xi32>
    %shift_left3A_354 = arith.constant 10 : i32
    %shift_left3A_355 = vector.broadcast %shift_left3A_354 : i32 to vector<16xi32>
    %shift_left3A_356 = arith.shli %shift_right_logical3A_353, %shift_left3A_355 : vector<16xi32>
    %and3A_357 = arith.constant 1023 : i32
    %and3A_358 = vector.broadcast %and3A_357 : i32 to vector<16xi32>
    %and3A_359 = arith.andi %get3A_350, %and3A_358 : vector<16xi32>
    %or3A_360 = arith.ori %shift_left3A_356, %and3A_359 : vector<16xi32>
    %swap3A_361 = arith.constant 2 : i32
    %swap3A_362 = arith.index_cast %swap3A_361 : i32 to index
    %swap3A_363 = arith.constant 96 : index
    %swap3A_364 = tpu.vector_load %arg8[%swap3A_362, %swap3A_363] {strides = array<i32>} : memref<4x128xi32, #tpu.memory_space<vmem>>, vector<16xi32>,
    tpu.vector_store %arg8[%swap3A_362, %swap3A_363], %or3A_360 {strides = array<i32>} : memref<4x128xi32, #tpu.memory_space<vmem>>, vector<16xi32>,
    %get3A_365 = arith.constant 368 : index
    %get3A_366 = tpu.vector_load %arg7[%get3A_365] {strides = array<i32>} : memref<512xi32, #tpu.memory_space<vmem>>, vector<16xi32>,
    %shift_right_logical3A_367 = arith.constant 11 : i32
    %shift_right_logical3A_368 = vector.broadcast %shift_right_logical3A_367 : i32 to vector<16xi32>
    %shift_right_logical3A_369 = arith.shrui %get3A_366, %shift_right_logical3A_368 : vector<16xi32>
    %shift_left3A_370 = arith.constant 10 : i32
    %shift_left3A_371 = vector.broadcast %shift_left3A_370 : i32 to vector<16xi32>
    %shift_left3A_372 = arith.shli %shift_right_logical3A_369, %shift_left3A_371 : vector<16xi32>
    %and3A_373 = arith.constant 1023 : i32
    %and3A_374 = vector.broadcast %and3A_373 : i32 to vector<16xi32>
    %and3A_375 = arith.andi %get3A_366, %and3A_374 : vector<16xi32>
    %or3A_376 = arith.ori %shift_left3A_372, %and3A_375 : vector<16xi32>
    %swap3A_377 = arith.constant 2 : i32
    %swap3A_378 = arith.index_cast %swap3A_377 : i32 to index
    %swap3A_379 = arith.constant 112 : index
    %swap3A_380 = tpu.vector_load %arg8[%swap3A_378, %swap3A_379] {strides = array<i32>} : memref<4x128xi32, #tpu.memory_space<vmem>>, vector<16xi32>,
    tpu.vector_store %arg8[%swap3A_378, %swap3A_379], %or3A_376 {strides = array<i32>} : memref<4x128xi32, #tpu.memory_space<vmem>>, vector<16xi32>,
    %get3A_381 = arith.constant 384 : index
    %get3A_382 = tpu.vector_load %arg7[%get3A_381] {strides = array<i32>} : memref<512xi32, #tpu.memory_space<vmem>>, vector<16xi32>,
    %shift_right_logical3A_383 = arith.constant 11 : i32
    %shift_right_logical3A_384 = vector.broadcast %shift_right_logical3A_383 : i32 to vector<16xi32>
    %shift_right_logical3A_385 = arith.shrui %get3A_382, %shift_right_logical3A_384 : vector<16xi32>
    %shift_left3A_386 = arith.constant 10 : i32
    %shift_left3A_387 = vector.broadcast %shift_left3A_386 : i32 to vector<16xi32>
    %shift_left3A_388 = arith.shli %shift_right_logical3A_385, %shift_left3A_387 : vector<16xi32>
    %and3A_389 = arith.constant 1023 : i32
    %and3A_390 = vector.broadcast %and3A_389 : i32 to vector<16xi32>
    %and3A_391 = arith.andi %get3A_382, %and3A_390 : vector<16xi32>
    %or3A_392 = arith.ori %shift_left3A_388, %and3A_391 : vector<16xi32>
    %swap3A_393 = arith.constant 3 : i32
    %swap3A_394 = arith.index_cast %swap3A_393 : i32 to index
    %swap3A_395 = arith.constant 0 : index
    %swap3A_396 = tpu.vector_load %arg8[%swap3A_394, %swap3A_395] {strides = array<i32>} : memref<4x128xi32, #tpu.memory_space<vmem>>, vector<16xi32>,
    tpu.vector_store %arg8[%swap3A_394, %swap3A_395], %or3A_392 {strides = array<i32>} : memref<4x128xi32, #tpu.memory_space<vmem>>, vector<16xi32>,
    %get3A_397 = arith.constant 400 : index
    %get3A_398 = tpu.vector_load %arg7[%get3A_397] {strides = array<i32>} : memref<512xi32, #tpu.memory_space<vmem>>, vector<16xi32>,
    %shift_right_logical3A_399 = arith.constant 11 : i32
    %shift_right_logical3A_400 = vector.broadcast %shift_right_logical3A_399 : i32 to vector<16xi32>
    %shift_right_logical3A_401 = arith.shrui %get3A_398, %shift_right_logical3A_400 : vector<16xi32>
    %shift_left3A_402 = arith.constant 10 : i32
    %shift_left3A_403 = vector.broadcast %shift_left3A_402 : i32 to vector<16xi32>
    %shift_left3A_404 = arith.shli %shift_right_logical3A_401, %shift_left3A_403 : vector<16xi32>
    %and3A_405 = arith.constant 1023 : i32
    %and3A_406 = vector.broadcast %and3A_405 : i32 to vector<16xi32>
    %and3A_407 = arith.andi %get3A_398, %and3A_406 : vector<16xi32>
    %or3A_408 = arith.ori %shift_left3A_404, %and3A_407 : vector<16xi32>
    %swap3A_409 = arith.constant 3 : i32
    %swap3A_410 = arith.index_cast %swap3A_409 : i32 to index
    %swap3A_411 = arith.constant 16 : index
    %swap3A_412 = tpu.vector_load %arg8[%swap3A_410, %swap3A_411] {strides = array<i32>} : memref<4x128xi32, #tpu.memory_space<vmem>>, vector<16xi32>,
    tpu.vector_store %arg8[%swap3A_410, %swap3A_411], %or3A_408 {strides = array<i32>} : memref<4x128xi32, #tpu.memory_space<vmem>>, vector<16xi32>,
    %get3A_413 = arith.constant 416 : index
    %get3A_414 = tpu.vector_load %arg7[%get3A_413] {strides = array<i32>} : memref<512xi32, #tpu.memory_space<vmem>>, vector<16xi32>,
    %shift_right_logical3A_415 = arith.constant 11 : i32
    %shift_right_logical3A_416 = vector.broadcast %shift_right_logical3A_415 : i32 to vector<16xi32>
    %shift_right_logical3A_417 = arith.shrui %get3A_414, %shift_right_logical3A_416 : vector<16xi32>
    %shift_left3A_418 = arith.constant 10 : i32
    %shift_left3A_419 = vector.broadcast %shift_left3A_418 : i32 to vector<16xi32>
    %shift_left3A_420 = arith.shli %shift_right_logical3A_417, %shift_left3A_419 : vector<16xi32>
    %and3A_421 = arith.constant 1023 : i32
    %and3A_422 = vector.broadcast %and3A_421 : i32 to vector<16xi32>
    %and3A_423 = arith.andi %get3A_414, %and3A_422 : vector<16xi32>
    %or3A_424 = arith.ori %shift_left3A_420, %and3A_423 : vector<16xi32>
    %swap3A_425 = arith.constant 3 : i32
    %swap3A_426 = arith.index_cast %swap3A_425 : i32 to index
    %swap3A_427 = arith.constant 32 : index
    %swap3A_428 = tpu.vector_load %arg8[%swap3A_426, %swap3A_427] {strides = array<i32>} : memref<4x128xi32, #tpu.memory_space<vmem>>, vector<16xi32>,
    tpu.vector_store %arg8[%swap3A_426, %swap3A_427], %or3A_424 {strides = array<i32>} : memref<4x128xi32, #tpu.memory_space<vmem>>, vector<16xi32>,
    %get3A_429 = arith.constant 432 : index
    %get3A_430 = tpu.vector_load %arg7[%get3A_429] {strides = array<i32>} : memref<512xi32, #tpu.memory_space<vmem>>, vector<16xi32>,
    %shift_right_logical3A_431 = arith.constant 11 : i32
    %shift_right_logical3A_432 = vector.broadcast %shift_right_logical3A_431 : i32 to vector<16xi32>
    %shift_right_logical3A_433 = arith.shrui %get3A_430, %shift_right_logical3A_432 : vector<16xi32>
    %shift_left3A_434 = arith.constant 10 : i32
    %shift_left3A_435 = vector.broadcast %shift_left3A_434 : i32 to vector<16xi32>
    %shift_left3A_436 = arith.shli %shift_right_logical3A_433, %shift_left3A_435 : vector<16xi32>
    %and3A_437 = arith.constant 1023 : i32
    %and3A_438 = vector.broadcast %and3A_437 : i32 to vector<16xi32>
    %and3A_439 = arith.andi %get3A_430, %and3A_438 : vector<16xi32>
    %or3A_440 = arith.ori %shift_left3A_436, %and3A_439 : vector<16xi32>
    %swap3A_441 = arith.constant 3 : i32
    %swap3A_442 = arith.index_cast %swap3A_441 : i32 to index
    %swap3A_443 = arith.constant 48 : index
    %swap3A_444 = tpu.vector_load %arg8[%swap3A_442, %swap3A_443] {strides = array<i32>} : memref<4x128xi32, #tpu.memory_space<vmem>>, vector<16xi32>,
    tpu.vector_store %arg8[%swap3A_442, %swap3A_443], %or3A_440 {strides = array<i32>} : memref<4x128xi32, #tpu.memory_space<vmem>>, vector<16xi32>,
    %get3A_445 = arith.constant 448 : index
    %get3A_446 = tpu.vector_load %arg7[%get3A_445] {strides = array<i32>} : memref<512xi32, #tpu.memory_space<vmem>>, vector<16xi32>,
    %shift_right_logical3A_447 = arith.constant 11 : i32
    %shift_right_logical3A_448 = vector.broadcast %shift_right_logical3A_447 : i32 to vector<16xi32>
    %shift_right_logical3A_449 = arith.shrui %get3A_446, %shift_right_logical3A_448 : vector<16xi32>
    %shift_left3A_450 = arith.constant 10 : i32
    %shift_left3A_451 = vector.broadcast %shift_left3A_450 : i32 to vector<16xi32>
    %shift_left3A_452 = arith.shli %shift_right_logical3A_449, %shift_left3A_451 : vector<16xi32>
    %and3A_453 = arith.constant 1023 : i32
    %and3A_454 = vector.broadcast %and3A_453 : i32 to vector<16xi32>
    %and3A_455 = arith.andi %get3A_446, %and3A_454 : vector<16xi32>
    %or3A_456 = arith.ori %shift_left3A_452, %and3A_455 : vector<16xi32>
    %swap3A_457 = arith.constant 3 : i32
    %swap3A_458 = arith.index_cast %swap3A_457 : i32 to index
    %swap3A_459 = arith.constant 64 : index
    %swap3A_460 = tpu.vector_load %arg8[%swap3A_458, %swap3A_459] {strides = array<i32>} : memref<4x128xi32, #tpu.memory_space<vmem>>, vector<16xi32>,
    tpu.vector_store %arg8[%swap3A_458, %swap3A_459], %or3A_456 {strides = array<i32>} : memref<4x128xi32, #tpu.memory_space<vmem>>, vector<16xi32>,
    %get3A_461 = arith.constant 464 : index
    %get3A_462 = tpu.vector_load %arg7[%get3A_461] {strides = array<i32>} : memref<512xi32, #tpu.memory_space<vmem>>, vector<16xi32>,
    %shift_right_logical3A_463 = arith.constant 11 : i32
    %shift_right_logical3A_464 = vector.broadcast %shift_right_logical3A_463 : i32 to vector<16xi32>
    %shift_right_logical3A_465 = arith.shrui %get3A_462, %shift_right_logical3A_464 : vector<16xi32>
    %shift_left3A_466 = arith.constant 10 : i32
    %shift_left3A_467 = vector.broadcast %shift_left3A_466 : i32 to vector<16xi32>
    %shift_left3A_468 = arith.shli %shift_right_logical3A_465, %shift_left3A_467 : vector<16xi32>
    %and3A_469 = arith.constant 1023 : i32
    %and3A_470 = vector.broadcast %and3A_469 : i32 to vector<16xi32>
    %and3A_471 = arith.andi %get3A_462, %and3A_470 : vector<16xi32>
    %or3A_472 = arith.ori %shift_left3A_468, %and3A_471 : vector<16xi32>
    %swap3A_473 = arith.constant 3 : i32
    %swap3A_474 = arith.index_cast %swap3A_473 : i32 to index
    %swap3A_475 = arith.constant 80 : index
    %swap3A_476 = tpu.vector_load %arg8[%swap3A_474, %swap3A_475] {strides = array<i32>} : memref<4x128xi32, #tpu.memory_space<vmem>>, vector<16xi32>,
    tpu.vector_store %arg8[%swap3A_474, %swap3A_475], %or3A_472 {strides = array<i32>} : memref<4x128xi32, #tpu.memory_space<vmem>>, vector<16xi32>,
    %get3A_477 = arith.constant 480 : index
    %get3A_478 = tpu.vector_load %arg7[%get3A_477] {strides = array<i32>} : memref<512xi32, #tpu.memory_space<vmem>>, vector<16xi32>,
    %shift_right_logical3A_479 = arith.constant 11 : i32
    %shift_right_logical3A_480 = vector.broadcast %shift_right_logical3A_479 : i32 to vector<16xi32>
    %shift_right_logical3A_481 = arith.shrui %get3A_478, %shift_right_logical3A_480 : vector<16xi32>
    %shift_left3A_482 = arith.constant 10 : i32
    %shift_left3A_483 = vector.broadcast %shift_left3A_482 : i32 to vector<16xi32>
    %shift_left3A_484 = arith.shli %shift_right_logical3A_481, %shift_left3A_483 : vector<16xi32>
    %and3A_485 = arith.constant 1023 : i32
    %and3A_486 = vector.broadcast %and3A_485 : i32 to vector<16xi32>
    %and3A_487 = arith.andi %get3A_478, %and3A_486 : vector<16xi32>
    %or3A_488 = arith.ori %shift_left3A_484, %and3A_487 : vector<16xi32>
    %swap3A_489 = arith.constant 3 : i32
    %swap3A_490 = arith.index_cast %swap3A_489 : i32 to index
    %swap3A_491 = arith.constant 96 : index
    %swap3A_492 = tpu.vector_load %arg8[%swap3A_490, %swap3A_491] {strides = array<i32>} : memref<4x128xi32, #tpu.memory_space<vmem>>, vector<16xi32>,
    tpu.vector_store %arg8[%swap3A_490, %swap3A_491], %or3A_488 {strides = array<i32>} : memref<4x128xi32, #tpu.memory_space<vmem>>, vector<16xi32>,
    %get3A_493 = arith.constant 496 : index
    %get3A_494 = tpu.vector_load %arg7[%get3A_493] {strides = array<i32>} : memref<512xi32, #tpu.memory_space<vmem>>, vector<16xi32>,
    %shift_right_logical3A_495 = arith.constant 11 : i32
    %shift_right_logical3A_496 = vector.broadcast %shift_right_logical3A_495 : i32 to vector<16xi32>
    %shift_right_logical3A_497 = arith.shrui %get3A_494, %shift_right_logical3A_496 : vector<16xi32>
    %shift_left3A_498 = arith.constant 10 : i32
    %shift_left3A_499 = vector.broadcast %shift_left3A_498 : i32 to vector<16xi32>
    %shift_left3A_500 = arith.shli %shift_right_logical3A_497, %shift_left3A_499 : vector<16xi32>
    %and3A_501 = arith.constant 1023 : i32
    %and3A_502 = vector.broadcast %and3A_501 : i32 to vector<16xi32>
    %and3A_503 = arith.andi %get3A_494, %and3A_502 : vector<16xi32>
    %or3A_504 = arith.ori %shift_left3A_500, %and3A_503 : vector<16xi32>
    %swap3A_505 = arith.constant 3 : i32
    %swap3A_506 = arith.index_cast %swap3A_505 : i32 to index
    %swap3A_507 = arith.constant 112 : index
    %swap3A_508 = tpu.vector_load %arg8[%swap3A_506, %swap3A_507] {strides = array<i32>} : memref<4x128xi32, #tpu.memory_space<vmem>>, vector<16xi32>,
    tpu.vector_store %arg8[%swap3A_506, %swap3A_507], %or3A_504 {strides = array<i32>} : memref<4x128xi32, #tpu.memory_space<vmem>>, vector<16xi32>,
    %dma_start3A = arith.constant 0 : i32
    %dma_start3A_509 = arith.constant 0 : i32
    %dma_start3A_510 = arith.constant 0 : i32
    %dma_start3A_511 = tpu.memref_slice %arg10[%dma_start3A_509, %dma_start3A_510] : memref<512x128xf32, #tpu.memory_space<vmem>> -> memref<128x128xf32, #tpu.memory_space<vmem>>
    %dma_start3A_512 = arith.constant 0 : i32
    %dma_start3A_513 = tpu.memref_slice %arg8[%dma_start3A, %dma_start3A_512] : memref<4x128xi32, #tpu.memory_space<vmem>> -> memref<1x128xi32, #tpu.memory_space<vmem>>
    %dma_start3A_514 = tpu.memref_squeeze %dma_start3A_513 : memref<1x128xi32, #tpu.memory_space<vmem>> -> memref<128xi32, #tpu.memory_space<vmem>>
    %dma_start3A_515 = arith.constant 0 : i32
    %dma_start3A_516 = arith.constant 0 : i32
    %dma_start3A_517 = tpu.memref_slice %arg2[%dma_start3A_515, %dma_start3A_516] : memref<500736x128xf32, #tpu.memory_space<hbm>> -> memref<500736x128xf32, #tpu.memory_space<hbm>>
    tpu.enqueue_indirect_dma source(%dma_start3A_517 : memref<500736x128xf32, #tpu.memory_space<hbm>>) target(%dma_start3A_511 : memref<128x128xf32, #tpu.memory_space<vmem>>) offsets(%dma_start3A_514 : memref<128xi32, #tpu.memory_space<vmem>>) semaphore(%arg13 : memref<!tpu.dma_semaphore, #tpu.memory_space<semaphore_mem>>)
    %dma_start3A_518 = arith.constant 1 : i32
    %dma_start3A_519 = arith.constant 128 : i32
    %dma_start3A_520 = arith.constant 0 : i32
    %dma_start3A_521 = tpu.memref_slice %arg10[%dma_start3A_519, %dma_start3A_520] : memref<512x128xf32, #tpu.memory_space<vmem>> -> memref<128x128xf32, #tpu.memory_space<vmem>>
    %dma_start3A_522 = arith.constant 0 : i32
    %dma_start3A_523 = tpu.memref_slice %arg8[%dma_start3A_518, %dma_start3A_522] : memref<4x128xi32, #tpu.memory_space<vmem>> -> memref<1x128xi32, #tpu.memory_space<vmem>>
    %dma_start3A_524 = tpu.memref_squeeze %dma_start3A_523 : memref<1x128xi32, #tpu.memory_space<vmem>> -> memref<128xi32, #tpu.memory_space<vmem>>
    %dma_start3A_525 = arith.constant 0 : i32
    %dma_start3A_526 = arith.constant 0 : i32
    %dma_start3A_527 = tpu.memref_slice %arg2[%dma_start3A_525, %dma_start3A_526] : memref<500736x128xf32, #tpu.memory_space<hbm>> -> memref<500736x128xf32, #tpu.memory_space<hbm>>
    tpu.enqueue_indirect_dma source(%dma_start3A_527 : memref<500736x128xf32, #tpu.memory_space<hbm>>) target(%dma_start3A_521 : memref<128x128xf32, #tpu.memory_space<vmem>>) offsets(%dma_start3A_524 : memref<128xi32, #tpu.memory_space<vmem>>) semaphore(%arg13 : memref<!tpu.dma_semaphore, #tpu.memory_space<semaphore_mem>>)
    %dma_start3A_528 = arith.constant 2 : i32
    %dma_start3A_529 = arith.constant 256 : i32
    %dma_start3A_530 = arith.constant 0 : i32
    %dma_start3A_531 = tpu.memref_slice %arg10[%dma_start3A_529, %dma_start3A_530] : memref<512x128xf32, #tpu.memory_space<vmem>> -> memref<128x128xf32, #tpu.memory_space<vmem>>
    %dma_start3A_532 = arith.constant 0 : i32
    %dma_start3A_533 = tpu.memref_slice %arg8[%dma_start3A_528, %dma_start3A_532] : memref<4x128xi32, #tpu.memory_space<vmem>> -> memref<1x128xi32, #tpu.memory_space<vmem>>
    %dma_start3A_534 = tpu.memref_squeeze %dma_start3A_533 : memref<1x128xi32, #tpu.memory_space<vmem>> -> memref<128xi32, #tpu.memory_space<vmem>>
    %dma_start3A_535 = arith.constant 0 : i32
    %dma_start3A_536 = arith.constant 0 : i32
    %dma_start3A_537 = tpu.memref_slice %arg2[%dma_start3A_535, %dma_start3A_536] : memref<500736x128xf32, #tpu.memory_space<hbm>> -> memref<500736x128xf32, #tpu.memory_space<hbm>>
    tpu.enqueue_indirect_dma source(%dma_start3A_537 : memref<500736x128xf32, #tpu.memory_space<hbm>>) target(%dma_start3A_531 : memref<128x128xf32, #tpu.memory_space<vmem>>) offsets(%dma_start3A_534 : memref<128xi32, #tpu.memory_space<vmem>>) semaphore(%arg13 : memref<!tpu.dma_semaphore, #tpu.memory_space<semaphore_mem>>)
    %dma_start3A_538 = arith.constant 3 : i32
    %dma_start3A_539 = arith.constant 384 : i32
    %dma_start3A_540 = arith.constant 0 : i32
    %dma_start3A_541 = tpu.memref_slice %arg10[%dma_start3A_539, %dma_start3A_540] : memref<512x128xf32, #tpu.memory_space<vmem>> -> memref<128x128xf32, #tpu.memory_space<vmem>>
    %dma_start3A_542 = arith.constant 0 : i32
    %dma_start3A_543 = tpu.memref_slice %arg8[%dma_start3A_538, %dma_start3A_542] : memref<4x128xi32, #tpu.memory_space<vmem>> -> memref<1x128xi32, #tpu.memory_space<vmem>>
    %dma_start3A_544 = tpu.memref_squeeze %dma_start3A_543 : memref<1x128xi32, #tpu.memory_space<vmem>> -> memref<128xi32, #tpu.memory_space<vmem>>
    %dma_start3A_545 = arith.constant 0 : i32
    %dma_start3A_546 = arith.constant 0 : i32
    %dma_start3A_547 = tpu.memref_slice %arg2[%dma_start3A_545, %dma_start3A_546] : memref<500736x128xf32, #tpu.memory_space<hbm>> -> memref<500736x128xf32, #tpu.memory_space<hbm>>
    tpu.enqueue_indirect_dma source(%dma_start3A_547 : memref<500736x128xf32, #tpu.memory_space<hbm>>) target(%dma_start3A_541 : memref<128x128xf32, #tpu.memory_space<vmem>>) offsets(%dma_start3A_544 : memref<128xi32, #tpu.memory_space<vmem>>) semaphore(%arg13 : memref<!tpu.dma_semaphore, #tpu.memory_space<semaphore_mem>>)
    "tpu.region"() ({
      %run_scoped3A_592 = tpu.sem_alloc : memref<!tpu.dma_semaphore, #tpu.memory_space<semaphore_mem>>
      %dma_start3A_593 = arith.constant 0 : i32
      %dma_start3A_594 = tpu.memref_slice %arg3[%dma_start3A_593, %mul3A_2] : memref<64x16384xf32, #tpu.memory_space<hbm>> -> memref<64x512xf32, #tpu.memory_space<hbm>>
      %dma_start3A_595 = arith.constant 0 : i32
      %dma_start3A_596 = tpu.memref_slice %arg3[%dma_start3A_595, %mul3A_2] : memref<64x16384xf32, #tpu.memory_space<hbm>> -> memref<64x512xf32, #tpu.memory_space<hbm>>
      tpu.enqueue_dma source(%dma_start3A_596 : memref<64x512xf32, #tpu.memory_space<hbm>>) target(%arg9 : memref<64x512xf32, #tpu.memory_space<vmem>>) target_semaphore(%run_scoped3A_592 : memref<!tpu.dma_semaphore, #tpu.memory_space<semaphore_mem>>)
      %dma_wait3A_597 = arith.constant 0 : i32
      %dma_wait3A_598 = tpu.memref_slice %arg3[%dma_wait3A_597, %mul3A_2] : memref<64x16384xf32, #tpu.memory_space<hbm>> -> memref<64x512xf32, #tpu.memory_space<hbm>>
      %dma_wait3A_599 = arith.constant 0 : i32
      %dma_wait3A_600 = tpu.memref_slice %arg3[%dma_wait3A_599, %mul3A_2] : memref<64x16384xf32, #tpu.memory_space<hbm>> -> memref<64x512xf32, #tpu.memory_space<hbm>>
      tpu.wait_dma2 semaphore(%run_scoped3A_592 : memref<!tpu.dma_semaphore, #tpu.memory_space<semaphore_mem>>) src(%dma_wait3A_600 : memref<64x512xf32, #tpu.memory_space<hbm>>) dst(%arg9 : memref<64x512xf32, #tpu.memory_space<vmem>>)
      tpu.yield
    }) : () -> ()
    "tpu.region"() ({
      %run_scoped3A_592 = tpu.sem_alloc : memref<!tpu.dma_semaphore, #tpu.memory_space<semaphore_mem>>
      %dma_start3A_593 = tpu.memref_slice %arg5[%mul3A_2] : memref<16384xf32, #tpu.memory_space<hbm>> -> memref<512xf32, #tpu.memory_space<hbm>>
      %dma_start3A_594 = tpu.memref_slice %arg5[%mul3A_2] : memref<16384xf32, #tpu.memory_space<hbm>> -> memref<512xf32, #tpu.memory_space<hbm>>
      tpu.enqueue_dma source(%dma_start3A_594 : memref<512xf32, #tpu.memory_space<hbm>>) target(%arg11 : memref<512xf32, #tpu.memory_space<vmem>>) target_semaphore(%run_scoped3A_592 : memref<!tpu.dma_semaphore, #tpu.memory_space<semaphore_mem>>)
      %dma_wait3A_595 = tpu.memref_slice %arg5[%mul3A_2] : memref<16384xf32, #tpu.memory_space<hbm>> -> memref<512xf32, #tpu.memory_space<hbm>>
      %dma_wait3A_596 = tpu.memref_slice %arg5[%mul3A_2] : memref<16384xf32, #tpu.memory_space<hbm>> -> memref<512xf32, #tpu.memory_space<hbm>>
      tpu.wait_dma2 semaphore(%run_scoped3A_592 : memref<!tpu.dma_semaphore, #tpu.memory_space<semaphore_mem>>) src(%dma_wait3A_596 : memref<512xf32, #tpu.memory_space<hbm>>) dst(%arg11 : memref<512xf32, #tpu.memory_space<vmem>>)
      tpu.yield
    }) : () -> ()
    %dma_wait3A = arith.constant 0 : i32
    %dma_wait3A_548 = arith.constant 0 : i32
    %dma_wait3A_549 = arith.constant 0 : i32
    %dma_wait3A_550 = tpu.memref_slice %arg10[%dma_wait3A_548, %dma_wait3A_549] : memref<512x128xf32, #tpu.memory_space<vmem>> -> memref<128x128xf32, #tpu.memory_space<vmem>>
    %dma_wait3A_551 = arith.constant 0 : i32
    %dma_wait3A_552 = tpu.memref_slice %arg8[%dma_wait3A, %dma_wait3A_551] : memref<4x128xi32, #tpu.memory_space<vmem>> -> memref<1x128xi32, #tpu.memory_space<vmem>>
    %dma_wait3A_553 = tpu.memref_squeeze %dma_wait3A_552 : memref<1x128xi32, #tpu.memory_space<vmem>> -> memref<128xi32, #tpu.memory_space<vmem>>
    %dma_wait3A_554 = arith.constant 0 : i32
    %dma_wait3A_555 = arith.constant 0 : i32
    %dma_wait3A_556 = tpu.memref_slice %arg2[%dma_wait3A_554, %dma_wait3A_555] : memref<500736x128xf32, #tpu.memory_space<hbm>> -> memref<500736x128xf32, #tpu.memory_space<hbm>>
    tpu.wait_indirect_dma semaphore(%arg13 : memref<!tpu.dma_semaphore, #tpu.memory_space<semaphore_mem>>) src(%dma_wait3A_556 : memref<500736x128xf32, #tpu.memory_space<hbm>>) dst(%dma_wait3A_550 : memref<128x128xf32, #tpu.memory_space<vmem>>)
    %dma_wait3A_557 = arith.constant 1 : i32
    %dma_wait3A_558 = arith.constant 128 : i32
    %dma_wait3A_559 = arith.constant 0 : i32
    %dma_wait3A_560 = tpu.memref_slice %arg10[%dma_wait3A_558, %dma_wait3A_559] : memref<512x128xf32, #tpu.memory_space<vmem>> -> memref<128x128xf32, #tpu.memory_space<vmem>>
    %dma_wait3A_561 = arith.constant 0 : i32
    %dma_wait3A_562 = tpu.memref_slice %arg8[%dma_wait3A_557, %dma_wait3A_561] : memref<4x128xi32, #tpu.memory_space<vmem>> -> memref<1x128xi32, #tpu.memory_space<vmem>>
    %dma_wait3A_563 = tpu.memref_squeeze %dma_wait3A_562 : memref<1x128xi32, #tpu.memory_space<vmem>> -> memref<128xi32, #tpu.memory_space<vmem>>
    %dma_wait3A_564 = arith.constant 0 : i32
    %dma_wait3A_565 = arith.constant 0 : i32
    %dma_wait3A_566 = tpu.memref_slice %arg2[%dma_wait3A_564, %dma_wait3A_565] : memref<500736x128xf32, #tpu.memory_space<hbm>> -> memref<500736x128xf32, #tpu.memory_space<hbm>>
    tpu.wait_indirect_dma semaphore(%arg13 : memref<!tpu.dma_semaphore, #tpu.memory_space<semaphore_mem>>) src(%dma_wait3A_566 : memref<500736x128xf32, #tpu.memory_space<hbm>>) dst(%dma_wait3A_560 : memref<128x128xf32, #tpu.memory_space<vmem>>)
    %dma_wait3A_567 = arith.constant 2 : i32
    %dma_wait3A_568 = arith.constant 256 : i32
    %dma_wait3A_569 = arith.constant 0 : i32
    %dma_wait3A_570 = tpu.memref_slice %arg10[%dma_wait3A_568, %dma_wait3A_569] : memref<512x128xf32, #tpu.memory_space<vmem>> -> memref<128x128xf32, #tpu.memory_space<vmem>>
    %dma_wait3A_571 = arith.constant 0 : i32
    %dma_wait3A_572 = tpu.memref_slice %arg8[%dma_wait3A_567, %dma_wait3A_571] : memref<4x128xi32, #tpu.memory_space<vmem>> -> memref<1x128xi32, #tpu.memory_space<vmem>>
    %dma_wait3A_573 = tpu.memref_squeeze %dma_wait3A_572 : memref<1x128xi32, #tpu.memory_space<vmem>> -> memref<128xi32, #tpu.memory_space<vmem>>
    %dma_wait3A_574 = arith.constant 0 : i32
    %dma_wait3A_575 = arith.constant 0 : i32
    %dma_wait3A_576 = tpu.memref_slice %arg2[%dma_wait3A_574, %dma_wait3A_575] : memref<500736x128xf32, #tpu.memory_space<hbm>> -> memref<500736x128xf32, #tpu.memory_space<hbm>>
    tpu.wait_indirect_dma semaphore(%arg13 : memref<!tpu.dma_semaphore, #tpu.memory_space<semaphore_mem>>) src(%dma_wait3A_576 : memref<500736x128xf32, #tpu.memory_space<hbm>>) dst(%dma_wait3A_570 : memref<128x128xf32, #tpu.memory_space<vmem>>)
    %dma_wait3A_577 = arith.constant 3 : i32
    %dma_wait3A_578 = arith.constant 384 : i32
    %dma_wait3A_579 = arith.constant 0 : i32
    %dma_wait3A_580 = tpu.memref_slice %arg10[%dma_wait3A_578, %dma_wait3A_579] : memref<512x128xf32, #tpu.memory_space<vmem>> -> memref<128x128xf32, #tpu.memory_space<vmem>>
    %dma_wait3A_581 = arith.constant 0 : i32
    %dma_wait3A_582 = tpu.memref_slice %arg8[%dma_wait3A_577, %dma_wait3A_581] : memref<4x128xi32, #tpu.memory_space<vmem>> -> memref<1x128xi32, #tpu.memory_space<vmem>>
    %dma_wait3A_583 = tpu.memref_squeeze %dma_wait3A_582 : memref<1x128xi32, #tpu.memory_space<vmem>> -> memref<128xi32, #tpu.memory_space<vmem>>
    %dma_wait3A_584 = arith.constant 0 : i32
    %dma_wait3A_585 = arith.constant 0 : i32
    %dma_wait3A_586 = tpu.memref_slice %arg2[%dma_wait3A_584, %dma_wait3A_585] : memref<500736x128xf32, #tpu.memory_space<hbm>> -> memref<500736x128xf32, #tpu.memory_space<hbm>>
    tpu.wait_indirect_dma semaphore(%arg13 : memref<!tpu.dma_semaphore, #tpu.memory_space<semaphore_mem>>) src(%dma_wait3A_586 : memref<500736x128xf32, #tpu.memory_space<hbm>>) dst(%dma_wait3A_580 : memref<128x128xf32, #tpu.memory_space<vmem>>)
    %scan3A = arith.constant 0 : i32
    %scan3A_587 = arith.constant 32 : i32
    %scan3A_588 = arith.addi %scan3A, %scan3A_587 : i32
    %scan3A_589 = arith.constant 1 : i32
    scf.for %scan3A_592 = %scan3A to %scan3A_588 step %scan3A_589  : i32 {
      %mul3A_593 = arith.constant 16 : i32
      %mul3A_594 = arith.muli %scan3A_592, %mul3A_593 : i32
      %add3A_595 = vector.broadcast %mul3A_594 : i32 to vector<16xi32>
      %add3A_596 = arith.addi %add3A_595, %iota3A : vector<16xi32>
      %get3A_597 = arith.index_cast %mul3A_594 : i32 to index
      %get3A_598 = tpu.vector_load %arg7[%get3A_597] {strides = array<i32>} : memref<512xi32, #tpu.memory_space<vmem>>, vector<16xi32>,
      %shift_right_logical3A_599 = arith.constant 10 : i32
      %shift_right_logical3A_600 = vector.broadcast %shift_right_logical3A_599 : i32 to vector<16xi32>
      %shift_right_logical3A_601 = arith.shrui %get3A_598, %shift_right_logical3A_600 : vector<16xi32>
      %and3A_602 = arith.constant 1 : i32
      %and3A_603 = vector.broadcast %and3A_602 : i32 to vector<16xi32>
      %and3A_604 = arith.andi %shift_right_logical3A_601, %and3A_603 : vector<16xi32>
      %mul3A_605 = arith.constant 64 : i32
      %mul3A_606 = vector.broadcast %mul3A_605 : i32 to vector<16xi32>
      %mul3A_607 = arith.muli %and3A_604, %mul3A_606 : vector<16xi32>
      %broadcast_in_dim3A = arith.constant 0.000000e+00 : f32
      %broadcast_in_dim3A_608 = vector.broadcast %broadcast_in_dim3A : f32 to vector<16xf32>
      %broadcast_in_dim3A_609 = arith.constant 0.000000e+00 : f32
      %broadcast_in_dim3A_610 = vector.broadcast %broadcast_in_dim3A_609 : f32 to vector<16xf32>
      %add3A_611 = arith.constant 0 : i32
      %add3A_612 = vector.broadcast %add3A_611 : i32 to vector<16xi32>
      %add3A_613 = arith.addi %mul3A_607, %add3A_612 : vector<16xi32>
      %gather3A = tpu.vector_load_idx %arg10[%add3A_596, %add3A_613] : memref<512x128xf32, #tpu.memory_space<vmem>>[vector<16xi32>, vector<16xi32>], vector<16xf32>,
      %get3A_614 = arith.constant 0 : i32
      %get3A_615 = arith.index_cast %get3A_614 : i32 to index
      %get3A_616 = arith.index_cast %mul3A_594 : i32 to index
      %get3A_617 = tpu.vector_load %arg9[%get3A_615, %get3A_616] {strides = array<i32>} : memref<64x512xf32, #tpu.memory_space<vmem>>, vector<16xf32>,
      %mul3A_618 = arith.mulf %gather3A, %get3A_617 : vector<16xf32>
      %add3A_619 = arith.addf %broadcast_in_dim3A_608, %mul3A_618 : vector<16xf32>
      %mul3A_620 = arith.mulf %get3A_617, %get3A_617 : vector<16xf32>
      %add3A_621 = arith.addf %broadcast_in_dim3A_610, %mul3A_620 : vector<16xf32>
      %add3A_622 = arith.constant 1 : i32
      %add3A_623 = vector.broadcast %add3A_622 : i32 to vector<16xi32>
      %add3A_624 = arith.addi %mul3A_607, %add3A_623 : vector<16xi32>
      %gather3A_625 = tpu.vector_load_idx %arg10[%add3A_596, %add3A_624] : memref<512x128xf32, #tpu.memory_space<vmem>>[vector<16xi32>, vector<16xi32>], vector<16xf32>,
      %get3A_626 = arith.constant 1 : i32
      %get3A_627 = arith.index_cast %get3A_626 : i32 to index
      %get3A_628 = arith.index_cast %mul3A_594 : i32 to index
      %get3A_629 = tpu.vector_load %arg9[%get3A_627, %get3A_628] {strides = array<i32>} : memref<64x512xf32, #tpu.memory_space<vmem>>, vector<16xf32>,
      %mul3A_630 = arith.mulf %gather3A_625, %get3A_629 : vector<16xf32>
      %add3A_631 = arith.addf %add3A_619, %mul3A_630 : vector<16xf32>
      %mul3A_632 = arith.mulf %get3A_629, %get3A_629 : vector<16xf32>
      %add3A_633 = arith.addf %add3A_621, %mul3A_632 : vector<16xf32>
      %add3A_634 = arith.constant 2 : i32
      %add3A_635 = vector.broadcast %add3A_634 : i32 to vector<16xi32>
      %add3A_636 = arith.addi %mul3A_607, %add3A_635 : vector<16xi32>
      %gather3A_637 = tpu.vector_load_idx %arg10[%add3A_596, %add3A_636] : memref<512x128xf32, #tpu.memory_space<vmem>>[vector<16xi32>, vector<16xi32>], vector<16xf32>,
      %get3A_638 = arith.constant 2 : i32
      %get3A_639 = arith.index_cast %get3A_638 : i32 to index
      %get3A_640 = arith.index_cast %mul3A_594 : i32 to index
      %get3A_641 = tpu.vector_load %arg9[%get3A_639, %get3A_640] {strides = array<i32>} : memref<64x512xf32, #tpu.memory_space<vmem>>, vector<16xf32>,
      %mul3A_642 = arith.mulf %gather3A_637, %get3A_641 : vector<16xf32>
      %add3A_643 = arith.addf %add3A_631, %mul3A_642 : vector<16xf32>
      %mul3A_644 = arith.mulf %get3A_641, %get3A_641 : vector<16xf32>
      %add3A_645 = arith.addf %add3A_633, %mul3A_644 : vector<16xf32>
      %add3A_646 = arith.constant 3 : i32
      %add3A_647 = vector.broadcast %add3A_646 : i32 to vector<16xi32>
      %add3A_648 = arith.addi %mul3A_607, %add3A_647 : vector<16xi32>
      %gather3A_649 = tpu.vector_load_idx %arg10[%add3A_596, %add3A_648] : memref<512x128xf32, #tpu.memory_space<vmem>>[vector<16xi32>, vector<16xi32>], vector<16xf32>,
      %get3A_650 = arith.constant 3 : i32
      %get3A_651 = arith.index_cast %get3A_650 : i32 to index
      %get3A_652 = arith.index_cast %mul3A_594 : i32 to index
      %get3A_653 = tpu.vector_load %arg9[%get3A_651, %get3A_652] {strides = array<i32>} : memref<64x512xf32, #tpu.memory_space<vmem>>, vector<16xf32>,
      %mul3A_654 = arith.mulf %gather3A_649, %get3A_653 : vector<16xf32>
      %add3A_655 = arith.addf %add3A_643, %mul3A_654 : vector<16xf32>
      %mul3A_656 = arith.mulf %get3A_653, %get3A_653 : vector<16xf32>
      %add3A_657 = arith.addf %add3A_645, %mul3A_656 : vector<16xf32>
      %add3A_658 = arith.constant 4 : i32
      %add3A_659 = vector.broadcast %add3A_658 : i32 to vector<16xi32>
      %add3A_660 = arith.addi %mul3A_607, %add3A_659 : vector<16xi32>
      %gather3A_661 = tpu.vector_load_idx %arg10[%add3A_596, %add3A_660] : memref<512x128xf32, #tpu.memory_space<vmem>>[vector<16xi32>, vector<16xi32>], vector<16xf32>,
      %get3A_662 = arith.constant 4 : i32
      %get3A_663 = arith.index_cast %get3A_662 : i32 to index
      %get3A_664 = arith.index_cast %mul3A_594 : i32 to index
      %get3A_665 = tpu.vector_load %arg9[%get3A_663, %get3A_664] {strides = array<i32>} : memref<64x512xf32, #tpu.memory_space<vmem>>, vector<16xf32>,
      %mul3A_666 = arith.mulf %gather3A_661, %get3A_665 : vector<16xf32>
      %add3A_667 = arith.addf %add3A_655, %mul3A_666 : vector<16xf32>
      %mul3A_668 = arith.mulf %get3A_665, %get3A_665 : vector<16xf32>
      %add3A_669 = arith.addf %add3A_657, %mul3A_668 : vector<16xf32>
      %add3A_670 = arith.constant 5 : i32
      %add3A_671 = vector.broadcast %add3A_670 : i32 to vector<16xi32>
      %add3A_672 = arith.addi %mul3A_607, %add3A_671 : vector<16xi32>
      %gather3A_673 = tpu.vector_load_idx %arg10[%add3A_596, %add3A_672] : memref<512x128xf32, #tpu.memory_space<vmem>>[vector<16xi32>, vector<16xi32>], vector<16xf32>,
      %get3A_674 = arith.constant 5 : i32
      %get3A_675 = arith.index_cast %get3A_674 : i32 to index
      %get3A_676 = arith.index_cast %mul3A_594 : i32 to index
      %get3A_677 = tpu.vector_load %arg9[%get3A_675, %get3A_676] {strides = array<i32>} : memref<64x512xf32, #tpu.memory_space<vmem>>, vector<16xf32>,
      %mul3A_678 = arith.mulf %gather3A_673, %get3A_677 : vector<16xf32>
      %add3A_679 = arith.addf %add3A_667, %mul3A_678 : vector<16xf32>
      %mul3A_680 = arith.mulf %get3A_677, %get3A_677 : vector<16xf32>
      %add3A_681 = arith.addf %add3A_669, %mul3A_680 : vector<16xf32>
      %add3A_682 = arith.constant 6 : i32
      %add3A_683 = vector.broadcast %add3A_682 : i32 to vector<16xi32>
      %add3A_684 = arith.addi %mul3A_607, %add3A_683 : vector<16xi32>
      %gather3A_685 = tpu.vector_load_idx %arg10[%add3A_596, %add3A_684] : memref<512x128xf32, #tpu.memory_space<vmem>>[vector<16xi32>, vector<16xi32>], vector<16xf32>,
      %get3A_686 = arith.constant 6 : i32
      %get3A_687 = arith.index_cast %get3A_686 : i32 to index
      %get3A_688 = arith.index_cast %mul3A_594 : i32 to index
      %get3A_689 = tpu.vector_load %arg9[%get3A_687, %get3A_688] {strides = array<i32>} : memref<64x512xf32, #tpu.memory_space<vmem>>, vector<16xf32>,
      %mul3A_690 = arith.mulf %gather3A_685, %get3A_689 : vector<16xf32>
      %add3A_691 = arith.addf %add3A_679, %mul3A_690 : vector<16xf32>
      %mul3A_692 = arith.mulf %get3A_689, %get3A_689 : vector<16xf32>
      %add3A_693 = arith.addf %add3A_681, %mul3A_692 : vector<16xf32>
      %add3A_694 = arith.constant 7 : i32
      %add3A_695 = vector.broadcast %add3A_694 : i32 to vector<16xi32>
      %add3A_696 = arith.addi %mul3A_607, %add3A_695 : vector<16xi32>
      %gather3A_697 = tpu.vector_load_idx %arg10[%add3A_596, %add3A_696] : memref<512x128xf32, #tpu.memory_space<vmem>>[vector<16xi32>, vector<16xi32>], vector<16xf32>,
      %get3A_698 = arith.constant 7 : i32
      %get3A_699 = arith.index_cast %get3A_698 : i32 to index
      %get3A_700 = arith.index_cast %mul3A_594 : i32 to index
      %get3A_701 = tpu.vector_load %arg9[%get3A_699, %get3A_700] {strides = array<i32>} : memref<64x512xf32, #tpu.memory_space<vmem>>, vector<16xf32>,
      %mul3A_702 = arith.mulf %gather3A_697, %get3A_701 : vector<16xf32>
      %add3A_703 = arith.addf %add3A_691, %mul3A_702 : vector<16xf32>
      %mul3A_704 = arith.mulf %get3A_701, %get3A_701 : vector<16xf32>
      %add3A_705 = arith.addf %add3A_693, %mul3A_704 : vector<16xf32>
      %add3A_706 = arith.constant 8 : i32
      %add3A_707 = vector.broadcast %add3A_706 : i32 to vector<16xi32>
      %add3A_708 = arith.addi %mul3A_607, %add3A_707 : vector<16xi32>
      %gather3A_709 = tpu.vector_load_idx %arg10[%add3A_596, %add3A_708] : memref<512x128xf32, #tpu.memory_space<vmem>>[vector<16xi32>, vector<16xi32>], vector<16xf32>,
      %get3A_710 = arith.constant 8 : i32
      %get3A_711 = arith.index_cast %get3A_710 : i32 to index
      %get3A_712 = arith.index_cast %mul3A_594 : i32 to index
      %get3A_713 = tpu.vector_load %arg9[%get3A_711, %get3A_712] {strides = array<i32>} : memref<64x512xf32, #tpu.memory_space<vmem>>, vector<16xf32>,
      %mul3A_714 = arith.mulf %gather3A_709, %get3A_713 : vector<16xf32>
      %add3A_715 = arith.addf %add3A_703, %mul3A_714 : vector<16xf32>
      %mul3A_716 = arith.mulf %get3A_713, %get3A_713 : vector<16xf32>
      %add3A_717 = arith.addf %add3A_705, %mul3A_716 : vector<16xf32>
      %add3A_718 = arith.constant 9 : i32
      %add3A_719 = vector.broadcast %add3A_718 : i32 to vector<16xi32>
      %add3A_720 = arith.addi %mul3A_607, %add3A_719 : vector<16xi32>
      %gather3A_721 = tpu.vector_load_idx %arg10[%add3A_596, %add3A_720] : memref<512x128xf32, #tpu.memory_space<vmem>>[vector<16xi32>, vector<16xi32>], vector<16xf32>,
      %get3A_722 = arith.constant 9 : i32
      %get3A_723 = arith.index_cast %get3A_722 : i32 to index
      %get3A_724 = arith.index_cast %mul3A_594 : i32 to index
      %get3A_725 = tpu.vector_load %arg9[%get3A_723, %get3A_724] {strides = array<i32>} : memref<64x512xf32, #tpu.memory_space<vmem>>, vector<16xf32>,
      %mul3A_726 = arith.mulf %gather3A_721, %get3A_725 : vector<16xf32>
      %add3A_727 = arith.addf %add3A_715, %mul3A_726 : vector<16xf32>
      %mul3A_728 = arith.mulf %get3A_725, %get3A_725 : vector<16xf32>
      %add3A_729 = arith.addf %add3A_717, %mul3A_728 : vector<16xf32>
      %add3A_730 = arith.constant 10 : i32
      %add3A_731 = vector.broadcast %add3A_730 : i32 to vector<16xi32>
      %add3A_732 = arith.addi %mul3A_607, %add3A_731 : vector<16xi32>
      %gather3A_733 = tpu.vector_load_idx %arg10[%add3A_596, %add3A_732] : memref<512x128xf32, #tpu.memory_space<vmem>>[vector<16xi32>, vector<16xi32>], vector<16xf32>,
      %get3A_734 = arith.constant 10 : i32
      %get3A_735 = arith.index_cast %get3A_734 : i32 to index
      %get3A_736 = arith.index_cast %mul3A_594 : i32 to index
      %get3A_737 = tpu.vector_load %arg9[%get3A_735, %get3A_736] {strides = array<i32>} : memref<64x512xf32, #tpu.memory_space<vmem>>, vector<16xf32>,
      %mul3A_738 = arith.mulf %gather3A_733, %get3A_737 : vector<16xf32>
      %add3A_739 = arith.addf %add3A_727, %mul3A_738 : vector<16xf32>
      %mul3A_740 = arith.mulf %get3A_737, %get3A_737 : vector<16xf32>
      %add3A_741 = arith.addf %add3A_729, %mul3A_740 : vector<16xf32>
      %add3A_742 = arith.constant 11 : i32
      %add3A_743 = vector.broadcast %add3A_742 : i32 to vector<16xi32>
      %add3A_744 = arith.addi %mul3A_607, %add3A_743 : vector<16xi32>
      %gather3A_745 = tpu.vector_load_idx %arg10[%add3A_596, %add3A_744] : memref<512x128xf32, #tpu.memory_space<vmem>>[vector<16xi32>, vector<16xi32>], vector<16xf32>,
      %get3A_746 = arith.constant 11 : i32
      %get3A_747 = arith.index_cast %get3A_746 : i32 to index
      %get3A_748 = arith.index_cast %mul3A_594 : i32 to index
      %get3A_749 = tpu.vector_load %arg9[%get3A_747, %get3A_748] {strides = array<i32>} : memref<64x512xf32, #tpu.memory_space<vmem>>, vector<16xf32>,
      %mul3A_750 = arith.mulf %gather3A_745, %get3A_749 : vector<16xf32>
      %add3A_751 = arith.addf %add3A_739, %mul3A_750 : vector<16xf32>
      %mul3A_752 = arith.mulf %get3A_749, %get3A_749 : vector<16xf32>
      %add3A_753 = arith.addf %add3A_741, %mul3A_752 : vector<16xf32>
      %add3A_754 = arith.constant 12 : i32
      %add3A_755 = vector.broadcast %add3A_754 : i32 to vector<16xi32>
      %add3A_756 = arith.addi %mul3A_607, %add3A_755 : vector<16xi32>
      %gather3A_757 = tpu.vector_load_idx %arg10[%add3A_596, %add3A_756] : memref<512x128xf32, #tpu.memory_space<vmem>>[vector<16xi32>, vector<16xi32>], vector<16xf32>,
      %get3A_758 = arith.constant 12 : i32
      %get3A_759 = arith.index_cast %get3A_758 : i32 to index
      %get3A_760 = arith.index_cast %mul3A_594 : i32 to index
      %get3A_761 = tpu.vector_load %arg9[%get3A_759, %get3A_760] {strides = array<i32>} : memref<64x512xf32, #tpu.memory_space<vmem>>, vector<16xf32>,
      %mul3A_762 = arith.mulf %gather3A_757, %get3A_761 : vector<16xf32>
      %add3A_763 = arith.addf %add3A_751, %mul3A_762 : vector<16xf32>
      %mul3A_764 = arith.mulf %get3A_761, %get3A_761 : vector<16xf32>
      %add3A_765 = arith.addf %add3A_753, %mul3A_764 : vector<16xf32>
      %add3A_766 = arith.constant 13 : i32
      %add3A_767 = vector.broadcast %add3A_766 : i32 to vector<16xi32>
      %add3A_768 = arith.addi %mul3A_607, %add3A_767 : vector<16xi32>
      %gather3A_769 = tpu.vector_load_idx %arg10[%add3A_596, %add3A_768] : memref<512x128xf32, #tpu.memory_space<vmem>>[vector<16xi32>, vector<16xi32>], vector<16xf32>,
      %get3A_770 = arith.constant 13 : i32
      %get3A_771 = arith.index_cast %get3A_770 : i32 to index
      %get3A_772 = arith.index_cast %mul3A_594 : i32 to index
      %get3A_773 = tpu.vector_load %arg9[%get3A_771, %get3A_772] {strides = array<i32>} : memref<64x512xf32, #tpu.memory_space<vmem>>, vector<16xf32>,
      %mul3A_774 = arith.mulf %gather3A_769, %get3A_773 : vector<16xf32>
      %add3A_775 = arith.addf %add3A_763, %mul3A_774 : vector<16xf32>
      %mul3A_776 = arith.mulf %get3A_773, %get3A_773 : vector<16xf32>
      %add3A_777 = arith.addf %add3A_765, %mul3A_776 : vector<16xf32>
      %add3A_778 = arith.constant 14 : i32
      %add3A_779 = vector.broadcast %add3A_778 : i32 to vector<16xi32>
      %add3A_780 = arith.addi %mul3A_607, %add3A_779 : vector<16xi32>
      %gather3A_781 = tpu.vector_load_idx %arg10[%add3A_596, %add3A_780] : memref<512x128xf32, #tpu.memory_space<vmem>>[vector<16xi32>, vector<16xi32>], vector<16xf32>,
      %get3A_782 = arith.constant 14 : i32
      %get3A_783 = arith.index_cast %get3A_782 : i32 to index
      %get3A_784 = arith.index_cast %mul3A_594 : i32 to index
      %get3A_785 = tpu.vector_load %arg9[%get3A_783, %get3A_784] {strides = array<i32>} : memref<64x512xf32, #tpu.memory_space<vmem>>, vector<16xf32>,
      %mul3A_786 = arith.mulf %gather3A_781, %get3A_785 : vector<16xf32>
      %add3A_787 = arith.addf %add3A_775, %mul3A_786 : vector<16xf32>
      %mul3A_788 = arith.mulf %get3A_785, %get3A_785 : vector<16xf32>
      %add3A_789 = arith.addf %add3A_777, %mul3A_788 : vector<16xf32>
      %add3A_790 = arith.constant 15 : i32
      %add3A_791 = vector.broadcast %add3A_790 : i32 to vector<16xi32>
      %add3A_792 = arith.addi %mul3A_607, %add3A_791 : vector<16xi32>
      %gather3A_793 = tpu.vector_load_idx %arg10[%add3A_596, %add3A_792] : memref<512x128xf32, #tpu.memory_space<vmem>>[vector<16xi32>, vector<16xi32>], vector<16xf32>,
      %get3A_794 = arith.constant 15 : i32
      %get3A_795 = arith.index_cast %get3A_794 : i32 to index
      %get3A_796 = arith.index_cast %mul3A_594 : i32 to index
      %get3A_797 = tpu.vector_load %arg9[%get3A_795, %get3A_796] {strides = array<i32>} : memref<64x512xf32, #tpu.memory_space<vmem>>, vector<16xf32>,
      %mul3A_798 = arith.mulf %gather3A_793, %get3A_797 : vector<16xf32>
      %add3A_799 = arith.addf %add3A_787, %mul3A_798 : vector<16xf32>
      %mul3A_800 = arith.mulf %get3A_797, %get3A_797 : vector<16xf32>
      %add3A_801 = arith.addf %add3A_789, %mul3A_800 : vector<16xf32>
      %add3A_802 = arith.constant 16 : i32
      %add3A_803 = vector.broadcast %add3A_802 : i32 to vector<16xi32>
      %add3A_804 = arith.addi %mul3A_607, %add3A_803 : vector<16xi32>
      %gather3A_805 = tpu.vector_load_idx %arg10[%add3A_596, %add3A_804] : memref<512x128xf32, #tpu.memory_space<vmem>>[vector<16xi32>, vector<16xi32>], vector<16xf32>,
      %get3A_806 = arith.constant 16 : i32
      %get3A_807 = arith.index_cast %get3A_806 : i32 to index
      %get3A_808 = arith.index_cast %mul3A_594 : i32 to index
      %get3A_809 = tpu.vector_load %arg9[%get3A_807, %get3A_808] {strides = array<i32>} : memref<64x512xf32, #tpu.memory_space<vmem>>, vector<16xf32>,
      %mul3A_810 = arith.mulf %gather3A_805, %get3A_809 : vector<16xf32>
      %add3A_811 = arith.addf %add3A_799, %mul3A_810 : vector<16xf32>
      %mul3A_812 = arith.mulf %get3A_809, %get3A_809 : vector<16xf32>
      %add3A_813 = arith.addf %add3A_801, %mul3A_812 : vector<16xf32>
      %add3A_814 = arith.constant 17 : i32
      %add3A_815 = vector.broadcast %add3A_814 : i32 to vector<16xi32>
      %add3A_816 = arith.addi %mul3A_607, %add3A_815 : vector<16xi32>
      %gather3A_817 = tpu.vector_load_idx %arg10[%add3A_596, %add3A_816] : memref<512x128xf32, #tpu.memory_space<vmem>>[vector<16xi32>, vector<16xi32>], vector<16xf32>,
      %get3A_818 = arith.constant 17 : i32
      %get3A_819 = arith.index_cast %get3A_818 : i32 to index
      %get3A_820 = arith.index_cast %mul3A_594 : i32 to index
      %get3A_821 = tpu.vector_load %arg9[%get3A_819, %get3A_820] {strides = array<i32>} : memref<64x512xf32, #tpu.memory_space<vmem>>, vector<16xf32>,
      %mul3A_822 = arith.mulf %gather3A_817, %get3A_821 : vector<16xf32>
      %add3A_823 = arith.addf %add3A_811, %mul3A_822 : vector<16xf32>
      %mul3A_824 = arith.mulf %get3A_821, %get3A_821 : vector<16xf32>
      %add3A_825 = arith.addf %add3A_813, %mul3A_824 : vector<16xf32>
      %add3A_826 = arith.constant 18 : i32
      %add3A_827 = vector.broadcast %add3A_826 : i32 to vector<16xi32>
      %add3A_828 = arith.addi %mul3A_607, %add3A_827 : vector<16xi32>
      %gather3A_829 = tpu.vector_load_idx %arg10[%add3A_596, %add3A_828] : memref<512x128xf32, #tpu.memory_space<vmem>>[vector<16xi32>, vector<16xi32>], vector<16xf32>,
      %get3A_830 = arith.constant 18 : i32
      %get3A_831 = arith.index_cast %get3A_830 : i32 to index
      %get3A_832 = arith.index_cast %mul3A_594 : i32 to index
      %get3A_833 = tpu.vector_load %arg9[%get3A_831, %get3A_832] {strides = array<i32>} : memref<64x512xf32, #tpu.memory_space<vmem>>, vector<16xf32>,
      %mul3A_834 = arith.mulf %gather3A_829, %get3A_833 : vector<16xf32>
      %add3A_835 = arith.addf %add3A_823, %mul3A_834 : vector<16xf32>
      %mul3A_836 = arith.mulf %get3A_833, %get3A_833 : vector<16xf32>
      %add3A_837 = arith.addf %add3A_825, %mul3A_836 : vector<16xf32>
      %add3A_838 = arith.constant 19 : i32
      %add3A_839 = vector.broadcast %add3A_838 : i32 to vector<16xi32>
      %add3A_840 = arith.addi %mul3A_607, %add3A_839 : vector<16xi32>
      %gather3A_841 = tpu.vector_load_idx %arg10[%add3A_596, %add3A_840] : memref<512x128xf32, #tpu.memory_space<vmem>>[vector<16xi32>, vector<16xi32>], vector<16xf32>,
      %get3A_842 = arith.constant 19 : i32
      %get3A_843 = arith.index_cast %get3A_842 : i32 to index
      %get3A_844 = arith.index_cast %mul3A_594 : i32 to index
      %get3A_845 = tpu.vector_load %arg9[%get3A_843, %get3A_844] {strides = array<i32>} : memref<64x512xf32, #tpu.memory_space<vmem>>, vector<16xf32>,
      %mul3A_846 = arith.mulf %gather3A_841, %get3A_845 : vector<16xf32>
      %add3A_847 = arith.addf %add3A_835, %mul3A_846 : vector<16xf32>
      %mul3A_848 = arith.mulf %get3A_845, %get3A_845 : vector<16xf32>
      %add3A_849 = arith.addf %add3A_837, %mul3A_848 : vector<16xf32>
      %add3A_850 = arith.constant 20 : i32
      %add3A_851 = vector.broadcast %add3A_850 : i32 to vector<16xi32>
      %add3A_852 = arith.addi %mul3A_607, %add3A_851 : vector<16xi32>
      %gather3A_853 = tpu.vector_load_idx %arg10[%add3A_596, %add3A_852] : memref<512x128xf32, #tpu.memory_space<vmem>>[vector<16xi32>, vector<16xi32>], vector<16xf32>,
      %get3A_854 = arith.constant 20 : i32
      %get3A_855 = arith.index_cast %get3A_854 : i32 to index
      %get3A_856 = arith.index_cast %mul3A_594 : i32 to index
      %get3A_857 = tpu.vector_load %arg9[%get3A_855, %get3A_856] {strides = array<i32>} : memref<64x512xf32, #tpu.memory_space<vmem>>, vector<16xf32>,
      %mul3A_858 = arith.mulf %gather3A_853, %get3A_857 : vector<16xf32>
      %add3A_859 = arith.addf %add3A_847, %mul3A_858 : vector<16xf32>
      %mul3A_860 = arith.mulf %get3A_857, %get3A_857 : vector<16xf32>
      %add3A_861 = arith.addf %add3A_849, %mul3A_860 : vector<16xf32>
      %add3A_862 = arith.constant 21 : i32
      %add3A_863 = vector.broadcast %add3A_862 : i32 to vector<16xi32>
      %add3A_864 = arith.addi %mul3A_607, %add3A_863 : vector<16xi32>
      %gather3A_865 = tpu.vector_load_idx %arg10[%add3A_596, %add3A_864] : memref<512x128xf32, #tpu.memory_space<vmem>>[vector<16xi32>, vector<16xi32>], vector<16xf32>,
      %get3A_866 = arith.constant 21 : i32
      %get3A_867 = arith.index_cast %get3A_866 : i32 to index
      %get3A_868 = arith.index_cast %mul3A_594 : i32 to index
      %get3A_869 = tpu.vector_load %arg9[%get3A_867, %get3A_868] {strides = array<i32>} : memref<64x512xf32, #tpu.memory_space<vmem>>, vector<16xf32>,
      %mul3A_870 = arith.mulf %gather3A_865, %get3A_869 : vector<16xf32>
      %add3A_871 = arith.addf %add3A_859, %mul3A_870 : vector<16xf32>
      %mul3A_872 = arith.mulf %get3A_869, %get3A_869 : vector<16xf32>
      %add3A_873 = arith.addf %add3A_861, %mul3A_872 : vector<16xf32>
      %add3A_874 = arith.constant 22 : i32
      %add3A_875 = vector.broadcast %add3A_874 : i32 to vector<16xi32>
      %add3A_876 = arith.addi %mul3A_607, %add3A_875 : vector<16xi32>
      %gather3A_877 = tpu.vector_load_idx %arg10[%add3A_596, %add3A_876] : memref<512x128xf32, #tpu.memory_space<vmem>>[vector<16xi32>, vector<16xi32>], vector<16xf32>,
      %get3A_878 = arith.constant 22 : i32
      %get3A_879 = arith.index_cast %get3A_878 : i32 to index
      %get3A_880 = arith.index_cast %mul3A_594 : i32 to index
      %get3A_881 = tpu.vector_load %arg9[%get3A_879, %get3A_880] {strides = array<i32>} : memref<64x512xf32, #tpu.memory_space<vmem>>, vector<16xf32>,
      %mul3A_882 = arith.mulf %gather3A_877, %get3A_881 : vector<16xf32>
      %add3A_883 = arith.addf %add3A_871, %mul3A_882 : vector<16xf32>
      %mul3A_884 = arith.mulf %get3A_881, %get3A_881 : vector<16xf32>
      %add3A_885 = arith.addf %add3A_873, %mul3A_884 : vector<16xf32>
      %add3A_886 = arith.constant 23 : i32
      %add3A_887 = vector.broadcast %add3A_886 : i32 to vector<16xi32>
      %add3A_888 = arith.addi %mul3A_607, %add3A_887 : vector<16xi32>
      %gather3A_889 = tpu.vector_load_idx %arg10[%add3A_596, %add3A_888] : memref<512x128xf32, #tpu.memory_space<vmem>>[vector<16xi32>, vector<16xi32>], vector<16xf32>,
      %get3A_890 = arith.constant 23 : i32
      %get3A_891 = arith.index_cast %get3A_890 : i32 to index
      %get3A_892 = arith.index_cast %mul3A_594 : i32 to index
      %get3A_893 = tpu.vector_load %arg9[%get3A_891, %get3A_892] {strides = array<i32>} : memref<64x512xf32, #tpu.memory_space<vmem>>, vector<16xf32>,
      %mul3A_894 = arith.mulf %gather3A_889, %get3A_893 : vector<16xf32>
      %add3A_895 = arith.addf %add3A_883, %mul3A_894 : vector<16xf32>
      %mul3A_896 = arith.mulf %get3A_893, %get3A_893 : vector<16xf32>
      %add3A_897 = arith.addf %add3A_885, %mul3A_896 : vector<16xf32>
      %add3A_898 = arith.constant 24 : i32
      %add3A_899 = vector.broadcast %add3A_898 : i32 to vector<16xi32>
      %add3A_900 = arith.addi %mul3A_607, %add3A_899 : vector<16xi32>
      %gather3A_901 = tpu.vector_load_idx %arg10[%add3A_596, %add3A_900] : memref<512x128xf32, #tpu.memory_space<vmem>>[vector<16xi32>, vector<16xi32>], vector<16xf32>,
      %get3A_902 = arith.constant 24 : i32
      %get3A_903 = arith.index_cast %get3A_902 : i32 to index
      %get3A_904 = arith.index_cast %mul3A_594 : i32 to index
      %get3A_905 = tpu.vector_load %arg9[%get3A_903, %get3A_904] {strides = array<i32>} : memref<64x512xf32, #tpu.memory_space<vmem>>, vector<16xf32>,
      %mul3A_906 = arith.mulf %gather3A_901, %get3A_905 : vector<16xf32>
      %add3A_907 = arith.addf %add3A_895, %mul3A_906 : vector<16xf32>
      %mul3A_908 = arith.mulf %get3A_905, %get3A_905 : vector<16xf32>
      %add3A_909 = arith.addf %add3A_897, %mul3A_908 : vector<16xf32>
      %add3A_910 = arith.constant 25 : i32
      %add3A_911 = vector.broadcast %add3A_910 : i32 to vector<16xi32>
      %add3A_912 = arith.addi %mul3A_607, %add3A_911 : vector<16xi32>
      %gather3A_913 = tpu.vector_load_idx %arg10[%add3A_596, %add3A_912] : memref<512x128xf32, #tpu.memory_space<vmem>>[vector<16xi32>, vector<16xi32>], vector<16xf32>,
      %get3A_914 = arith.constant 25 : i32
      %get3A_915 = arith.index_cast %get3A_914 : i32 to index
      %get3A_916 = arith.index_cast %mul3A_594 : i32 to index
      %get3A_917 = tpu.vector_load %arg9[%get3A_915, %get3A_916] {strides = array<i32>} : memref<64x512xf32, #tpu.memory_space<vmem>>, vector<16xf32>,
      %mul3A_918 = arith.mulf %gather3A_913, %get3A_917 : vector<16xf32>
      %add3A_919 = arith.addf %add3A_907, %mul3A_918 : vector<16xf32>
      %mul3A_920 = arith.mulf %get3A_917, %get3A_917 : vector<16xf32>
      %add3A_921 = arith.addf %add3A_909, %mul3A_920 : vector<16xf32>
      %add3A_922 = arith.constant 26 : i32
      %add3A_923 = vector.broadcast %add3A_922 : i32 to vector<16xi32>
      %add3A_924 = arith.addi %mul3A_607, %add3A_923 : vector<16xi32>
      %gather3A_925 = tpu.vector_load_idx %arg10[%add3A_596, %add3A_924] : memref<512x128xf32, #tpu.memory_space<vmem>>[vector<16xi32>, vector<16xi32>], vector<16xf32>,
      %get3A_926 = arith.constant 26 : i32
      %get3A_927 = arith.index_cast %get3A_926 : i32 to index
      %get3A_928 = arith.index_cast %mul3A_594 : i32 to index
      %get3A_929 = tpu.vector_load %arg9[%get3A_927, %get3A_928] {strides = array<i32>} : memref<64x512xf32, #tpu.memory_space<vmem>>, vector<16xf32>,
      %mul3A_930 = arith.mulf %gather3A_925, %get3A_929 : vector<16xf32>
      %add3A_931 = arith.addf %add3A_919, %mul3A_930 : vector<16xf32>
      %mul3A_932 = arith.mulf %get3A_929, %get3A_929 : vector<16xf32>
      %add3A_933 = arith.addf %add3A_921, %mul3A_932 : vector<16xf32>
      %add3A_934 = arith.constant 27 : i32
      %add3A_935 = vector.broadcast %add3A_934 : i32 to vector<16xi32>
      %add3A_936 = arith.addi %mul3A_607, %add3A_935 : vector<16xi32>
      %gather3A_937 = tpu.vector_load_idx %arg10[%add3A_596, %add3A_936] : memref<512x128xf32, #tpu.memory_space<vmem>>[vector<16xi32>, vector<16xi32>], vector<16xf32>,
      %get3A_938 = arith.constant 27 : i32
      %get3A_939 = arith.index_cast %get3A_938 : i32 to index
      %get3A_940 = arith.index_cast %mul3A_594 : i32 to index
      %get3A_941 = tpu.vector_load %arg9[%get3A_939, %get3A_940] {strides = array<i32>} : memref<64x512xf32, #tpu.memory_space<vmem>>, vector<16xf32>,
      %mul3A_942 = arith.mulf %gather3A_937, %get3A_941 : vector<16xf32>
      %add3A_943 = arith.addf %add3A_931, %mul3A_942 : vector<16xf32>
      %mul3A_944 = arith.mulf %get3A_941, %get3A_941 : vector<16xf32>
      %add3A_945 = arith.addf %add3A_933, %mul3A_944 : vector<16xf32>
      %add3A_946 = arith.constant 28 : i32
      %add3A_947 = vector.broadcast %add3A_946 : i32 to vector<16xi32>
      %add3A_948 = arith.addi %mul3A_607, %add3A_947 : vector<16xi32>
      %gather3A_949 = tpu.vector_load_idx %arg10[%add3A_596, %add3A_948] : memref<512x128xf32, #tpu.memory_space<vmem>>[vector<16xi32>, vector<16xi32>], vector<16xf32>,
      %get3A_950 = arith.constant 28 : i32
      %get3A_951 = arith.index_cast %get3A_950 : i32 to index
      %get3A_952 = arith.index_cast %mul3A_594 : i32 to index
      %get3A_953 = tpu.vector_load %arg9[%get3A_951, %get3A_952] {strides = array<i32>} : memref<64x512xf32, #tpu.memory_space<vmem>>, vector<16xf32>,
      %mul3A_954 = arith.mulf %gather3A_949, %get3A_953 : vector<16xf32>
      %add3A_955 = arith.addf %add3A_943, %mul3A_954 : vector<16xf32>
      %mul3A_956 = arith.mulf %get3A_953, %get3A_953 : vector<16xf32>
      %add3A_957 = arith.addf %add3A_945, %mul3A_956 : vector<16xf32>
      %add3A_958 = arith.constant 29 : i32
      %add3A_959 = vector.broadcast %add3A_958 : i32 to vector<16xi32>
      %add3A_960 = arith.addi %mul3A_607, %add3A_959 : vector<16xi32>
      %gather3A_961 = tpu.vector_load_idx %arg10[%add3A_596, %add3A_960] : memref<512x128xf32, #tpu.memory_space<vmem>>[vector<16xi32>, vector<16xi32>], vector<16xf32>,
      %get3A_962 = arith.constant 29 : i32
      %get3A_963 = arith.index_cast %get3A_962 : i32 to index
      %get3A_964 = arith.index_cast %mul3A_594 : i32 to index
      %get3A_965 = tpu.vector_load %arg9[%get3A_963, %get3A_964] {strides = array<i32>} : memref<64x512xf32, #tpu.memory_space<vmem>>, vector<16xf32>,
      %mul3A_966 = arith.mulf %gather3A_961, %get3A_965 : vector<16xf32>
      %add3A_967 = arith.addf %add3A_955, %mul3A_966 : vector<16xf32>
      %mul3A_968 = arith.mulf %get3A_965, %get3A_965 : vector<16xf32>
      %add3A_969 = arith.addf %add3A_957, %mul3A_968 : vector<16xf32>
      %add3A_970 = arith.constant 30 : i32
      %add3A_971 = vector.broadcast %add3A_970 : i32 to vector<16xi32>
      %add3A_972 = arith.addi %mul3A_607, %add3A_971 : vector<16xi32>
      %gather3A_973 = tpu.vector_load_idx %arg10[%add3A_596, %add3A_972] : memref<512x128xf32, #tpu.memory_space<vmem>>[vector<16xi32>, vector<16xi32>], vector<16xf32>,
      %get3A_974 = arith.constant 30 : i32
      %get3A_975 = arith.index_cast %get3A_974 : i32 to index
      %get3A_976 = arith.index_cast %mul3A_594 : i32 to index
      %get3A_977 = tpu.vector_load %arg9[%get3A_975, %get3A_976] {strides = array<i32>} : memref<64x512xf32, #tpu.memory_space<vmem>>, vector<16xf32>,
      %mul3A_978 = arith.mulf %gather3A_973, %get3A_977 : vector<16xf32>
      %add3A_979 = arith.addf %add3A_967, %mul3A_978 : vector<16xf32>
      %mul3A_980 = arith.mulf %get3A_977, %get3A_977 : vector<16xf32>
      %add3A_981 = arith.addf %add3A_969, %mul3A_980 : vector<16xf32>
      %add3A_982 = arith.constant 31 : i32
      %add3A_983 = vector.broadcast %add3A_982 : i32 to vector<16xi32>
      %add3A_984 = arith.addi %mul3A_607, %add3A_983 : vector<16xi32>
      %gather3A_985 = tpu.vector_load_idx %arg10[%add3A_596, %add3A_984] : memref<512x128xf32, #tpu.memory_space<vmem>>[vector<16xi32>, vector<16xi32>], vector<16xf32>,
      %get3A_986 = arith.constant 31 : i32
      %get3A_987 = arith.index_cast %get3A_986 : i32 to index
      %get3A_988 = arith.index_cast %mul3A_594 : i32 to index
      %get3A_989 = tpu.vector_load %arg9[%get3A_987, %get3A_988] {strides = array<i32>} : memref<64x512xf32, #tpu.memory_space<vmem>>, vector<16xf32>,
      %mul3A_990 = arith.mulf %gather3A_985, %get3A_989 : vector<16xf32>
      %add3A_991 = arith.addf %add3A_979, %mul3A_990 : vector<16xf32>
      %mul3A_992 = arith.mulf %get3A_989, %get3A_989 : vector<16xf32>
      %add3A_993 = arith.addf %add3A_981, %mul3A_992 : vector<16xf32>
      %add3A_994 = arith.constant 32 : i32
      %add3A_995 = vector.broadcast %add3A_994 : i32 to vector<16xi32>
      %add3A_996 = arith.addi %mul3A_607, %add3A_995 : vector<16xi32>
      %gather3A_997 = tpu.vector_load_idx %arg10[%add3A_596, %add3A_996] : memref<512x128xf32, #tpu.memory_space<vmem>>[vector<16xi32>, vector<16xi32>], vector<16xf32>,
      %get3A_998 = arith.constant 32 : i32
      %get3A_999 = arith.index_cast %get3A_998 : i32 to index
      %get3A_1000 = arith.index_cast %mul3A_594 : i32 to index
      %get3A_1001 = tpu.vector_load %arg9[%get3A_999, %get3A_1000] {strides = array<i32>} : memref<64x512xf32, #tpu.memory_space<vmem>>, vector<16xf32>,
      %mul3A_1002 = arith.mulf %gather3A_997, %get3A_1001 : vector<16xf32>
      %add3A_1003 = arith.addf %add3A_991, %mul3A_1002 : vector<16xf32>
      %mul3A_1004 = arith.mulf %get3A_1001, %get3A_1001 : vector<16xf32>
      %add3A_1005 = arith.addf %add3A_993, %mul3A_1004 : vector<16xf32>
      %add3A_1006 = arith.constant 33 : i32
      %add3A_1007 = vector.broadcast %add3A_1006 : i32 to vector<16xi32>
      %add3A_1008 = arith.addi %mul3A_607, %add3A_1007 : vector<16xi32>
      %gather3A_1009 = tpu.vector_load_idx %arg10[%add3A_596, %add3A_1008] : memref<512x128xf32, #tpu.memory_space<vmem>>[vector<16xi32>, vector<16xi32>], vector<16xf32>,
      %get3A_1010 = arith.constant 33 : i32
      %get3A_1011 = arith.index_cast %get3A_1010 : i32 to index
      %get3A_1012 = arith.index_cast %mul3A_594 : i32 to index
      %get3A_1013 = tpu.vector_load %arg9[%get3A_1011, %get3A_1012] {strides = array<i32>} : memref<64x512xf32, #tpu.memory_space<vmem>>, vector<16xf32>,
      %mul3A_1014 = arith.mulf %gather3A_1009, %get3A_1013 : vector<16xf32>
      %add3A_1015 = arith.addf %add3A_1003, %mul3A_1014 : vector<16xf32>
      %mul3A_1016 = arith.mulf %get3A_1013, %get3A_1013 : vector<16xf32>
      %add3A_1017 = arith.addf %add3A_1005, %mul3A_1016 : vector<16xf32>
      %add3A_1018 = arith.constant 34 : i32
      %add3A_1019 = vector.broadcast %add3A_1018 : i32 to vector<16xi32>
      %add3A_1020 = arith.addi %mul3A_607, %add3A_1019 : vector<16xi32>
      %gather3A_1021 = tpu.vector_load_idx %arg10[%add3A_596, %add3A_1020] : memref<512x128xf32, #tpu.memory_space<vmem>>[vector<16xi32>, vector<16xi32>], vector<16xf32>,
      %get3A_1022 = arith.constant 34 : i32
      %get3A_1023 = arith.index_cast %get3A_1022 : i32 to index
      %get3A_1024 = arith.index_cast %mul3A_594 : i32 to index
      %get3A_1025 = tpu.vector_load %arg9[%get3A_1023, %get3A_1024] {strides = array<i32>} : memref<64x512xf32, #tpu.memory_space<vmem>>, vector<16xf32>,
      %mul3A_1026 = arith.mulf %gather3A_1021, %get3A_1025 : vector<16xf32>
      %add3A_1027 = arith.addf %add3A_1015, %mul3A_1026 : vector<16xf32>
      %mul3A_1028 = arith.mulf %get3A_1025, %get3A_1025 : vector<16xf32>
      %add3A_1029 = arith.addf %add3A_1017, %mul3A_1028 : vector<16xf32>
      %add3A_1030 = arith.constant 35 : i32
      %add3A_1031 = vector.broadcast %add3A_1030 : i32 to vector<16xi32>
      %add3A_1032 = arith.addi %mul3A_607, %add3A_1031 : vector<16xi32>
      %gather3A_1033 = tpu.vector_load_idx %arg10[%add3A_596, %add3A_1032] : memref<512x128xf32, #tpu.memory_space<vmem>>[vector<16xi32>, vector<16xi32>], vector<16xf32>,
      %get3A_1034 = arith.constant 35 : i32
      %get3A_1035 = arith.index_cast %get3A_1034 : i32 to index
      %get3A_1036 = arith.index_cast %mul3A_594 : i32 to index
      %get3A_1037 = tpu.vector_load %arg9[%get3A_1035, %get3A_1036] {strides = array<i32>} : memref<64x512xf32, #tpu.memory_space<vmem>>, vector<16xf32>,
      %mul3A_1038 = arith.mulf %gather3A_1033, %get3A_1037 : vector<16xf32>
      %add3A_1039 = arith.addf %add3A_1027, %mul3A_1038 : vector<16xf32>
      %mul3A_1040 = arith.mulf %get3A_1037, %get3A_1037 : vector<16xf32>
      %add3A_1041 = arith.addf %add3A_1029, %mul3A_1040 : vector<16xf32>
      %add3A_1042 = arith.constant 36 : i32
      %add3A_1043 = vector.broadcast %add3A_1042 : i32 to vector<16xi32>
      %add3A_1044 = arith.addi %mul3A_607, %add3A_1043 : vector<16xi32>
      %gather3A_1045 = tpu.vector_load_idx %arg10[%add3A_596, %add3A_1044] : memref<512x128xf32, #tpu.memory_space<vmem>>[vector<16xi32>, vector<16xi32>], vector<16xf32>,
      %get3A_1046 = arith.constant 36 : i32
      %get3A_1047 = arith.index_cast %get3A_1046 : i32 to index
      %get3A_1048 = arith.index_cast %mul3A_594 : i32 to index
      %get3A_1049 = tpu.vector_load %arg9[%get3A_1047, %get3A_1048] {strides = array<i32>} : memref<64x512xf32, #tpu.memory_space<vmem>>, vector<16xf32>,
      %mul3A_1050 = arith.mulf %gather3A_1045, %get3A_1049 : vector<16xf32>
      %add3A_1051 = arith.addf %add3A_1039, %mul3A_1050 : vector<16xf32>
      %mul3A_1052 = arith.mulf %get3A_1049, %get3A_1049 : vector<16xf32>
      %add3A_1053 = arith.addf %add3A_1041, %mul3A_1052 : vector<16xf32>
      %add3A_1054 = arith.constant 37 : i32
      %add3A_1055 = vector.broadcast %add3A_1054 : i32 to vector<16xi32>
      %add3A_1056 = arith.addi %mul3A_607, %add3A_1055 : vector<16xi32>
      %gather3A_1057 = tpu.vector_load_idx %arg10[%add3A_596, %add3A_1056] : memref<512x128xf32, #tpu.memory_space<vmem>>[vector<16xi32>, vector<16xi32>], vector<16xf32>,
      %get3A_1058 = arith.constant 37 : i32
      %get3A_1059 = arith.index_cast %get3A_1058 : i32 to index
      %get3A_1060 = arith.index_cast %mul3A_594 : i32 to index
      %get3A_1061 = tpu.vector_load %arg9[%get3A_1059, %get3A_1060] {strides = array<i32>} : memref<64x512xf32, #tpu.memory_space<vmem>>, vector<16xf32>,
      %mul3A_1062 = arith.mulf %gather3A_1057, %get3A_1061 : vector<16xf32>
      %add3A_1063 = arith.addf %add3A_1051, %mul3A_1062 : vector<16xf32>
      %mul3A_1064 = arith.mulf %get3A_1061, %get3A_1061 : vector<16xf32>
      %add3A_1065 = arith.addf %add3A_1053, %mul3A_1064 : vector<16xf32>
      %add3A_1066 = arith.constant 38 : i32
      %add3A_1067 = vector.broadcast %add3A_1066 : i32 to vector<16xi32>
      %add3A_1068 = arith.addi %mul3A_607, %add3A_1067 : vector<16xi32>
      %gather3A_1069 = tpu.vector_load_idx %arg10[%add3A_596, %add3A_1068] : memref<512x128xf32, #tpu.memory_space<vmem>>[vector<16xi32>, vector<16xi32>], vector<16xf32>,
      %get3A_1070 = arith.constant 38 : i32
      %get3A_1071 = arith.index_cast %get3A_1070 : i32 to index
      %get3A_1072 = arith.index_cast %mul3A_594 : i32 to index
      %get3A_1073 = tpu.vector_load %arg9[%get3A_1071, %get3A_1072] {strides = array<i32>} : memref<64x512xf32, #tpu.memory_space<vmem>>, vector<16xf32>,
      %mul3A_1074 = arith.mulf %gather3A_1069, %get3A_1073 : vector<16xf32>
      %add3A_1075 = arith.addf %add3A_1063, %mul3A_1074 : vector<16xf32>
      %mul3A_1076 = arith.mulf %get3A_1073, %get3A_1073 : vector<16xf32>
      %add3A_1077 = arith.addf %add3A_1065, %mul3A_1076 : vector<16xf32>
      %add3A_1078 = arith.constant 39 : i32
      %add3A_1079 = vector.broadcast %add3A_1078 : i32 to vector<16xi32>
      %add3A_1080 = arith.addi %mul3A_607, %add3A_1079 : vector<16xi32>
      %gather3A_1081 = tpu.vector_load_idx %arg10[%add3A_596, %add3A_1080] : memref<512x128xf32, #tpu.memory_space<vmem>>[vector<16xi32>, vector<16xi32>], vector<16xf32>,
      %get3A_1082 = arith.constant 39 : i32
      %get3A_1083 = arith.index_cast %get3A_1082 : i32 to index
      %get3A_1084 = arith.index_cast %mul3A_594 : i32 to index
      %get3A_1085 = tpu.vector_load %arg9[%get3A_1083, %get3A_1084] {strides = array<i32>} : memref<64x512xf32, #tpu.memory_space<vmem>>, vector<16xf32>,
      %mul3A_1086 = arith.mulf %gather3A_1081, %get3A_1085 : vector<16xf32>
      %add3A_1087 = arith.addf %add3A_1075, %mul3A_1086 : vector<16xf32>
      %mul3A_1088 = arith.mulf %get3A_1085, %get3A_1085 : vector<16xf32>
      %add3A_1089 = arith.addf %add3A_1077, %mul3A_1088 : vector<16xf32>
      %add3A_1090 = arith.constant 40 : i32
      %add3A_1091 = vector.broadcast %add3A_1090 : i32 to vector<16xi32>
      %add3A_1092 = arith.addi %mul3A_607, %add3A_1091 : vector<16xi32>
      %gather3A_1093 = tpu.vector_load_idx %arg10[%add3A_596, %add3A_1092] : memref<512x128xf32, #tpu.memory_space<vmem>>[vector<16xi32>, vector<16xi32>], vector<16xf32>,
      %get3A_1094 = arith.constant 40 : i32
      %get3A_1095 = arith.index_cast %get3A_1094 : i32 to index
      %get3A_1096 = arith.index_cast %mul3A_594 : i32 to index
      %get3A_1097 = tpu.vector_load %arg9[%get3A_1095, %get3A_1096] {strides = array<i32>} : memref<64x512xf32, #tpu.memory_space<vmem>>, vector<16xf32>,
      %mul3A_1098 = arith.mulf %gather3A_1093, %get3A_1097 : vector<16xf32>
      %add3A_1099 = arith.addf %add3A_1087, %mul3A_1098 : vector<16xf32>
      %mul3A_1100 = arith.mulf %get3A_1097, %get3A_1097 : vector<16xf32>
      %add3A_1101 = arith.addf %add3A_1089, %mul3A_1100 : vector<16xf32>
      %add3A_1102 = arith.constant 41 : i32
      %add3A_1103 = vector.broadcast %add3A_1102 : i32 to vector<16xi32>
      %add3A_1104 = arith.addi %mul3A_607, %add3A_1103 : vector<16xi32>
      %gather3A_1105 = tpu.vector_load_idx %arg10[%add3A_596, %add3A_1104] : memref<512x128xf32, #tpu.memory_space<vmem>>[vector<16xi32>, vector<16xi32>], vector<16xf32>,
      %get3A_1106 = arith.constant 41 : i32
      %get3A_1107 = arith.index_cast %get3A_1106 : i32 to index
      %get3A_1108 = arith.index_cast %mul3A_594 : i32 to index
      %get3A_1109 = tpu.vector_load %arg9[%get3A_1107, %get3A_1108] {strides = array<i32>} : memref<64x512xf32, #tpu.memory_space<vmem>>, vector<16xf32>,
      %mul3A_1110 = arith.mulf %gather3A_1105, %get3A_1109 : vector<16xf32>
      %add3A_1111 = arith.addf %add3A_1099, %mul3A_1110 : vector<16xf32>
      %mul3A_1112 = arith.mulf %get3A_1109, %get3A_1109 : vector<16xf32>
      %add3A_1113 = arith.addf %add3A_1101, %mul3A_1112 : vector<16xf32>
      %add3A_1114 = arith.constant 42 : i32
      %add3A_1115 = vector.broadcast %add3A_1114 : i32 to vector<16xi32>
      %add3A_1116 = arith.addi %mul3A_607, %add3A_1115 : vector<16xi32>
      %gather3A_1117 = tpu.vector_load_idx %arg10[%add3A_596, %add3A_1116] : memref<512x128xf32, #tpu.memory_space<vmem>>[vector<16xi32>, vector<16xi32>], vector<16xf32>,
      %get3A_1118 = arith.constant 42 : i32
      %get3A_1119 = arith.index_cast %get3A_1118 : i32 to index
      %get3A_1120 = arith.index_cast %mul3A_594 : i32 to index
      %get3A_1121 = tpu.vector_load %arg9[%get3A_1119, %get3A_1120] {strides = array<i32>} : memref<64x512xf32, #tpu.memory_space<vmem>>, vector<16xf32>,
      %mul3A_1122 = arith.mulf %gather3A_1117, %get3A_1121 : vector<16xf32>
      %add3A_1123 = arith.addf %add3A_1111, %mul3A_1122 : vector<16xf32>
      %mul3A_1124 = arith.mulf %get3A_1121, %get3A_1121 : vector<16xf32>
      %add3A_1125 = arith.addf %add3A_1113, %mul3A_1124 : vector<16xf32>
      %add3A_1126 = arith.constant 43 : i32
      %add3A_1127 = vector.broadcast %add3A_1126 : i32 to vector<16xi32>
      %add3A_1128 = arith.addi %mul3A_607, %add3A_1127 : vector<16xi32>
      %gather3A_1129 = tpu.vector_load_idx %arg10[%add3A_596, %add3A_1128] : memref<512x128xf32, #tpu.memory_space<vmem>>[vector<16xi32>, vector<16xi32>], vector<16xf32>,
      %get3A_1130 = arith.constant 43 : i32
      %get3A_1131 = arith.index_cast %get3A_1130 : i32 to index
      %get3A_1132 = arith.index_cast %mul3A_594 : i32 to index
      %get3A_1133 = tpu.vector_load %arg9[%get3A_1131, %get3A_1132] {strides = array<i32>} : memref<64x512xf32, #tpu.memory_space<vmem>>, vector<16xf32>,
      %mul3A_1134 = arith.mulf %gather3A_1129, %get3A_1133 : vector<16xf32>
      %add3A_1135 = arith.addf %add3A_1123, %mul3A_1134 : vector<16xf32>
      %mul3A_1136 = arith.mulf %get3A_1133, %get3A_1133 : vector<16xf32>
      %add3A_1137 = arith.addf %add3A_1125, %mul3A_1136 : vector<16xf32>
      %add3A_1138 = arith.constant 44 : i32
      %add3A_1139 = vector.broadcast %add3A_1138 : i32 to vector<16xi32>
      %add3A_1140 = arith.addi %mul3A_607, %add3A_1139 : vector<16xi32>
      %gather3A_1141 = tpu.vector_load_idx %arg10[%add3A_596, %add3A_1140] : memref<512x128xf32, #tpu.memory_space<vmem>>[vector<16xi32>, vector<16xi32>], vector<16xf32>,
      %get3A_1142 = arith.constant 44 : i32
      %get3A_1143 = arith.index_cast %get3A_1142 : i32 to index
      %get3A_1144 = arith.index_cast %mul3A_594 : i32 to index
      %get3A_1145 = tpu.vector_load %arg9[%get3A_1143, %get3A_1144] {strides = array<i32>} : memref<64x512xf32, #tpu.memory_space<vmem>>, vector<16xf32>,
      %mul3A_1146 = arith.mulf %gather3A_1141, %get3A_1145 : vector<16xf32>
      %add3A_1147 = arith.addf %add3A_1135, %mul3A_1146 : vector<16xf32>
      %mul3A_1148 = arith.mulf %get3A_1145, %get3A_1145 : vector<16xf32>
      %add3A_1149 = arith.addf %add3A_1137, %mul3A_1148 : vector<16xf32>
      %add3A_1150 = arith.constant 45 : i32
      %add3A_1151 = vector.broadcast %add3A_1150 : i32 to vector<16xi32>
      %add3A_1152 = arith.addi %mul3A_607, %add3A_1151 : vector<16xi32>
      %gather3A_1153 = tpu.vector_load_idx %arg10[%add3A_596, %add3A_1152] : memref<512x128xf32, #tpu.memory_space<vmem>>[vector<16xi32>, vector<16xi32>], vector<16xf32>,
      %get3A_1154 = arith.constant 45 : i32
      %get3A_1155 = arith.index_cast %get3A_1154 : i32 to index
      %get3A_1156 = arith.index_cast %mul3A_594 : i32 to index
      %get3A_1157 = tpu.vector_load %arg9[%get3A_1155, %get3A_1156] {strides = array<i32>} : memref<64x512xf32, #tpu.memory_space<vmem>>, vector<16xf32>,
      %mul3A_1158 = arith.mulf %gather3A_1153, %get3A_1157 : vector<16xf32>
      %add3A_1159 = arith.addf %add3A_1147, %mul3A_1158 : vector<16xf32>
      %mul3A_1160 = arith.mulf %get3A_1157, %get3A_1157 : vector<16xf32>
      %add3A_1161 = arith.addf %add3A_1149, %mul3A_1160 : vector<16xf32>
      %add3A_1162 = arith.constant 46 : i32
      %add3A_1163 = vector.broadcast %add3A_1162 : i32 to vector<16xi32>
      %add3A_1164 = arith.addi %mul3A_607, %add3A_1163 : vector<16xi32>
      %gather3A_1165 = tpu.vector_load_idx %arg10[%add3A_596, %add3A_1164] : memref<512x128xf32, #tpu.memory_space<vmem>>[vector<16xi32>, vector<16xi32>], vector<16xf32>,
      %get3A_1166 = arith.constant 46 : i32
      %get3A_1167 = arith.index_cast %get3A_1166 : i32 to index
      %get3A_1168 = arith.index_cast %mul3A_594 : i32 to index
      %get3A_1169 = tpu.vector_load %arg9[%get3A_1167, %get3A_1168] {strides = array<i32>} : memref<64x512xf32, #tpu.memory_space<vmem>>, vector<16xf32>,
      %mul3A_1170 = arith.mulf %gather3A_1165, %get3A_1169 : vector<16xf32>
      %add3A_1171 = arith.addf %add3A_1159, %mul3A_1170 : vector<16xf32>
      %mul3A_1172 = arith.mulf %get3A_1169, %get3A_1169 : vector<16xf32>
      %add3A_1173 = arith.addf %add3A_1161, %mul3A_1172 : vector<16xf32>
      %add3A_1174 = arith.constant 47 : i32
      %add3A_1175 = vector.broadcast %add3A_1174 : i32 to vector<16xi32>
      %add3A_1176 = arith.addi %mul3A_607, %add3A_1175 : vector<16xi32>
      %gather3A_1177 = tpu.vector_load_idx %arg10[%add3A_596, %add3A_1176] : memref<512x128xf32, #tpu.memory_space<vmem>>[vector<16xi32>, vector<16xi32>], vector<16xf32>,
      %get3A_1178 = arith.constant 47 : i32
      %get3A_1179 = arith.index_cast %get3A_1178 : i32 to index
      %get3A_1180 = arith.index_cast %mul3A_594 : i32 to index
      %get3A_1181 = tpu.vector_load %arg9[%get3A_1179, %get3A_1180] {strides = array<i32>} : memref<64x512xf32, #tpu.memory_space<vmem>>, vector<16xf32>,
      %mul3A_1182 = arith.mulf %gather3A_1177, %get3A_1181 : vector<16xf32>
      %add3A_1183 = arith.addf %add3A_1171, %mul3A_1182 : vector<16xf32>
      %mul3A_1184 = arith.mulf %get3A_1181, %get3A_1181 : vector<16xf32>
      %add3A_1185 = arith.addf %add3A_1173, %mul3A_1184 : vector<16xf32>
      %add3A_1186 = arith.constant 48 : i32
      %add3A_1187 = vector.broadcast %add3A_1186 : i32 to vector<16xi32>
      %add3A_1188 = arith.addi %mul3A_607, %add3A_1187 : vector<16xi32>
      %gather3A_1189 = tpu.vector_load_idx %arg10[%add3A_596, %add3A_1188] : memref<512x128xf32, #tpu.memory_space<vmem>>[vector<16xi32>, vector<16xi32>], vector<16xf32>,
      %get3A_1190 = arith.constant 48 : i32
      %get3A_1191 = arith.index_cast %get3A_1190 : i32 to index
      %get3A_1192 = arith.index_cast %mul3A_594 : i32 to index
      %get3A_1193 = tpu.vector_load %arg9[%get3A_1191, %get3A_1192] {strides = array<i32>} : memref<64x512xf32, #tpu.memory_space<vmem>>, vector<16xf32>,
      %mul3A_1194 = arith.mulf %gather3A_1189, %get3A_1193 : vector<16xf32>
      %add3A_1195 = arith.addf %add3A_1183, %mul3A_1194 : vector<16xf32>
      %mul3A_1196 = arith.mulf %get3A_1193, %get3A_1193 : vector<16xf32>
      %add3A_1197 = arith.addf %add3A_1185, %mul3A_1196 : vector<16xf32>
      %add3A_1198 = arith.constant 49 : i32
      %add3A_1199 = vector.broadcast %add3A_1198 : i32 to vector<16xi32>
      %add3A_1200 = arith.addi %mul3A_607, %add3A_1199 : vector<16xi32>
      %gather3A_1201 = tpu.vector_load_idx %arg10[%add3A_596, %add3A_1200] : memref<512x128xf32, #tpu.memory_space<vmem>>[vector<16xi32>, vector<16xi32>], vector<16xf32>,
      %get3A_1202 = arith.constant 49 : i32
      %get3A_1203 = arith.index_cast %get3A_1202 : i32 to index
      %get3A_1204 = arith.index_cast %mul3A_594 : i32 to index
      %get3A_1205 = tpu.vector_load %arg9[%get3A_1203, %get3A_1204] {strides = array<i32>} : memref<64x512xf32, #tpu.memory_space<vmem>>, vector<16xf32>,
      %mul3A_1206 = arith.mulf %gather3A_1201, %get3A_1205 : vector<16xf32>
      %add3A_1207 = arith.addf %add3A_1195, %mul3A_1206 : vector<16xf32>
      %mul3A_1208 = arith.mulf %get3A_1205, %get3A_1205 : vector<16xf32>
      %add3A_1209 = arith.addf %add3A_1197, %mul3A_1208 : vector<16xf32>
      %add3A_1210 = arith.constant 50 : i32
      %add3A_1211 = vector.broadcast %add3A_1210 : i32 to vector<16xi32>
      %add3A_1212 = arith.addi %mul3A_607, %add3A_1211 : vector<16xi32>
      %gather3A_1213 = tpu.vector_load_idx %arg10[%add3A_596, %add3A_1212] : memref<512x128xf32, #tpu.memory_space<vmem>>[vector<16xi32>, vector<16xi32>], vector<16xf32>,
      %get3A_1214 = arith.constant 50 : i32
      %get3A_1215 = arith.index_cast %get3A_1214 : i32 to index
      %get3A_1216 = arith.index_cast %mul3A_594 : i32 to index
      %get3A_1217 = tpu.vector_load %arg9[%get3A_1215, %get3A_1216] {strides = array<i32>} : memref<64x512xf32, #tpu.memory_space<vmem>>, vector<16xf32>,
      %mul3A_1218 = arith.mulf %gather3A_1213, %get3A_1217 : vector<16xf32>
      %add3A_1219 = arith.addf %add3A_1207, %mul3A_1218 : vector<16xf32>
      %mul3A_1220 = arith.mulf %get3A_1217, %get3A_1217 : vector<16xf32>
      %add3A_1221 = arith.addf %add3A_1209, %mul3A_1220 : vector<16xf32>
      %add3A_1222 = arith.constant 51 : i32
      %add3A_1223 = vector.broadcast %add3A_1222 : i32 to vector<16xi32>
      %add3A_1224 = arith.addi %mul3A_607, %add3A_1223 : vector<16xi32>
      %gather3A_1225 = tpu.vector_load_idx %arg10[%add3A_596, %add3A_1224] : memref<512x128xf32, #tpu.memory_space<vmem>>[vector<16xi32>, vector<16xi32>], vector<16xf32>,
      %get3A_1226 = arith.constant 51 : i32
      %get3A_1227 = arith.index_cast %get3A_1226 : i32 to index
      %get3A_1228 = arith.index_cast %mul3A_594 : i32 to index
      %get3A_1229 = tpu.vector_load %arg9[%get3A_1227, %get3A_1228] {strides = array<i32>} : memref<64x512xf32, #tpu.memory_space<vmem>>, vector<16xf32>,
      %mul3A_1230 = arith.mulf %gather3A_1225, %get3A_1229 : vector<16xf32>
      %add3A_1231 = arith.addf %add3A_1219, %mul3A_1230 : vector<16xf32>
      %mul3A_1232 = arith.mulf %get3A_1229, %get3A_1229 : vector<16xf32>
      %add3A_1233 = arith.addf %add3A_1221, %mul3A_1232 : vector<16xf32>
      %add3A_1234 = arith.constant 52 : i32
      %add3A_1235 = vector.broadcast %add3A_1234 : i32 to vector<16xi32>
      %add3A_1236 = arith.addi %mul3A_607, %add3A_1235 : vector<16xi32>
      %gather3A_1237 = tpu.vector_load_idx %arg10[%add3A_596, %add3A_1236] : memref<512x128xf32, #tpu.memory_space<vmem>>[vector<16xi32>, vector<16xi32>], vector<16xf32>,
      %get3A_1238 = arith.constant 52 : i32
      %get3A_1239 = arith.index_cast %get3A_1238 : i32 to index
      %get3A_1240 = arith.index_cast %mul3A_594 : i32 to index
      %get3A_1241 = tpu.vector_load %arg9[%get3A_1239, %get3A_1240] {strides = array<i32>} : memref<64x512xf32, #tpu.memory_space<vmem>>, vector<16xf32>,
      %mul3A_1242 = arith.mulf %gather3A_1237, %get3A_1241 : vector<16xf32>
      %add3A_1243 = arith.addf %add3A_1231, %mul3A_1242 : vector<16xf32>
      %mul3A_1244 = arith.mulf %get3A_1241, %get3A_1241 : vector<16xf32>
      %add3A_1245 = arith.addf %add3A_1233, %mul3A_1244 : vector<16xf32>
      %add3A_1246 = arith.constant 53 : i32
      %add3A_1247 = vector.broadcast %add3A_1246 : i32 to vector<16xi32>
      %add3A_1248 = arith.addi %mul3A_607, %add3A_1247 : vector<16xi32>
      %gather3A_1249 = tpu.vector_load_idx %arg10[%add3A_596, %add3A_1248] : memref<512x128xf32, #tpu.memory_space<vmem>>[vector<16xi32>, vector<16xi32>], vector<16xf32>,
      %get3A_1250 = arith.constant 53 : i32
      %get3A_1251 = arith.index_cast %get3A_1250 : i32 to index
      %get3A_1252 = arith.index_cast %mul3A_594 : i32 to index
      %get3A_1253 = tpu.vector_load %arg9[%get3A_1251, %get3A_1252] {strides = array<i32>} : memref<64x512xf32, #tpu.memory_space<vmem>>, vector<16xf32>,
      %mul3A_1254 = arith.mulf %gather3A_1249, %get3A_1253 : vector<16xf32>
      %add3A_1255 = arith.addf %add3A_1243, %mul3A_1254 : vector<16xf32>
      %mul3A_1256 = arith.mulf %get3A_1253, %get3A_1253 : vector<16xf32>
      %add3A_1257 = arith.addf %add3A_1245, %mul3A_1256 : vector<16xf32>
      %add3A_1258 = arith.constant 54 : i32
      %add3A_1259 = vector.broadcast %add3A_1258 : i32 to vector<16xi32>
      %add3A_1260 = arith.addi %mul3A_607, %add3A_1259 : vector<16xi32>
      %gather3A_1261 = tpu.vector_load_idx %arg10[%add3A_596, %add3A_1260] : memref<512x128xf32, #tpu.memory_space<vmem>>[vector<16xi32>, vector<16xi32>], vector<16xf32>,
      %get3A_1262 = arith.constant 54 : i32
      %get3A_1263 = arith.index_cast %get3A_1262 : i32 to index
      %get3A_1264 = arith.index_cast %mul3A_594 : i32 to index
      %get3A_1265 = tpu.vector_load %arg9[%get3A_1263, %get3A_1264] {strides = array<i32>} : memref<64x512xf32, #tpu.memory_space<vmem>>, vector<16xf32>,
      %mul3A_1266 = arith.mulf %gather3A_1261, %get3A_1265 : vector<16xf32>
      %add3A_1267 = arith.addf %add3A_1255, %mul3A_1266 : vector<16xf32>
      %mul3A_1268 = arith.mulf %get3A_1265, %get3A_1265 : vector<16xf32>
      %add3A_1269 = arith.addf %add3A_1257, %mul3A_1268 : vector<16xf32>
      %add3A_1270 = arith.constant 55 : i32
      %add3A_1271 = vector.broadcast %add3A_1270 : i32 to vector<16xi32>
      %add3A_1272 = arith.addi %mul3A_607, %add3A_1271 : vector<16xi32>
      %gather3A_1273 = tpu.vector_load_idx %arg10[%add3A_596, %add3A_1272] : memref<512x128xf32, #tpu.memory_space<vmem>>[vector<16xi32>, vector<16xi32>], vector<16xf32>,
      %get3A_1274 = arith.constant 55 : i32
      %get3A_1275 = arith.index_cast %get3A_1274 : i32 to index
      %get3A_1276 = arith.index_cast %mul3A_594 : i32 to index
      %get3A_1277 = tpu.vector_load %arg9[%get3A_1275, %get3A_1276] {strides = array<i32>} : memref<64x512xf32, #tpu.memory_space<vmem>>, vector<16xf32>,
      %mul3A_1278 = arith.mulf %gather3A_1273, %get3A_1277 : vector<16xf32>
      %add3A_1279 = arith.addf %add3A_1267, %mul3A_1278 : vector<16xf32>
      %mul3A_1280 = arith.mulf %get3A_1277, %get3A_1277 : vector<16xf32>
      %add3A_1281 = arith.addf %add3A_1269, %mul3A_1280 : vector<16xf32>
      %add3A_1282 = arith.constant 56 : i32
      %add3A_1283 = vector.broadcast %add3A_1282 : i32 to vector<16xi32>
      %add3A_1284 = arith.addi %mul3A_607, %add3A_1283 : vector<16xi32>
      %gather3A_1285 = tpu.vector_load_idx %arg10[%add3A_596, %add3A_1284] : memref<512x128xf32, #tpu.memory_space<vmem>>[vector<16xi32>, vector<16xi32>], vector<16xf32>,
      %get3A_1286 = arith.constant 56 : i32
      %get3A_1287 = arith.index_cast %get3A_1286 : i32 to index
      %get3A_1288 = arith.index_cast %mul3A_594 : i32 to index
      %get3A_1289 = tpu.vector_load %arg9[%get3A_1287, %get3A_1288] {strides = array<i32>} : memref<64x512xf32, #tpu.memory_space<vmem>>, vector<16xf32>,
      %mul3A_1290 = arith.mulf %gather3A_1285, %get3A_1289 : vector<16xf32>
      %add3A_1291 = arith.addf %add3A_1279, %mul3A_1290 : vector<16xf32>
      %mul3A_1292 = arith.mulf %get3A_1289, %get3A_1289 : vector<16xf32>
      %add3A_1293 = arith.addf %add3A_1281, %mul3A_1292 : vector<16xf32>
      %add3A_1294 = arith.constant 57 : i32
      %add3A_1295 = vector.broadcast %add3A_1294 : i32 to vector<16xi32>
      %add3A_1296 = arith.addi %mul3A_607, %add3A_1295 : vector<16xi32>
      %gather3A_1297 = tpu.vector_load_idx %arg10[%add3A_596, %add3A_1296] : memref<512x128xf32, #tpu.memory_space<vmem>>[vector<16xi32>, vector<16xi32>], vector<16xf32>,
      %get3A_1298 = arith.constant 57 : i32
      %get3A_1299 = arith.index_cast %get3A_1298 : i32 to index
      %get3A_1300 = arith.index_cast %mul3A_594 : i32 to index
      %get3A_1301 = tpu.vector_load %arg9[%get3A_1299, %get3A_1300] {strides = array<i32>} : memref<64x512xf32, #tpu.memory_space<vmem>>, vector<16xf32>,
      %mul3A_1302 = arith.mulf %gather3A_1297, %get3A_1301 : vector<16xf32>
      %add3A_1303 = arith.addf %add3A_1291, %mul3A_1302 : vector<16xf32>
      %mul3A_1304 = arith.mulf %get3A_1301, %get3A_1301 : vector<16xf32>
      %add3A_1305 = arith.addf %add3A_1293, %mul3A_1304 : vector<16xf32>
      %add3A_1306 = arith.constant 58 : i32
      %add3A_1307 = vector.broadcast %add3A_1306 : i32 to vector<16xi32>
      %add3A_1308 = arith.addi %mul3A_607, %add3A_1307 : vector<16xi32>
      %gather3A_1309 = tpu.vector_load_idx %arg10[%add3A_596, %add3A_1308] : memref<512x128xf32, #tpu.memory_space<vmem>>[vector<16xi32>, vector<16xi32>], vector<16xf32>,
      %get3A_1310 = arith.constant 58 : i32
      %get3A_1311 = arith.index_cast %get3A_1310 : i32 to index
      %get3A_1312 = arith.index_cast %mul3A_594 : i32 to index
      %get3A_1313 = tpu.vector_load %arg9[%get3A_1311, %get3A_1312] {strides = array<i32>} : memref<64x512xf32, #tpu.memory_space<vmem>>, vector<16xf32>,
      %mul3A_1314 = arith.mulf %gather3A_1309, %get3A_1313 : vector<16xf32>
      %add3A_1315 = arith.addf %add3A_1303, %mul3A_1314 : vector<16xf32>
      %mul3A_1316 = arith.mulf %get3A_1313, %get3A_1313 : vector<16xf32>
      %add3A_1317 = arith.addf %add3A_1305, %mul3A_1316 : vector<16xf32>
      %add3A_1318 = arith.constant 59 : i32
      %add3A_1319 = vector.broadcast %add3A_1318 : i32 to vector<16xi32>
      %add3A_1320 = arith.addi %mul3A_607, %add3A_1319 : vector<16xi32>
      %gather3A_1321 = tpu.vector_load_idx %arg10[%add3A_596, %add3A_1320] : memref<512x128xf32, #tpu.memory_space<vmem>>[vector<16xi32>, vector<16xi32>], vector<16xf32>,
      %get3A_1322 = arith.constant 59 : i32
      %get3A_1323 = arith.index_cast %get3A_1322 : i32 to index
      %get3A_1324 = arith.index_cast %mul3A_594 : i32 to index
      %get3A_1325 = tpu.vector_load %arg9[%get3A_1323, %get3A_1324] {strides = array<i32>} : memref<64x512xf32, #tpu.memory_space<vmem>>, vector<16xf32>,
      %mul3A_1326 = arith.mulf %gather3A_1321, %get3A_1325 : vector<16xf32>
      %add3A_1327 = arith.addf %add3A_1315, %mul3A_1326 : vector<16xf32>
      %mul3A_1328 = arith.mulf %get3A_1325, %get3A_1325 : vector<16xf32>
      %add3A_1329 = arith.addf %add3A_1317, %mul3A_1328 : vector<16xf32>
      %add3A_1330 = arith.constant 60 : i32
      %add3A_1331 = vector.broadcast %add3A_1330 : i32 to vector<16xi32>
      %add3A_1332 = arith.addi %mul3A_607, %add3A_1331 : vector<16xi32>
      %gather3A_1333 = tpu.vector_load_idx %arg10[%add3A_596, %add3A_1332] : memref<512x128xf32, #tpu.memory_space<vmem>>[vector<16xi32>, vector<16xi32>], vector<16xf32>,
      %get3A_1334 = arith.constant 60 : i32
      %get3A_1335 = arith.index_cast %get3A_1334 : i32 to index
      %get3A_1336 = arith.index_cast %mul3A_594 : i32 to index
      %get3A_1337 = tpu.vector_load %arg9[%get3A_1335, %get3A_1336] {strides = array<i32>} : memref<64x512xf32, #tpu.memory_space<vmem>>, vector<16xf32>,
      %mul3A_1338 = arith.mulf %gather3A_1333, %get3A_1337 : vector<16xf32>
      %add3A_1339 = arith.addf %add3A_1327, %mul3A_1338 : vector<16xf32>
      %mul3A_1340 = arith.mulf %get3A_1337, %get3A_1337 : vector<16xf32>
      %add3A_1341 = arith.addf %add3A_1329, %mul3A_1340 : vector<16xf32>
      %add3A_1342 = arith.constant 61 : i32
      %add3A_1343 = vector.broadcast %add3A_1342 : i32 to vector<16xi32>
      %add3A_1344 = arith.addi %mul3A_607, %add3A_1343 : vector<16xi32>
      %gather3A_1345 = tpu.vector_load_idx %arg10[%add3A_596, %add3A_1344] : memref<512x128xf32, #tpu.memory_space<vmem>>[vector<16xi32>, vector<16xi32>], vector<16xf32>,
      %get3A_1346 = arith.constant 61 : i32
      %get3A_1347 = arith.index_cast %get3A_1346 : i32 to index
      %get3A_1348 = arith.index_cast %mul3A_594 : i32 to index
      %get3A_1349 = tpu.vector_load %arg9[%get3A_1347, %get3A_1348] {strides = array<i32>} : memref<64x512xf32, #tpu.memory_space<vmem>>, vector<16xf32>,
      %mul3A_1350 = arith.mulf %gather3A_1345, %get3A_1349 : vector<16xf32>
      %add3A_1351 = arith.addf %add3A_1339, %mul3A_1350 : vector<16xf32>
      %mul3A_1352 = arith.mulf %get3A_1349, %get3A_1349 : vector<16xf32>
      %add3A_1353 = arith.addf %add3A_1341, %mul3A_1352 : vector<16xf32>
      %add3A_1354 = arith.constant 62 : i32
      %add3A_1355 = vector.broadcast %add3A_1354 : i32 to vector<16xi32>
      %add3A_1356 = arith.addi %mul3A_607, %add3A_1355 : vector<16xi32>
      %gather3A_1357 = tpu.vector_load_idx %arg10[%add3A_596, %add3A_1356] : memref<512x128xf32, #tpu.memory_space<vmem>>[vector<16xi32>, vector<16xi32>], vector<16xf32>,
      %get3A_1358 = arith.constant 62 : i32
      %get3A_1359 = arith.index_cast %get3A_1358 : i32 to index
      %get3A_1360 = arith.index_cast %mul3A_594 : i32 to index
      %get3A_1361 = tpu.vector_load %arg9[%get3A_1359, %get3A_1360] {strides = array<i32>} : memref<64x512xf32, #tpu.memory_space<vmem>>, vector<16xf32>,
      %mul3A_1362 = arith.mulf %gather3A_1357, %get3A_1361 : vector<16xf32>
      %add3A_1363 = arith.addf %add3A_1351, %mul3A_1362 : vector<16xf32>
      %mul3A_1364 = arith.mulf %get3A_1361, %get3A_1361 : vector<16xf32>
      %add3A_1365 = arith.addf %add3A_1353, %mul3A_1364 : vector<16xf32>
      %add3A_1366 = arith.constant 63 : i32
      %add3A_1367 = vector.broadcast %add3A_1366 : i32 to vector<16xi32>
      %add3A_1368 = arith.addi %mul3A_607, %add3A_1367 : vector<16xi32>
      %gather3A_1369 = tpu.vector_load_idx %arg10[%add3A_596, %add3A_1368] : memref<512x128xf32, #tpu.memory_space<vmem>>[vector<16xi32>, vector<16xi32>], vector<16xf32>,
      %get3A_1370 = arith.constant 63 : i32
      %get3A_1371 = arith.index_cast %get3A_1370 : i32 to index
      %get3A_1372 = arith.index_cast %mul3A_594 : i32 to index
      %get3A_1373 = tpu.vector_load %arg9[%get3A_1371, %get3A_1372] {strides = array<i32>} : memref<64x512xf32, #tpu.memory_space<vmem>>, vector<16xf32>,
      %mul3A_1374 = arith.mulf %gather3A_1369, %get3A_1373 : vector<16xf32>
      %add3A_1375 = arith.addf %add3A_1363, %mul3A_1374 : vector<16xf32>
      %mul3A_1376 = arith.mulf %get3A_1373, %get3A_1373 : vector<16xf32>
      %add3A_1377 = arith.addf %add3A_1365, %mul3A_1376 : vector<16xf32>
      %max3A = arith.constant 1.000000e-30 : f32
      %max3A_1378 = vector.broadcast %max3A : f32 to vector<16xf32>
      %max3A_1379 = arith.maximumf %add3A_1377, %max3A_1378 : vector<16xf32>
      %bitcast3A = vector.bitcast %max3A_1379 : vector<16xf32> to vector<16xi32>
      %shift_right_arithmetic3A = arith.constant 1 : i32
      %shift_right_arithmetic3A_1380 = vector.broadcast %shift_right_arithmetic3A : i32 to vector<16xi32>
      %shift_right_arithmetic3A_1381 = arith.shrsi %bitcast3A, %shift_right_arithmetic3A_1380 : vector<16xi32>
      %sub3A = arith.constant 1597463007 : i32
      %sub3A_1382 = vector.broadcast %sub3A : i32 to vector<16xi32>
      %sub3A_1383 = arith.subi %sub3A_1382, %shift_right_arithmetic3A_1381 : vector<16xi32>
      %bitcast3A_1384 = vector.bitcast %sub3A_1383 : vector<16xi32> to vector<16xf32>
      %mul3A_1385 = arith.constant 5.000000e-01 : f32
      %mul3A_1386 = vector.broadcast %mul3A_1385 : f32 to vector<16xf32>
      %mul3A_1387 = arith.mulf %mul3A_1386, %max3A_1379 : vector<16xf32>
      %mul3A_1388 = arith.mulf %mul3A_1387, %bitcast3A_1384 : vector<16xf32>
      %mul3A_1389 = arith.mulf %mul3A_1388, %bitcast3A_1384 : vector<16xf32>
      %sub3A_1390 = arith.constant 1.500000e+00 : f32
      %sub3A_1391 = vector.broadcast %sub3A_1390 : f32 to vector<16xf32>
      %sub3A_1392 = arith.subf %sub3A_1391, %mul3A_1389 : vector<16xf32>
      %mul3A_1393 = arith.mulf %bitcast3A_1384, %sub3A_1392 : vector<16xf32>
      %mul3A_1394 = arith.constant 5.000000e-01 : f32
      %mul3A_1395 = vector.broadcast %mul3A_1394 : f32 to vector<16xf32>
      %mul3A_1396 = arith.mulf %mul3A_1395, %max3A_1379 : vector<16xf32>
      %mul3A_1397 = arith.mulf %mul3A_1396, %mul3A_1393 : vector<16xf32>
      %mul3A_1398 = arith.mulf %mul3A_1397, %mul3A_1393 : vector<16xf32>
      %sub3A_1399 = arith.constant 1.500000e+00 : f32
      %sub3A_1400 = vector.broadcast %sub3A_1399 : f32 to vector<16xf32>
      %sub3A_1401 = arith.subf %sub3A_1400, %mul3A_1398 : vector<16xf32>
      %mul3A_1402 = arith.mulf %mul3A_1393, %sub3A_1401 : vector<16xf32>
      %mul3A_1403 = arith.constant 5.000000e-01 : f32
      %mul3A_1404 = vector.broadcast %mul3A_1403 : f32 to vector<16xf32>
      %mul3A_1405 = arith.mulf %mul3A_1404, %max3A_1379 : vector<16xf32>
      %mul3A_1406 = arith.mulf %mul3A_1405, %mul3A_1402 : vector<16xf32>
      %mul3A_1407 = arith.mulf %mul3A_1406, %mul3A_1402 : vector<16xf32>
      %sub3A_1408 = arith.constant 1.500000e+00 : f32
      %sub3A_1409 = vector.broadcast %sub3A_1408 : f32 to vector<16xf32>
      %sub3A_1410 = arith.subf %sub3A_1409, %mul3A_1407 : vector<16xf32>
      %mul3A_1411 = arith.mulf %mul3A_1402, %sub3A_1410 : vector<16xf32>
      %mul3A_1412 = arith.mulf %max3A_1379, %mul3A_1411 : vector<16xf32>
      %max3A_1413 = arith.constant 9.99999997E-7 : f32
      %max3A_1414 = vector.broadcast %max3A_1413 : f32 to vector<16xf32>
      %max3A_1415 = arith.maximumf %mul3A_1412, %max3A_1414 : vector<16xf32>
      %mul3A_1416 = arith.constant 8.000000e+00 : f32
      %mul3A_1417 = vector.broadcast %mul3A_1416 : f32 to vector<16xf32>
      %mul3A_1418 = arith.mulf %mul3A_1417, %max3A_1415 : vector<16xf32>
      %div3A = arith.divf %add3A_1375, %mul3A_1418 : vector<16xf32>
      %neg3A = arith.constant 0.000000e+00 : f32
      %neg3A_1419 = vector.broadcast %neg3A : f32 to vector<16xf32>
      %neg3A_1420 = arith.subf %neg3A_1419, %div3A : vector<16xf32>
      %exp3A = math.exp %neg3A_1420 : vector<16xf32>
      %add3A_1421 = arith.constant 1.000000e+00 : f32
      %add3A_1422 = vector.broadcast %add3A_1421 : f32 to vector<16xf32>
      %add3A_1423 = arith.addf %add3A_1422, %exp3A : vector<16xf32>
      %div3A_1424 = arith.constant 1.000000e+00 : f32
      %div3A_1425 = vector.broadcast %div3A_1424 : f32 to vector<16xf32>
      %div3A_1426 = arith.divf %div3A_1425, %add3A_1423 : vector<16xf32>
      %sub3A_1427 = arith.constant 1.000000e+00 : f32
      %sub3A_1428 = vector.broadcast %sub3A_1427 : f32 to vector<16xf32>
      %sub3A_1429 = arith.subf %sub3A_1428, %div3A_1426 : vector<16xf32>
      %mul3A_1430 = arith.constant 1.000000e+00 : f32
      %mul3A_1431 = vector.broadcast %mul3A_1430 : f32 to vector<16xf32>
      %mul3A_1432 = arith.mulf %mul3A_1431, %sub3A_1429 : vector<16xf32>
      %get3A_1433 = arith.index_cast %mul3A_594 : i32 to index
      %get3A_1434 = tpu.vector_load %arg11[%get3A_1433] {strides = array<i32>} : memref<512xf32, #tpu.memory_space<vmem>>, vector<16xf32>,
      %mul3A_1435 = arith.mulf %mul3A_1432, %get3A_1434 : vector<16xf32>
      %add3A_1436 = arith.constant 1.000000e+00 : f32
      %add3A_1437 = vector.broadcast %add3A_1436 : f32 to vector<16xf32>
      %add3A_1438 = arith.addf %add3A_1437, %mul3A_1435 : vector<16xf32>
      %swap3A_1439 = arith.index_cast %mul3A_594 : i32 to index
      %swap3A_1440 = tpu.vector_load %arg12[%swap3A_1439] {strides = array<i32>} : memref<512xf32, #tpu.memory_space<vmem>>, vector<16xf32>,
      tpu.vector_store %arg12[%swap3A_1439], %add3A_1438 {strides = array<i32>} : memref<512xf32, #tpu.memory_space<vmem>>, vector<16xf32>,
    }
    %scan3A_590 = arith.constant 32 : i32
    %run_scoped3A = arith.constant 0 : i32
    "tpu.region"() ({
      %run_scoped3A_592 = tpu.sem_alloc : memref<!tpu.dma_semaphore, #tpu.memory_space<semaphore_mem>>
      %dma_start3A_593 = tpu.memref_slice %arg6[%run_scoped3A, %mul3A_2] : memref<2x16384xf32, #tpu.memory_space<hbm>> -> memref<1x512xf32, #tpu.memory_space<hbm>>
      %dma_start3A_594 = tpu.memref_squeeze %dma_start3A_593 : memref<1x512xf32, #tpu.memory_space<hbm>> -> memref<512xf32, #tpu.memory_space<hbm>>
      %dma_start3A_595 = tpu.memref_slice %arg6[%run_scoped3A, %mul3A_2] : memref<2x16384xf32, #tpu.memory_space<hbm>> -> memref<1x512xf32, #tpu.memory_space<hbm>>
      %dma_start3A_596 = tpu.memref_squeeze %dma_start3A_595 : memref<1x512xf32, #tpu.memory_space<hbm>> -> memref<512xf32, #tpu.memory_space<hbm>>
      tpu.enqueue_dma source(%arg12 : memref<512xf32, #tpu.memory_space<vmem>>) target(%dma_start3A_596 : memref<512xf32, #tpu.memory_space<hbm>>) target_semaphore(%run_scoped3A_592 : memref<!tpu.dma_semaphore, #tpu.memory_space<semaphore_mem>>)
      %dma_wait3A_597 = tpu.memref_slice %arg6[%run_scoped3A, %mul3A_2] : memref<2x16384xf32, #tpu.memory_space<hbm>> -> memref<1x512xf32, #tpu.memory_space<hbm>>
      %dma_wait3A_598 = tpu.memref_squeeze %dma_wait3A_597 : memref<1x512xf32, #tpu.memory_space<hbm>> -> memref<512xf32, #tpu.memory_space<hbm>>
      %dma_wait3A_599 = tpu.memref_slice %arg6[%run_scoped3A, %mul3A_2] : memref<2x16384xf32, #tpu.memory_space<hbm>> -> memref<1x512xf32, #tpu.memory_space<hbm>>
      %dma_wait3A_600 = tpu.memref_squeeze %dma_wait3A_599 : memref<1x512xf32, #tpu.memory_space<hbm>> -> memref<512xf32, #tpu.memory_space<hbm>>
      tpu.wait_dma2 semaphore(%run_scoped3A_592 : memref<!tpu.dma_semaphore, #tpu.memory_space<semaphore_mem>>) src(%arg12 : memref<512xf32, #tpu.memory_space<vmem>>) dst(%dma_wait3A_600 : memref<512xf32, #tpu.memory_space<hbm>>)
      tpu.yield
    }) : () -> ()
    %run_scoped3A_591 = arith.constant 1 : i32
    "tpu.region"() ({
      %run_scoped3A_592 = tpu.sem_alloc : memref<!tpu.dma_semaphore, #tpu.memory_space<semaphore_mem>>
      %dma_start3A_593 = tpu.memref_slice %arg6[%run_scoped3A_591, %mul3A_2] : memref<2x16384xf32, #tpu.memory_space<hbm>> -> memref<1x512xf32, #tpu.memory_space<hbm>>
      %dma_start3A_594 = tpu.memref_squeeze %dma_start3A_593 : memref<1x512xf32, #tpu.memory_space<hbm>> -> memref<512xf32, #tpu.memory_space<hbm>>
      %dma_start3A_595 = tpu.memref_slice %arg6[%run_scoped3A_591, %mul3A_2] : memref<2x16384xf32, #tpu.memory_space<hbm>> -> memref<1x512xf32, #tpu.memory_space<hbm>>
      %dma_start3A_596 = tpu.memref_squeeze %dma_start3A_595 : memref<1x512xf32, #tpu.memory_space<hbm>> -> memref<512xf32, #tpu.memory_space<hbm>>
      tpu.enqueue_dma source(%arg12 : memref<512xf32, #tpu.memory_space<vmem>>) target(%dma_start3A_596 : memref<512xf32, #tpu.memory_space<hbm>>) target_semaphore(%run_scoped3A_592 : memref<!tpu.dma_semaphore, #tpu.memory_space<semaphore_mem>>)
      %dma_wait3A_597 = tpu.memref_slice %arg6[%run_scoped3A_591, %mul3A_2] : memref<2x16384xf32, #tpu.memory_space<hbm>> -> memref<1x512xf32, #tpu.memory_space<hbm>>
      %dma_wait3A_598 = tpu.memref_squeeze %dma_wait3A_597 : memref<1x512xf32, #tpu.memory_space<hbm>> -> memref<512xf32, #tpu.memory_space<hbm>>
      %dma_wait3A_599 = tpu.memref_slice %arg6[%run_scoped3A_591, %mul3A_2] : memref<2x16384xf32, #tpu.memory_space<hbm>> -> memref<1x512xf32, #tpu.memory_space<hbm>>
      %dma_wait3A_600 = tpu.memref_squeeze %dma_wait3A_599 : memref<1x512xf32, #tpu.memory_space<hbm>> -> memref<512xf32, #tpu.memory_space<hbm>>
      tpu.wait_dma2 semaphore(%run_scoped3A_592 : memref<!tpu.dma_semaphore, #tpu.memory_space<semaphore_mem>>) src(%arg12 : memref<512xf32, #tpu.memory_space<vmem>>) dst(%dma_wait3A_600 : memref<512xf32, #tpu.memory_space<hbm>>)
      tpu.yield
    }) : () -> ()
    return
  }
}

module attributes {stable_mosaic.version = 14 : i64} {
  func.func @_tc_pairs_body(%arg0: i32, %arg1: memref<64x1024xf32, #tpu.memory_space<vmem>>, %arg2: memref<64x1024xf32, #tpu.memory_space<vmem>>, %arg3: memref<1024x128xf32, #tpu.memory_space<vmem>>) attributes {dimension_semantics = [#tpu.dimension_semantics<arbitrary>], iteration_bounds = array<i64: 489>, scalar_prefetch = 0 : i64, scratch_operands = 0 : i64, tpu.core_type = #tpu.core_type<tc>, window_params = [{transform_indices = @transform_0, window_bounds = array<i64: 64, 1024>}, {transform_indices = @transform_1, window_bounds = array<i64: 64, 1024>}, {transform_indices = @transform_2, window_bounds = array<i64: 1024, 128>}]} {
    %get3A = arith.constant 0 : index
    %get3A_0 = arith.constant 0 : index
    %get3A_1 = vector.load %arg1[%get3A, %get3A_0] : memref<64x1024xf32, #tpu.memory_space<vmem>>, vector<64x1024xf32>
    %get3A_2 = arith.constant 0 : index
    %get3A_3 = arith.constant 0 : index
    %get3A_4 = vector.load %arg2[%get3A_2, %get3A_3] : memref<64x1024xf32, #tpu.memory_space<vmem>>, vector<64x1024xf32>
    %concatenate3A = tpu.concatenate %get3A_1, %get3A_4 in 0 : vector<64x1024xf32>, vector<64x1024xf32> -> vector<128x1024xf32>
    %transpose3A = tpu.transpose %concatenate3A, [1, 0] : vector<128x1024xf32> -> vector<1024x128xf32>
    %swap3A = arith.constant 0 : index
    %swap3A_5 = arith.constant 0 : index
    %swap3A_6 = vector.load %arg3[%swap3A, %swap3A_5] : memref<1024x128xf32, #tpu.memory_space<vmem>>, vector<1024x128xf32>
    tpu.vector_store %arg3[%swap3A, %swap3A_5], %transpose3A {strides = array<i32>} : memref<1024x128xf32, #tpu.memory_space<vmem>>, vector<1024x128xf32>,
    return
  }
  func.func @transform_0(%arg0: i32) -> (i32, i32) {
    %mul3A = arith.constant 2 : i32
    %mul3A_0 = arith.muli %mul3A, %arg0 : i32
    %min3A = arith.constant 976 : i32
    %min3A_1 = arith.minsi %mul3A_0, %min3A : i32
    %c0_i32 = arith.constant 0 : i32
    %c0_i32_2 = arith.constant 0 : i32
    return %c0_i32, %min3A_1 : i32, i32
  }
  func.func @transform_1(%arg0: i32) -> (i32, i32) {
    %mul3A = arith.constant 2 : i32
    %mul3A_0 = arith.muli %mul3A, %arg0 : i32
    %add3A = arith.constant 1 : i32
    %add3A_1 = arith.addi %mul3A_0, %add3A : i32
    %min3A = arith.constant 976 : i32
    %min3A_2 = arith.minsi %add3A_1, %min3A : i32
    %c0_i32 = arith.constant 0 : i32
    %c0_i32_3 = arith.constant 0 : i32
    return %c0_i32, %min3A_2 : i32, i32
  }
  func.func @transform_2(%arg0: i32) -> (i32, i32) {
    %c0_i32 = arith.constant 0 : i32
    %c0_i32_0 = arith.constant 0 : i32
    return %arg0, %c0_i32 : i32, i32
  }
}

</mosaic_0001>

<sc_bundles>
// kernel: kernel.4.cloned.1.call-start
scs
__scs_entry_jumppad:
0x0: {  	(pc) =	sbr.rel $0x88, $3  }
0x1: {  	(tag) =	ssettag $0x0;
	lr =	simm.s32 $0x1  }
0x2: {  	[smem:$0x3F9D] =	sst lr;
	_ =	strace $0xD0000000  }
0x3: {  	_ = 	snop  }
0x4: {  	_ = 	snop  }
0x5: {  	_ = 	snop  }
0x6: {  	_ = 	snop  }
0x7: {  	_ = 	snop  }
__scs_overlays_trampoline_lowered:
0x8: {  	[smem:$0x3FAC] =	sst s0  }
0x9: {  	[smem:$0x3FAD] =	sst s1  }
0xa: {  	[smem:$0x3FAE] =	sst s2  }
0xb: {  	[smem:$0x3FAF] =	sst s3  }
0xc: {  	[smem:$0x3FB0] =	sst s4  }
0xd: {  	[smem:$0x3FB1] =	sst s5  }
0xe: {  	[smem:$0x3FB2] =	sst s6  }
0xf: {  	[smem:$0x3FB3] =	sst s7  }
0x10: {  	[smem:$0x3FB4] =	sst s8  }
0x11: {  	[smem:$0x3FB5] =	sst s9;
	s0 =	simm.s32 @!p0 $0x0  }
0x12: {  	s1 =	sld [smem:$0x3F9B];
	s0 =	simm.s32 @p0 $0x1  }
0x13: {  	[smem:$0x3FB6] =	sst s0;
	s0 =	simm.s32 @!p1 $0x0  }
0x14: {  	s2 =	sld [smem:$0x3F9A];
	s0 =	simm.s32 @p1 $0x1  }
0x15: {  	[smem:$0x3FB7] =	sst s0;
	s0 =	simm.s32 @!p2 $0x0  }
0x16: {  	s3 =	sld [smem:$0x3FDB];
	s0 =	simm.s32 @p2 $0x1  }
0x17: {  	s4 =	simm.s32 $0x1BF5;
	[smem:$0x3FB9] =	sst s0  }
0x18: {  	s0 =	sld [smem:$0x3F9C];
	_ =	swait.ge [sflag:s4], $0x0  }
0x19: {  	s7 =	sld [smem:$0x3F9D]  }
0x1a: {  	s8 =	sadd.s32 $0xFFFFE003, lr  }
0x1b: {  	s9 =	sadd.s32 $0xFFFFFEF7, lr;
	s5 =	simm.s32 $0xFFFFFFFF;
	p2 =	slt.u32 s8, $0xFFFFF086  }
0x1c: {  	p1 =	slt.u32 s9, $0xF7A;
	s5 =	simm.s32 @!p2 $0x0  }
0x1d: {  	s5 =	simm.s32 @p1 $0x1;
	p0 =	seq.s32 s7, s2  }
0x1e: {  	s7 =	smul.u32 @!p0 $0xF7A, s2;
	p2 =	seq.s32 @!p0 s5, $0x0  }
0x1f: {  	s9 =	smul.u32 $0xF7A, s1;
	s8 =	simm.s32 @!p0 $0x1BF5;
	p2 =	por !p2, p0  }
0x20: {  	[sflag:s8] =	ssyncset.s32 @!p0 $0xFFFFF086;
	s6 =	sadd.s32 @!p0 s3, s7;
	s7 =	simm.s32 @!p0 $0x108  }
0x21: {  	s3 =	sadd.s32 s3, s9;
	s6 =	sadd.s32 @!p0 $0x88, s6;
	s7 =	simm.s32 @p2 $0x1082  }
0x22: {  	[simem:s7], [sflag:s8] =	dma.local @!p0 [hbm:s6], $0xF7A  }
0x23: {  	s9 =	sor.u32 $0xD0000000, s2;
	s6 =	simm.s32 $0x108;
	_ =	swait.ge @!p0 [sflag:s8], $0x0  }
0x24: {  	s3 =	sadd.s32 $0x88, s3;
	s6 =	simm.s32 @!p1 $0x1082;
	[sflag:s4] =	ssyncset.s32 $0xFFFFF086  }
0x25: {  	[simem:s6], [sflag:s4] =	dma.local [hbm:s3], $0xF7A  }
0x26: {  	[smem:$0x3F9D] =	sst s1;
	(tag) =	ssettag s2;
	_ =	strace s9  }
0x27: {  	s1 =	sld [smem:$0x3FAD]  }
0x28: {  	s2 =	sld [smem:$0x3FAE]  }
0x29: {  	s4 =	sld [smem:$0x3FB0]  }
0x2a: {  	p0 =	seq.s32 s5, $0x0;
	s5 =	sld [smem:$0x3FB1]  }
0x2b: {  	s6 =	sld [smem:$0x3FB2]  }
0x2c: {  	s7 =	sld [smem:$0x3FB3]  }
0x2d: {  	s3 =	simm.s32 $0x108;
	s8 =	sld [smem:$0x3FB4]  }
0x2e: {  	s3 =	simm.s32 @!p0 $0x1082;
	s9 =	sld [smem:$0x3FB5]  }
0x2f: {  	lr =	sadd.s32 s0, s3;
	s0 =	sld [smem:$0x3FAC]  }
0x30: {  	s3 =	sld [smem:$0x3FAF]  }
0x31: {  	[smem:$0x3FB8] =	sst s10  }
0x32: {  	s10 =	sld [smem:$0x3FB6];
	_ =	sdelay $0x3  }
0x33: {  	p0 =	seq.s32 s10, $0x1;
	s10 =	sld [smem:$0x3FB8];
	_ =	sdelay $0x3  }
0x34: {  	[smem:$0x3FB8] =	sst s10  }
0x35: {  	s10 =	sld [smem:$0x3FB7];
	_ =	sdelay $0x3  }
0x36: {  	p1 =	seq.s32 s10, $0x1;
	s10 =	sld [smem:$0x3FB8];
	_ =	sdelay $0x3  }
0x37: {  	[smem:$0x3FB8] =	sst s10  }
0x38: {  	s10 =	sld [smem:$0x3FB9]  }
0x39: {  	_ = 	snop;
	(pc) =	sbr.ind lr, $3  }
0x3a: {  	_ = 	snop  }
0x3b: {  	_ = 	snop  }
0x3c: {  	p2 =	seq.s32 s10, $0x1;
	s10 =	sld [smem:$0x3FB8]  }
0x3d: {  	_ =	shalt  }
0x3e: {  	_ =	shalt  }
0x3f: {  	_ =	shalt  }
0x40: {  	_ =	shalt  }
0x41: {  	_ =	shalt  }
0x42: {  	_ =	shalt  }
0x43: {  	_ =	shalt  }
0x44: {  	_ =	shalt  }
0x45: {  	_ =	shalt  }
0x46: {  	_ =	shalt  }
0x47: {  	_ =	shalt  }
0x48: {  	_ =	shalt  }
0x49: {  	_ =	shalt  }
0x4a: {  	_ =	shalt  }
0x4b: {  	_ =	shalt  }
0x4c: {  	_ =	shalt  }
0x4d: {  	_ =	shalt  }
0x4e: {  	_ =	shalt  }
0x4f: {  	_ =	shalt  }
0x50: {  	_ =	shalt  }
0x51: {  	_ =	shalt  }
0x52: {  	_ =	shalt  }
0x53: {  	_ =	shalt  }
0x54: {  	_ =	shalt  }
0x55: {  	_ =	shalt  }
0x56: {  	_ =	shalt  }
0x57: {  	_ =	shalt  }
0x58: {  	_ =	shalt  }
0x59: {  	_ =	shalt  }
0x5a: {  	_ =	shalt  }
0x5b: {  	_ =	shalt  }
0x5c: {  	_ =	shalt  }
0x5d: {  	_ =	shalt  }
0x5e: {  	_ =	shalt  }
0x5f: {  	_ =	shalt  }
0x60: {  	_ =	shalt  }
0x61: {  	_ =	shalt  }
0x62: {  	_ =	shalt  }
0x63: {  	_ =	shalt  }
0x64: {  	_ =	shalt  }
0x65: {  	_ =	shalt  }
0x66: {  	_ =	shalt  }
0x67: {  	_ =	shalt  }
0x68: {  	_ =	shalt  }
0x69: {  	_ =	shalt  }
0x6a: {  	_ =	shalt  }
0x6b: {  	_ =	shalt  }
0x6c: {  	_ =	shalt  }
0x6d: {  	_ =	shalt  }
0x6e: {  	_ =	shalt  }
0x6f: {  	_ =	shalt  }
0x70: {  	_ =	shalt  }
0x71: {  	_ =	shalt  }
0x72: {  	_ =	shalt  }
0x73: {  	_ =	shalt  }
0x74: {  	_ =	shalt  }
0x75: {  	_ =	shalt  }
0x76: {  	_ =	shalt  }
0x77: {  	_ =	shalt  }
0x78: {  	_ =	shalt  }
0x79: {  	_ =	shalt  }
0x7a: {  	_ =	shalt  }
0x7b: {  	_ =	shalt  }
0x7c: {  	_ =	shalt  }
0x7d: {  	_ =	shalt  }
0x7e: {  	_ =	shalt  }
0x7f: {  	_ =	shalt  }
0x80: {  	_ =	shalt  }
0x81: {  	_ =	shalt  }
0x82: {  	_ =	shalt  }
0x83: {  	_ =	shalt  }
0x84: {  	_ =	shalt  }
0x85: {  	_ =	shalt  }
0x86: {  	_ =	shalt  }
0x87: {  	_ =	shalt  }
.Lfunc_end0:
.L_simem_size_0:
called_computation_lowered:
.L_overlay_start_0:
0x88: {  	s2 =	sld [smem:$0x3FD9]  }
0x89: {  	s3 =	sld [smem:$0x3FFE];
	_ =	sdelay $0x1  }
0x8a: {  	s1 =	srdreg.scid  }
0x8b: {  	s0 =	sand.u32 $0x1, s1  }
0x8c: {  	s17 =	sshll.u32 s0, $0xA;
	s2 =	sadd.s32 s3, s2  }
0x8d: {  	s2 =	sadd.s32 s2, s17  }
0x8e: {  	[smem:$0x3FC4] =	sst s2  }
0x8f: {  	_ = 	snop  }
0x90: {  	s2 =	sld [smem:$0x3FC9]  }
0x91: {  	s18 =	sld [smem:$0x3FC8]  }
0x92: {  	s4 =	sld [smem:$0x3FC7]  }
0x93: {  	s5 =	sld [smem:$0x3FD0];
	(tm) =	ssettm $0x1  }
0x94: {  	s6 =	sld [smem:$0x3FFB];
	_ =	sdelay $0x3  }
0x95: {  	_ =	strace s6  }
0x96: {  	s6 =	sld [smem:$0x3FFC];
	_ =	sdelay $0x3  }
0x97: {  	_ =	strace s6  }
0x98: {  	s6 =	sld [smem:$0x3FFD];
	_ =	sdelay $0x3  }
0x99: {  	_ =	strace s6  }
0x9a: {  	_ =	strace $0x8FFFFFFF  }
0x9b: {  	s19 =	sld [smem:$0x3FDB];
	_ =	sdelay $0x1  }
0x9c: {  	s7 =	simm.s32 $_scs_section_size  }
0x9d: {  	s8 =	simm.s32 $_size__tile_overlayer_lowered;
	s9 =	simm.s32 $_tile_overlayer_lowered  }
0x9e: {  	s22 =	simm.s32 $0x1BFF;
	s21 =	sshll.u32 s9, $0x1;
	s6 =	sadd.s32 s7, s19  }
0x9f: {  	s10 =	simm.s32 $0x0;
	s20 =	sshll.u32 s8, $0x1;
	s8 =	sadd.s32 s21, s6  }
0xa0: {  	[timem:s10], [sflag:s22] =	dma.local [hbm:s8], s20  }
0xa1: {  	_ =	swait.ge [sflag:s22], s20  }
0xa2: {  	s7 =	ssub.s32 $0x0, s20;
	[sflag:s22] =	ssyncset.done $0x0  }
0xa3: {  	[sflag:s22] =	ssyncadd.s32 s7;
	_ =	sdelay $0x1  }
0xa4: {  	s23 =	simm.s32 $0x1B8B  }
0xa5: {  	_ =	swait.ge [sflag:s23], $0x1  }
0xa6: {  	[sflag:s23] =	ssyncset.done $0x0  }
0xa7: {  	s25 =	simm.s32 $0x1B8E;
	s24 =	sld [smem:$0x3FFE];
	[sflag:s23] =	ssyncadd.s32 $0xFFFFFFFF  }
0xa8: {  	s26 =	simm.s32 $execute0_lowered;
	[smem:$0x3FD2] =	sst s25  }
0xa9: {  	s8 =	sshll.u32 s26, $0x1;
	_ =	strace $0x80000046;
	[dreg:$0x1] =	wrdreg $0xFFFFFFFF  }
0xaa: {  	s28 =	simm.s32 $_size_execute0_lowered;
	s6 =	sadd.s32 s6, s8;
	[dreg:$0x0] =	wrdreg $0x0  }
0xab: {  	s8 =	sshll.u32 s28, $0x1;
	[dreg:$0x2] =	wrdreg s6  }
0xac: {  	[dreg:$0x3] =	wrdreg s8  }
0xad: {  	[dreg:$0x4] =	wrdreg $0xC0  }
0xae: {  	_ =	task [dreg:s10], $0x5FFFF  }
0xaf: {  	[dreg:$0x1] =	wrdreg $0xFFFFFFFF  }
0xb0: {  	[dreg:$0x0] =	wrdreg $0x60  }
0xb1: {  	[dreg:$0x2] =	wrdreg s24  }
0xb2: {  	[dreg:$0x3] =	wrdreg s18  }
0xb3: {  	[dreg:$0x4] =	wrdreg s2  }
0xb4: {  	[dreg:$0x5] =	wrdreg s4  }
0xb5: {  	[dreg:$0x6] =	wrdreg s5  }
0xb6: {  	[dreg:$0x7] =	wrdreg $0x9  }
0xb7: {  	_ =	task.clear_ibuf [dreg:s10], $0x8FFFF;
	_ =	strace $0x90000046  }
0xb8: {  	s29 =	simm.s32 $0x9;
	_ =	strace $0x80000048  }
0xb9: {  	_ =	swait.ge [sflag:s29], $0x1  }
0xba: {  	[sflag:s29] =	ssyncadd.s32 $0xFFFFFFFF  }
0xbb: {  	_ =	strace $0x90000048  }
0xbc: {  	_ =	sfence  }
0xbd: {  	s30 =	sld [smem:$0x0];
	_ =	sdelay $0x2  }
0xbe: {  	s31 =	sshll.u32 s1, $0xD;
	s1 =	sshrl.u32 s1, $0x2  }
0xbf: {  	s3 =	sand.u32 $0x4000, s31;
	s1 =	sadd.s32 s1, s30  }
0xc0: {  	s0 =	sor.u32 s3, s0;
	s1 =	sshll.u32 s1, $0x11  }
0xc1: {  	s0 =	sor.u32 s1, s0  }
0xc2: {  	s0 =	sadd.s32 $0x8F2B, s0  }
0xc3: {  	[sflag:s0] =	ssyncadd.remote.s32 $0x1  }
0xc4: {  	_ =	sfence.sel $0xFFFF  }
0xc5: {  	[dreg:$0x0] =	wrdreg $0xFFFFFFFF;
	(pc) =	sbr.abs _section_cstart, $3  }
0xc6: {  	[dreg:$0x1] =	wrdreg $0xFFFFFFFF  }
0xc7: {  	_ =	task.clear_ibuf [dreg:s10], $0x2FFFF;
	_ =	strace $0x9FFFFFFF  }
0xc8: {  	(tm) =	ssettm $0x7FFFFFFF  }
0xc9: {  	_ =	shalt  }
tec
execute0_lowered:
.L_overlay_start_1:
0x0: {  	(tag) =	ssettag $0x1  }
0x1: {  	s0 =	rddreg [dreg:$0x0]  }
0x2: {  	s1 =	rddreg [dreg:$0x1]  }
0x3: {  	s4 =	rddreg [dreg:$0x2]  }
0x4: {  	s7 =	rddreg [dreg:$0x3]  }
0x5: {  	s5 =	rddreg [dreg:$0x4]  }
0x6: {  	s2 =	simm.s32 $0x0;
	s3 =	srdreg.scid;
	s8 =	stileid.u32  }
0x7: {  	s11 =	simm.s32 $0x80;
	s13 =	simm.s32 $0x8400;
	s15 =	simm.s32 $0xC400  }
0x8: {  	s16 =	simm.s32 $0x300;
	s17 =	simm.s32 $0x10400;
	s18 =	simm.s32 $0x380  }
0x9: {  	s19 =	simm.s32 $0x14400;
	s20 =	simm.s32 $0x1000;
	s21 =	simm.s32 $0x20000  }
0xa: {  	s22 =	simm.s32 $0x400;
	s23 =	simm.s32 $0x1;
	s24 =	simm.s32 $0x100  }
0xb: {  	s25 =	simm.s32 $0x18600;
	s26 =	simm.s32 $0x0;
	s6 =	sand.u32 $0x1, s3  }
0xc: {  	[smem:$0x7FF] =	sst s2;
	s8 =	sshll.u32 s8, $0xA;
	s9 =	sshll.u32 s6, $0x9  }
0xd: {  	s3 =	sadd.s32 $0x400, s0;
	s29 =	ssub.s32 $0x2, s6;
	s30 =	sor.u32 s9, s8  }
0xe: {  	_ =	strace $0x80000047;
	s31 =	sshrl.u32 s29, $0x1;
	s9 =	sshrl.u32 s30, $0x3  }
0xf: {  	s10 =	sshrl.u32 s30, $0x2;
	s0 =	ssub.s32 s29, s31;
	s6 =	sadd.s32 s1, s30  }
0x10: {  	v0 =	vlaneseq.u32;
	s4 =	sadd.s32 s4, s9;
	s5 =	sadd.s32 s5, s10;
	s7 =	sadd.s32 s7, s9  }
0x11: {  	v0 =	vmul.u32 $0x80, v0;
	s9 =	smax.u32 s0, $0x1;
	s10 =	simm.s32 $0x2;
	s8 =	sadd.s32 $0x10, s5  }
.LBB2_1:
0x12: {  	[tilespmem:s2], [sflag:$0x2] =	stream.linear.gather [hbm4b:s4+s2], $0x200, $0x38;
	[tilespmem:$0x18800] =	vst v63  }
0x13: {  	_ =	swait.ge [sflag:s10], $0x200  }
0x14: {  	[sflag:s10] =	ssyncset.done $0x0  }
0x15: {  	[sflag:s10] =	ssyncadd.s32 $0xFFFFFE00  }
0x16: {  	v1 =	vld [tilespmem:$0x0]  }
0x17: {  	v2 =	vld [tilespmem:$0x10]  }
0x18: {  	v3 =	vld [tilespmem:$0x20]  }
0x19: {  	v4 =	vld [tilespmem:$0x30]  }
0x1a: {  	v6 =	vld [tilespmem:$0x40]  }
0x1b: {  	v8 =	vld [tilespmem:$0x50]  }
0x1c: {  	v9 =	vld [tilespmem:$0x60]  }
0x1d: {  	v21 =	vld [tilespmem:$0x70]  }
0x1e: {  	v11 =	vld [tilespmem:$0x80]  }
0x1f: {  	v12 =	vld [tilespmem:$0x90]  }
0x20: {  	v26 =	vld [tilespmem:$0xA0]  }
0x21: {  	v14 =	vld [tilespmem:$0xB0];
	v5 =	vshrl.u32 v1, $0x1  }
0x22: {  	v15 =	vld [tilespmem:$0xC0];
	v1 =	vand.u32 $0x3FF, v1;
	v7 =	vshrl.u32 v2, $0x1;
	v19 =	vshrl.u32 v3, $0x1  }
0x23: {  	v31 =	vld [tilespmem:$0xD0];
	v2 =	vand.u32 $0x3FF, v2;
	v3 =	vand.u32 $0x3FF, v3;
	v20 =	vshrl.u32 v4, $0x1  }
0x24: {  	v16 =	vld [tilespmem:$0xE0];
	v4 =	vand.u32 $0x3FF, v4;
	v10 =	vshrl.u32 v6, $0x1;
	v23 =	vshrl.u32 v8, $0x1  }
0x25: {  	v37 =	vld [tilespmem:$0xF0];
	v6 =	vand.u32 $0x3FF, v6;
	v8 =	vand.u32 $0x3FF, v8;
	v25 =	vshrl.u32 v9, $0x1  }
0x26: {  	v39 =	vld [tilespmem:$0x100];
	v9 =	vand.u32 $0x3FF, v9;
	v13 =	vshrl.u32 v21, $0x1;
	v28 =	vshrl.u32 v11, $0x1  }
0x27: {  	v42 =	vld [tilespmem:$0x110];
	v11 =	vand.u32 $0x3FF, v11;
	v30 =	vshrl.u32 v12, $0x1;
	v32 =	vand.u32 $0x3FF, v12  }
0x28: {  	v47 =	vld [tilespmem:$0x120];
	v33 =	vshrl.u32 v26, $0x1;
	v34 =	vshrl.u32 v14, $0x1;
	v36 =	vand.u32 $0x3FF, v14  }
0x29: {  	v38 =	vshrl.u32 v15, $0x1;
	v40 =	vand.u32 $0x3FF, v15;
	v41 =	vshrl.u32 v31, $0x1  }
0x2a: {  	v44 =	vshrl.u32 v16, $0x1;
	v45 =	vand.u32 $0x3FF, v31;
	v46 =	vand.u32 $0x3FF, v16  }
0x2b: {  	v48 =	vshrl.u32 v37, $0x1;
	v50 =	vand.u32 $0x3FF, v37;
	v51 =	vshrl.u32 v39, $0x1  }
0x2c: {  	v49 =	vld [tilespmem:$0x130];
	v54 =	vshrl.u32 v42, $0x1;
	v55 =	vand.u32 $0x3FF, v42;
	v5 =	vand.u32 $0x7FFFFC00, v5  }
0x2d: {  	v52 =	vld [tilespmem:$0x140];
	v57 =	vshrl.u32 v47, $0x1;
	v18 =	vand.u32 $0x7FFFFC00, v7;
	v1 =	vor.u32 v1, v5  }
0x2e: {  	v60 =	vand.u32 $0x3FF, v47;
	v7 =	vand.u32 $0x7FFFFC00, v19;
	v2 =	vor.u32 v2, v18;
	[tilespmem:$0x200] =	vst v1  }
0x2f: {  	v22 =	vand.u32 $0x7FFFFC00, v10;
	v10 =	vand.u32 $0x7FFFFC00, v23;
	v3 =	vor.u32 v3, v7;
	[tilespmem:$0x210] =	vst v2  }
0x30: {  	v27 =	vand.u32 $0x7FFFFC00, v13;
	v13 =	vand.u32 $0x7FFFFC00, v28;
	v24 =	vor.u32 v8, v10;
	[tilespmem:$0x220] =	vst v3  }
0x31: {  	v61 =	vshrl.u32 v49, $0x1;
	v5 =	vand.u32 $0x7FFFFC00, v20;
	v29 =	vor.u32 v11, v13;
	[tilespmem:$0x250] =	vst v24  }
0x32: {  	v14 =	vand.u32 $0x3FF, v49;
	v15 =	vand.u32 $0x3FF, v52;
	v4 =	vor.u32 v4, v5;
	[tilespmem:$0x280] =	vst v29  }
0x33: {  	v62 =	vld [tilespmem:$0x170];
	v35 =	vand.u32 $0x7FFFFC00, v34;
	v8 =	vand.u32 $0x7FFFFC00, v25;
	v5 =	vor.u32 v6, v22;
	[tilespmem:$0x230] =	vst v4  }
0x34: {  	v56 =	vld [tilespmem:$0x150];
	v43 =	vand.u32 $0x7FFFFC00, v41;
	v7 =	vand.u32 $0x3FF, v21;
	v8 =	vor.u32 v9, v8;
	[tilespmem:$0x240] =	vst v5  }
0x35: {  	v53 =	vand.u32 $0x7FFFFC00, v51;
	v7 =	vor.u32 v7, v27;
	v1 =	vand.u32 $0x7FFFFC00, v30;
	[tilespmem:$0x260] =	vst v8  }
0x36: {  	v58 =	vld [tilespmem:$0x160];
	v2 =	vand.u32 $0x7FFFFC00, v33;
	v3 =	vand.u32 $0x3FF, v26;
	v1 =	vor.u32 v32, v1;
	[tilespmem:$0x270] =	vst v7  }
0x37: {  	v59 =	vand.u32 $0x7FFFFC00, v57;
	v63 =	vand.u32 $0x7FFFFC00, v61;
	v2 =	vor.u32 v3, v2;
	[tilespmem:$0x290] =	vst v1  }
0x38: {  	v23 =	vshrl.u32 v62, $0x1;
	v10 =	vshrl.u32 v52, $0x1;
	v3 =	vor.u32 v36, v35;
	[tilespmem:$0x2A0] =	vst v2  }
0x39: {  	v16 =	vld [tilespmem:$0x180];
	v18 =	vshrl.u32 v56, $0x1;
	v6 =	vand.u32 $0x7FFFFC00, v44;
	v5 =	vor.u32 v45, v43;
	[tilespmem:$0x2B0] =	vst v3  }
0x3a: {  	v31 =	vld [tilespmem:$0x1D0];
	v20 =	vand.u32 $0x3FF, v56;
	v4 =	vand.u32 $0x7FFFFC00, v38;
	v6 =	vor.u32 v46, v6;
	[tilespmem:$0x2D0] =	vst v5  }
0x3b: {  	v37 =	vld [tilespmem:$0x1F0];
	v21 =	vshrl.u32 v58, $0x1;
	v7 =	vand.u32 $0x7FFFFC00, v48;
	v4 =	vor.u32 v40, v4;
	[tilespmem:$0x2E0] =	vst v6  }
0x3c: {  	v19 =	vld [tilespmem:$0x190];
	v25 =	vand.u32 $0x3FF, v62;
	v9 =	vand.u32 $0x7FFFFC00, v54;
	v1 =	vor.u32 v50, v7;
	[tilespmem:$0x2C0] =	vst v4  }
0x3d: {  	v28 =	vld [tilespmem:$0x1C0];
	v24 =	vand.u32 $0x3FF, v58;
	v2 =	vand.u32 $0x3FF, v39;
	v3 =	vor.u32 v55, v9;
	[tilespmem:$0x2F0] =	vst v1  }
0x3e: {  	v7 =	vand.u32 $0x7FFFFC00, v10;
	v6 =	vand.u32 $0x7FFFFC00, v23;
	v2 =	vor.u32 v2, v53;
	[tilespmem:$0x310] =	vst v3  }
0x3f: {  	v22 =	vld [tilespmem:$0x1A0];
	v27 =	vshrl.u32 v16, $0x1;
	v29 =	vand.u32 $0x3FF, v16;
	v4 =	vor.u32 v60, v59;
	[tilespmem:$0x300] =	vst v2  }
0x40: {  	v40 =	vshrl.u32 v31, $0x1;
	v41 =	vand.u32 $0x3FF, v31;
	v1 =	vor.u32 v14, v63;
	[tilespmem:$0x320] =	vst v4  }
0x41: {  	v26 =	vld [tilespmem:$0x1B0];
	v42 =	vshrl.u32 v37, $0x1;
	v17 =	vor.u32 v15, v7;
	v3 =	vand.u32 $0x7FFFFC00, v21;
	[tilespmem:$0x330] =	vst v1  }
0x42: {  	v30 =	vshrl.u32 v19, $0x1;
	v39 =	vshrl.u32 v28, $0x1;
	v1 =	vor.u32 v24, v3;
	[tilespmem:$0x340] =	vst v17  }
0x43: {  	v2 =	vand.u32 $0x7FFFFC00, v18;
	v3 =	vor.u32 v25, v6;
	v4 =	vand.u32 $0x7FFFFC00, v27;
	[tilespmem:$0x360] =	vst v1  }
0x44: {  	v35 =	vld [tilespmem:$0x1E0];
	v32 =	vand.u32 $0x7FFFFC00, v30;
	v2 =	vor.u32 v20, v2;
	v33 =	vshrl.u32 v22, $0x1;
	[tilespmem:$0x370] =	vst v3  }
0x45: {  	v1 =	vand.u32 $0x3FF, v19;
	v34 =	vand.u32 $0x3FF, v22;
	[tilespmem:$0x350] =	vst v2;
	v2 =	vor.u32 v29, v4  }
0x46: {  	v36 =	vshrl.u32 v26, $0x1;
	v5 =	vand.u32 $0x7FFFFC00, v33;
	v1 =	vor.u32 v1, v32;
	[tilespmem:$0x380] =	vst v2  }
0x47: {  	v38 =	vand.u32 $0x3FF, v26;
	v3 =	vor.u32 v34, v5;
	v2 =	vand.u32 $0x7FFFFC00, v36;
	[tilespmem:$0x390] =	vst v1  }
0x48: {  	v1 =	vor.u32 v38, v2;
	v2 =	vand.u32 $0x7FFFFC00, v39;
	[tilespmem:$0x3A0] =	vst v3;
	v3 =	vand.u32 $0x3FF, v28  }
0x49: {  	v4 =	vand.u32 $0x7FFFFC00, v40;
	[tilespmem:$0x3B0] =	vst v1;
	v1 =	vor.u32 v3, v2;
	v3 =	vshrl.u32 v35, $0x1  }
0x4a: {  	v2 =	vor.u32 v41, v4;
	[tilespmem:$0x3C0] =	vst v1;
	v1 =	vand.u32 $0x7FFFFC00, v3;
	v3 =	vand.u32 $0x3FF, v35  }
0x4b: {  	[tilespmem:$0x3D0] =	vst v2;
	v2 =	vand.u32 $0x7FFFFC00, v42;
	v1 =	vor.u32 v3, v1;
	v3 =	vand.u32 $0x3FF, v37  }
0x4c: {  	[tilespmem:$0x3E0] =	vst v1;
	v1 =	vor.u32 v3, v2  }
0x4d: {  	s0 =	simm.s32 $0x200;
	[tilespmem:$0x3F0] =	vst v1  }
0x4e: {  	[tilespmem:s13], [sflag:$0x1] =	stream.indirect.gather [hbm4b:s3+s11], $0x80, s0, s11, $0xb8;
	[tilespmem:$0x18800] =	vst v63  }
0x4f: {  	s12 =	simm.s32 $0x280  }
0x50: {  	[tilespmem:s15], [sflag:$0x1] =	stream.indirect.gather [hbm4b:s3+s11], $0x80, s12, s11, $0xb8;
	[tilespmem:$0x18800] =	vst v63  }
0x51: {  	_ = 	snop  }
0x52: {  	[tilespmem:s17], [sflag:$0x1] =	stream.indirect.gather [hbm4b:s3+s11], $0x80, s16, s11, $0xb8;
	[tilespmem:$0x18800] =	vst v63  }
0x53: {  	_ = 	snop  }
0x54: {  	[tilespmem:s19], [sflag:$0x1] =	stream.indirect.gather [hbm4b:s3+s11], $0x80, s18, s11, $0xb8;
	[tilespmem:$0x18800] =	vst v63  }
0x55: {  	_ = 	snop  }
0x56: {  	[tilespmem:s22], [sflag:$0x2] =	stream.strided.gather [hbm4b:s6+s20], $0x8000, s21, s20, $0x38;
	[tilespmem:$0x18800] =	vst v63  }
0x57: {  	_ =	swait.ge [sflag:s10], $0x8000  }
0x58: {  	[sflag:s10] =	ssyncset.done $0x0  }
0x59: {  	s28 =	simm.s32 $0x18400;
	[sflag:s10] =	ssyncadd.s32 $0xFFFF8000  }
0x5a: {  	[tilespmem:s28], [sflag:$0x2] =	stream.linear.gather [hbm4b:s7+s2], $0x200, $0x38;
	[tilespmem:$0x18800] =	vst v63  }
0x5b: {  	_ =	swait.ge [sflag:s10], $0x200  }
0x5c: {  	[sflag:s10] =	ssyncset.done $0x0  }
0x5d: {  	[sflag:s10] =	ssyncadd.s32 $0xFFFFFE00  }
0x5e: {  	_ =	swait.ge [sflag:s23], $0x4000  }
0x5f: {  	[sflag:s23] =	ssyncset.done $0x0  }
0x60: {  	[sflag:s23] =	ssyncadd.s32 $0xFFFFC000  }
0x61: {  	_ =	swait.ge [sflag:s23], $0x4000  }
0x62: {  	[sflag:s23] =	ssyncset.done $0x0  }
0x63: {  	[sflag:s23] =	ssyncadd.s32 $0xFFFFC000  }
0x64: {  	_ =	swait.ge [sflag:s23], $0x4000  }
0x65: {  	[sflag:s23] =	ssyncset.done $0x0  }
0x66: {  	[sflag:s23] =	ssyncadd.s32 $0xFFFFC000  }
0x67: {  	_ =	swait.ge [sflag:s23], $0x4000  }
0x68: {  	s14 =	sand.u32 $0x70, s2;
	s1 =	sand.u32 $0xC00, s2;
	[sflag:s23] =	ssyncset.done $0x0  }
0x69: {  	s0 =	sor.u32 s14, s1;
	[sflag:s23] =	ssyncadd.s32 $0xFFFFC000  }
0x6a: {  	v43 =	vld [tilespmem:s0+$0x480]  }
0x6b: {  	v3 =	vld [tilespmem:s0+$0x400];
	_ =	sdelay $0x1  }
0x6c: {  	v44 =	vld [tilespmem:s0+$0x500];
	_ =	sdelay $0x1  }
0x6d: {  	v45 =	vld [tilespmem:s0+$0x580]  }
0x6e: {  	v1 =	vmul.f32 v3, v3;
	v2 =	vmul.f32 v43, v43  }
0x6f: {  	v46 =	vld [tilespmem:s0+$0x600]  }
0x70: {  	v1 =	vadd.f32 v2, v1;
	v2 =	vmul.f32 v44, v44  }
0x71: {  	v47 =	vld [tilespmem:s0+$0x680]  }
0x72: {  	v1 =	vadd.f32 v2, v1;
	v2 =	vmul.f32 v45, v45  }
0x73: {  	s12 =	sor.u32 s2, s2;
	v48 =	vld [tilespmem:s0+$0x700]  }
0x74: {  	s1 =	sor.u32 $0x380, s12;
	v1 =	vadd.f32 v2, v1;
	v2 =	vmul.f32 v46, v46  }
0x75: {  	v10 =	vld [tilespmem:s1+$0x400]  }
0x76: {  	v1 =	vadd.f32 v2, v1;
	v2 =	vmul.f32 v47, v47  }
0x77: {  	v11 =	vld [tilespmem:s0+$0x1400]  }
0x78: {  	v1 =	vadd.f32 v2, v1;
	v2 =	vmul.f32 v48, v48  }
0x79: {  	v12 =	vld [tilespmem:s0+$0x1480]  }
0x7a: {  	v1 =	vadd.f32 v2, v1;
	v2 =	vmul.f32 v10, v10  }
0x7b: {  	v13 =	vld [tilespmem:s0+$0x1500]  }
0x7c: {  	v1 =	vadd.f32 v2, v1;
	v2 =	vmul.f32 v11, v11  }
0x7d: {  	v14 =	vld [tilespmem:s0+$0x1580]  }
0x7e: {  	v1 =	vadd.f32 v2, v1;
	v2 =	vmul.f32 v12, v12  }
0x7f: {  	v15 =	vld [tilespmem:s0+$0x1600]  }
0x80: {  	v1 =	vadd.f32 v2, v1;
	v2 =	vmul.f32 v13, v13  }
0x81: {  	v16 =	vld [tilespmem:s0+$0x1680]  }
0x82: {  	v1 =	vadd.f32 v2, v1;
	v2 =	vmul.f32 v14, v14  }
0x83: {  	v17 =	vld [tilespmem:s0+$0x1700]  }
0x84: {  	v19 =	vld [tilespmem:s2+$0x0];
	v1 =	vadd.f32 v2, v1;
	v2 =	vmul.f32 v15, v15  }
0x85: {  	v18 =	vld [tilespmem:s0+$0x1780]  }
0x86: {  	v1 =	vadd.f32 v2, v1;
	v2 =	vmul.f32 v16, v16  }
0x87: {  	v21 =	vmov s2;
	v20 =	vld [tilespmem:s0+$0x2400]  }
0x88: {  	v21 =	vshll.u32 v21, $0x7;
	v1 =	vadd.f32 v2, v1;
	v2 =	vmul.f32 v17, v17  }
0x89: {  	v21 =	vor.u32 v0, v21;
	v22 =	vld [tilespmem:s0+$0x2480];
	v19 =	vshrl.u32 v19, $0x4  }
0x8a: {  	v24 =	vmul.f32 v18, v18;
	v19 =	vand.u32 $0x40, v19;
	v2 =	vadd.f32 v2, v1  }
0x8b: {  	v23 =	vld [tilespmem:s0+$0x2500];
	v1 =	vor.u32 v21, v19  }
0x8c: {  	v49 =	vmul.f32 v20, v20;
	v2 =	vadd.f32 v24, v2  }
0x8d: {  	v27 =	vor.u32 $0x1, v1;
	v24 =	vld [tilespmem:s0+$0x2580]  }
0x8e: {  	v50 =	vmul.f32 v22, v22;
	v2 =	vadd.f32 v49, v2  }
0x8f: {  	v25 =	vld [tilespmem:s0+$0x2600];
	v28 =	vor.u32 $0x2, v1  }
0x90: {  	v51 =	vmul.f32 v23, v23;
	v29 =	vld.idx.msk [tilespmem:v1+s13+$0x0], $0xffff;
	v2 =	vadd.f32 v50, v2  }
0x91: {  	v26 =	vld [tilespmem:s0+$0x2680];
	v30 =	vor.u32 $0x3, v1  }
0x92: {  	v27 =	vld.idx.msk [tilespmem:v27+s13+$0x0], $0xffff;
	v31 =	vmul.f32 v24, v24;
	v2 =	vadd.f32 v51, v2  }
0x93: {  	v21 =	vld [tilespmem:s0+$0x2700];
	v32 =	vor.u32 $0x4, v1  }
0x94: {  	v33 =	vmul.f32 v25, v25;
	v28 =	vld.idx.msk [tilespmem:v28+s13+$0x0], $0xffff;
	v31 =	vadd.f32 v31, v2  }
0x95: {  	v19 =	vld [tilespmem:s0+$0x2780];
	v34 =	vor.u32 $0x5, v1;
	v29 =	vmul.f32 v3, v29  }
0x96: {  	v52 =	vmul.f32 v26, v26;
	v30 =	vld.idx.msk [tilespmem:v30+s13+$0x0], $0xffff;
	v31 =	vadd.f32 v33, v31  }
0x97: {  	v35 =	vor.u32 $0x6, v1;
	v2 =	vld [tilespmem:s0+$0x3400];
	v27 =	vmul.f32 v43, v27;
	v29 =	vadd.f32 $0.0e+00, v29  }
0x98: {  	v36 =	vmul.f32 v21, v21;
	v32 =	vld.idx.msk [tilespmem:v32+s13+$0x0], $0xffff;
	v31 =	vadd.f32 v52, v31  }
0x99: {  	v53 =	vor.u32 $0x7, v1;
	v3 =	vld [tilespmem:s0+$0x3480];
	v28 =	vmul.f32 v44, v28;
	v27 =	vadd.f32 v27, v29  }
0x9a: {  	v37 =	vmul.f32 v19, v19;
	v55 =	vld.idx.msk [tilespmem:v34+s13+$0x0], $0xffff;
	v54 =	vadd.f32 v36, v31  }
0x9b: {  	v4 =	vld [tilespmem:s0+$0x3500];
	v56 =	vor.u32 $0x8, v1;
	v58 =	vmul.f32 v45, v30;
	v27 =	vadd.f32 v28, v27  }
0x9c: {  	v59 =	vld.idx.msk [tilespmem:v35+s13+$0x0], $0xffff;
	v57 =	vmul.f32 v2, v2;
	v29 =	vadd.f32 v37, v54  }
0x9d: {  	v5 =	vld [tilespmem:s0+$0x3580];
	v60 =	vor.u32 $0x9, v1;
	v62 =	vmul.f32 v46, v32;
	v27 =	vadd.f32 v58, v27  }
0x9e: {  	v63 =	vld.idx.msk [tilespmem:v53+s13+$0x0], $0xffff;
	v61 =	vmul.f32 v3, v3;
	v29 =	vadd.f32 v57, v29  }
0x9f: {  	v6 =	vld [tilespmem:s0+$0x3600];
	v40 =	vor.u32 $0xA, v1;
	v42 =	vmul.f32 v47, v55;
	v27 =	vadd.f32 v62, v27  }
0xa0: {  	v41 =	vmul.f32 v4, v4;
	v43 =	vld.idx.msk [tilespmem:v56+s13+$0x0], $0xffff;
	v29 =	vadd.f32 v61, v29  }
0xa1: {  	v7 =	vld [tilespmem:s0+$0x3680];
	v44 =	vor.u32 $0xB, v1;
	v46 =	vmul.f32 v48, v59;
	v27 =	vadd.f32 v42, v27  }
0xa2: {  	v45 =	vmul.f32 v5, v5;
	v47 =	vld.idx.msk [tilespmem:v60+s13+$0x0], $0xffff;
	v29 =	vadd.f32 v41, v29  }
0xa3: {  	v8 =	vld [tilespmem:s0+$0x3700];
	v48 =	vor.u32 $0xC, v1;
	v50 =	vmul.f32 v10, v63;
	v27 =	vadd.f32 v46, v27  }
0xa4: {  	v49 =	vmul.f32 v6, v6;
	v51 =	vld.idx.msk [tilespmem:v40+s13+$0x0], $0xffff;
	v29 =	vadd.f32 v45, v29  }
0xa5: {  	v9 =	vld [tilespmem:s0+$0x3780];
	v52 =	vor.u32 $0xD, v1;
	v54 =	vmul.f32 v11, v43;
	v27 =	vadd.f32 v50, v27  }
0xa6: {  	v53 =	vmul.f32 v7, v7;
	v55 =	vld.idx.msk [tilespmem:v44+s13+$0x0], $0xffff;
	v29 =	vadd.f32 v49, v29  }
0xa7: {  	v10 =	vld [tilespmem:s0+$0x4400];
	v56 =	vor.u32 $0xE, v1;
	v58 =	vmul.f32 v12, v47;
	v27 =	vadd.f32 v54, v27  }
0xa8: {  	v59 =	vld.idx.msk [tilespmem:v48+s13+$0x0], $0xffff;
	v57 =	vmul.f32 v8, v8;
	v29 =	vadd.f32 v53, v29  }
0xa9: {  	v60 =	vor.u32 $0xF, v1;
	v11 =	vld [tilespmem:s0+$0x4480];
	v62 =	vmul.f32 v13, v51;
	v27 =	vadd.f32 v58, v27  }
0xaa: {  	v63 =	vld.idx.msk [tilespmem:v52+s13+$0x0], $0xffff;
	v61 =	vmul.f32 v9, v9;
	v29 =	vadd.f32 v57, v29  }
0xab: {  	v40 =	vor.u32 $0x10, v1;
	v12 =	vld [tilespmem:s0+$0x4500];
	v42 =	vmul.f32 v14, v55;
	v27 =	vadd.f32 v62, v27  }
0xac: {  	v43 =	vld.idx.msk [tilespmem:v56+s13+$0x0], $0xffff;
	v41 =	vmul.f32 v10, v10;
	v29 =	vadd.f32 v61, v29  }
0xad: {  	v44 =	vor.u32 $0x11, v1;
	v13 =	vld [tilespmem:s0+$0x4580];
	v46 =	vmul.f32 v15, v59;
	v27 =	vadd.f32 v42, v27  }
0xae: {  	v47 =	vld.idx.msk [tilespmem:v60+s13+$0x0], $0xffff;
	v45 =	vmul.f32 v11, v11;
	v29 =	vadd.f32 v41, v29  }
0xaf: {  	v48 =	vor.u32 $0x12, v1;
	v14 =	vld [tilespmem:s0+$0x4600];
	v50 =	vmul.f32 v16, v63;
	v27 =	vadd.f32 v46, v27  }
0xb0: {  	v51 =	vld.idx.msk [tilespmem:v40+s13+$0x0], $0xffff;
	v49 =	vmul.f32 v12, v12;
	v29 =	vadd.f32 v45, v29  }
0xb1: {  	v52 =	vor.u32 $0x13, v1;
	v15 =	vld [tilespmem:s0+$0x4680];
	v54 =	vmul.f32 v17, v43;
	v27 =	vadd.f32 v50, v27  }
0xb2: {  	v55 =	vld.idx.msk [tilespmem:v44+s13+$0x0], $0xffff;
	v53 =	vmul.f32 v13, v13;
	v29 =	vadd.f32 v49, v29  }
0xb3: {  	v56 =	vor.u32 $0x14, v1;
	v16 =	vld [tilespmem:s0+$0x4700];
	v58 =	vmul.f32 v18, v47;
	v27 =	vadd.f32 v54, v27  }
0xb4: {  	v59 =	vld.idx.msk [tilespmem:v48+s13+$0x0], $0xffff;
	v57 =	vmul.f32 v14, v14;
	v29 =	vadd.f32 v53, v29  }
0xb5: {  	v60 =	vor.u32 $0x15, v1;
	v17 =	vld [tilespmem:s0+$0x4780];
	v62 =	vmul.f32 v20, v51;
	v27 =	vadd.f32 v58, v27  }
0xb6: {  	v63 =	vld.idx.msk [tilespmem:v52+s13+$0x0], $0xffff;
	v61 =	vmul.f32 v15, v15;
	v29 =	vadd.f32 v57, v29  }
0xb7: {  	v40 =	vor.u32 $0x16, v1;
	v18 =	vld [tilespmem:s0+$0x5400];
	v42 =	vmul.f32 v22, v55;
	v27 =	vadd.f32 v62, v27  }
0xb8: {  	v43 =	vld.idx.msk [tilespmem:v56+s13+$0x0], $0xffff;
	v41 =	vmul.f32 v16, v16;
	v29 =	vadd.f32 v61, v29  }
0xb9: {  	v44 =	vor.u32 $0x17, v1;
	v20 =	vld [tilespmem:s0+$0x5480];
	v46 =	vmul.f32 v23, v59;
	v27 =	vadd.f32 v42, v27  }
0xba: {  	v47 =	vld.idx.msk [tilespmem:v60+s13+$0x0], $0xffff;
	v45 =	vmul.f32 v17, v17;
	v29 =	vadd.f32 v41, v29  }
0xbb: {  	v48 =	vor.u32 $0x18, v1;
	v22 =	vld [tilespmem:s0+$0x5500];
	v50 =	vmul.f32 v24, v63;
	v27 =	vadd.f32 v46, v27  }
0xbc: {  	v51 =	vld.idx.msk [tilespmem:v40+s13+$0x0], $0xffff;
	v49 =	vmul.f32 v18, v18;
	v29 =	vadd.f32 v45, v29  }
0xbd: {  	v52 =	vor.u32 $0x19, v1;
	v23 =	vld [tilespmem:s0+$0x5580];
	v54 =	vmul.f32 v25, v43;
	v27 =	vadd.f32 v50, v27  }
0xbe: {  	v55 =	vld.idx.msk [tilespmem:v44+s13+$0x0], $0xffff;
	v53 =	vmul.f32 v20, v20;
	v29 =	vadd.f32 v49, v29  }
0xbf: {  	v56 =	vor.u32 $0x1A, v1;
	v24 =	vld [tilespmem:s0+$0x5600];
	v58 =	vmul.f32 v26, v47;
	v27 =	vadd.f32 v54, v27  }
0xc0: {  	v59 =	vld.idx.msk [tilespmem:v48+s13+$0x0], $0xffff;
	v57 =	vmul.f32 v22, v22;
	v29 =	vadd.f32 v53, v29  }
0xc1: {  	v60 =	vor.u32 $0x1B, v1;
	v25 =	vld [tilespmem:s0+$0x5680];
	v62 =	vmul.f32 v21, v51;
	v27 =	vadd.f32 v58, v27  }
0xc2: {  	v63 =	vld.idx.msk [tilespmem:v52+s13+$0x0], $0xffff;
	v61 =	vmul.f32 v23, v23;
	v29 =	vadd.f32 v57, v29  }
0xc3: {  	v40 =	vor.u32 $0x1C, v1;
	v26 =	vld [tilespmem:s0+$0x5700];
	v42 =	vmul.f32 v19, v55;
	v27 =	vadd.f32 v62, v27  }
0xc4: {  	v43 =	vld.idx.msk [tilespmem:v56+s13+$0x0], $0xffff;
	v41 =	vmul.f32 v24, v24;
	v29 =	vadd.f32 v61, v29  }
0xc5: {  	v44 =	vor.u32 $0x1D, v1;
	v21 =	vld [tilespmem:s0+$0x5780];
	v46 =	vmul.f32 v2, v59;
	v27 =	vadd.f32 v42, v27  }
0xc6: {  	v47 =	vld.idx.msk [tilespmem:v60+s13+$0x0], $0xffff;
	v45 =	vmul.f32 v25, v25;
	v29 =	vadd.f32 v41, v29  }
0xc7: {  	v48 =	vor.u32 $0x1E, v1;
	v19 =	vld [tilespmem:s0+$0x6400];
	v50 =	vmul.f32 v3, v63;
	v27 =	vadd.f32 v46, v27  }
0xc8: {  	v51 =	vld.idx.msk [tilespmem:v40+s13+$0x0], $0xffff;
	v49 =	vmul.f32 v26, v26;
	v29 =	vadd.f32 v45, v29  }
0xc9: {  	v52 =	vor.u32 $0x1F, v1;
	v2 =	vld [tilespmem:s0+$0x6480];
	v54 =	vmul.f32 v4, v43;
	v27 =	vadd.f32 v50, v27  }
0xca: {  	v55 =	vld.idx.msk [tilespmem:v44+s13+$0x0], $0xffff;
	v53 =	vmul.f32 v21, v21;
	v29 =	vadd.f32 v49, v29  }
0xcb: {  	v56 =	vor.u32 $0x20, v1;
	v3 =	vld [tilespmem:s0+$0x6500];
	v58 =	vmul.f32 v5, v47;
	v27 =	vadd.f32 v54, v27  }
0xcc: {  	v59 =	vld.idx.msk [tilespmem:v48+s13+$0x0], $0xffff;
	v57 =	vmul.f32 v19, v19;
	v29 =	vadd.f32 v53, v29  }
0xcd: {  	v60 =	vor.u32 $0x21, v1;
	v4 =	vld [tilespmem:s0+$0x6580];
	v62 =	vmul.f32 v6, v51;
	v27 =	vadd.f32 v58, v27  }
0xce: {  	v63 =	vld.idx.msk [tilespmem:v52+s13+$0x0], $0xffff;
	v61 =	vmul.f32 v2, v2;
	v29 =	vadd.f32 v57, v29  }
0xcf: {  	v40 =	vor.u32 $0x22, v1;
	v5 =	vld [tilespmem:s0+$0x6600];
	v42 =	vmul.f32 v7, v55;
	v27 =	vadd.f32 v62, v27  }
0xd0: {  	v43 =	vld.idx.msk [tilespmem:v56+s13+$0x0], $0xffff;
	v41 =	vmul.f32 v3, v3;
	v29 =	vadd.f32 v61, v29  }
0xd1: {  	v44 =	vor.u32 $0x23, v1;
	v6 =	vld [tilespmem:s0+$0x6680];
	v46 =	vmul.f32 v8, v59;
	v27 =	vadd.f32 v42, v27  }
0xd2: {  	v47 =	vld.idx.msk [tilespmem:v60+s13+$0x0], $0xffff;
	v45 =	vmul.f32 v4, v4;
	v29 =	vadd.f32 v41, v29  }
0xd3: {  	v48 =	vor.u32 $0x24, v1;
	v7 =	vld [tilespmem:s0+$0x6700];
	v50 =	vmul.f32 v9, v63;
	v27 =	vadd.f32 v46, v27  }
0xd4: {  	v51 =	vld.idx.msk [tilespmem:v40+s13+$0x0], $0xffff;
	v49 =	vmul.f32 v5, v5;
	v29 =	vadd.f32 v45, v29  }
0xd5: {  	v52 =	vor.u32 $0x25, v1;
	v8 =	vld [tilespmem:s0+$0x6780];
	v54 =	vmul.f32 v10, v43;
	v27 =	vadd.f32 v50, v27  }
0xd6: {  	v55 =	vld.idx.msk [tilespmem:v44+s13+$0x0], $0xffff;
	v53 =	vmul.f32 v6, v6;
	v29 =	vadd.f32 v49, v29  }
0xd7: {  	v56 =	vor.u32 $0x26, v1;
	v9 =	vld [tilespmem:s0+$0x7400];
	v58 =	vmul.f32 v11, v47;
	v27 =	vadd.f32 v54, v27  }
0xd8: {  	v59 =	vld.idx.msk [tilespmem:v48+s13+$0x0], $0xffff;
	v57 =	vmul.f32 v7, v7;
	v29 =	vadd.f32 v53, v29  }
0xd9: {  	v60 =	vor.u32 $0x27, v1;
	v10 =	vld [tilespmem:s0+$0x7480];
	v62 =	vmul.f32 v12, v51;
	v27 =	vadd.f32 v58, v27  }
0xda: {  	v63 =	vld.idx.msk [tilespmem:v52+s13+$0x0], $0xffff;
	v61 =	vmul.f32 v8, v8;
	v29 =	vadd.f32 v57, v29  }
0xdb: {  	v40 =	vor.u32 $0x28, v1;
	v11 =	vld [tilespmem:s0+$0x7500];
	v42 =	vmul.f32 v13, v55;
	v27 =	vadd.f32 v62, v27  }
0xdc: {  	v43 =	vld.idx.msk [tilespmem:v56+s13+$0x0], $0xffff;
	v41 =	vmul.f32 v9, v9;
	v29 =	vadd.f32 v61, v29  }
0xdd: {  	v44 =	vor.u32 $0x29, v1;
	v12 =	vld [tilespmem:s0+$0x7580];
	v46 =	vmul.f32 v14, v59;
	v27 =	vadd.f32 v42, v27  }
0xde: {  	v47 =	vld.idx.msk [tilespmem:v60+s13+$0x0], $0xffff;
	v45 =	vmul.f32 v10, v10;
	v29 =	vadd.f32 v41, v29  }
0xdf: {  	v48 =	vor.u32 $0x2A, v1;
	v15 =	vmul.f32 v15, v63;
	v13 =	vld [tilespmem:s0+$0x7600];
	v27 =	vadd.f32 v46, v27  }
0xe0: {  	v51 =	vld.idx.msk [tilespmem:v40+s13+$0x0], $0xffff;
	v49 =	vmul.f32 v11, v11;
	v50 =	vadd.f32 v45, v29  }
0xe1: {  	v52 =	vor.u32 $0x2B, v1;
	v16 =	vmul.f32 v16, v43;
	v14 =	vld [tilespmem:s0+$0x7680];
	v15 =	vadd.f32 v15, v27  }
0xe2: {  	v55 =	vld.idx.msk [tilespmem:v44+s13+$0x0], $0xffff;
	v53 =	vmul.f32 v12, v12;
	v54 =	vadd.f32 v49, v50  }
0xe3: {  	v37 =	vld [tilespmem:s0+$0x7700];
	v56 =	vor.u32 $0x2C, v1;
	v58 =	vmul.f32 v17, v47;
	v15 =	vadd.f32 v16, v15  }
0xe4: {  	v60 =	vld.idx.msk [tilespmem:v48+s13+$0x0], $0xffff;
	v57 =	vmul.f32 v13, v13;
	v61 =	vor.u32 $0x2D, v1;
	v59 =	vadd.f32 v53, v54  }
0xe5: {  	v36 =	vld [tilespmem:s0+$0x7780];
	v63 =	vmul.f32 v18, v51;
	v15 =	vadd.f32 v58, v15  }
0xe6: {  	v38 =	vld.idx.msk [tilespmem:v52+s13+$0x0], $0xffff;
	v62 =	vmul.f32 v14, v14;
	v17 =	vadd.f32 v57, v59  }
0xe7: {  	v39 =	vor.u32 $0x2E, v1;
	v41 =	vmul.f32 v20, v55;
	v15 =	vadd.f32 v63, v15  }
0xe8: {  	v40 =	vmul.f32 v37, v37;
	v42 =	vld.idx.msk [tilespmem:v56+s13+$0x0], $0xffff;
	v17 =	vadd.f32 v62, v17  }
0xe9: {  	v43 =	vor.u32 $0x2F, v1;
	v45 =	vmul.f32 v22, v60;
	v46 =	vld.idx.msk [tilespmem:v61+s13+$0x0], $0xffff;
	v15 =	vadd.f32 v41, v15  }
0xea: {  	v44 =	vmul.f32 v36, v36;
	v17 =	vadd.f32 v40, v17  }
0xeb: {  	v48 =	vmul.f32 v23, v38;
	v47 =	vor.u32 $0x30, v1;
	v15 =	vadd.f32 v45, v15  }
0xec: {  	v49 =	vld.idx.msk [tilespmem:v39+s13+$0x0], $0xffff;
	v17 =	vadd.f32 v44, v17  }
0xed: {  	v51 =	vmul.f32 v24, v42;
	v50 =	vor.u32 $0x31, v1;
	v15 =	vadd.f32 v48, v15  }
0xee: {  	v52 =	vld.idx.msk [tilespmem:v43+s13+$0x0], $0xffff;
	v53 =	vor.u32 $0x32, v1;
	v56 =	vmul.f32 v25, v46;
	v17 =	vmax.f32 v17, $1.000000000e-30  }
0xef: {  	v15 =	vadd.f32 v51, v15;
	v54 =	vshra.s32 v17, $0x1;
	v55 =	vmul.f32 $5.000000000e-01, v17  }
0xf0: {  	v60 =	vor.u32 $0x33, v1;
	v58 =	vld.idx.msk [tilespmem:v47+s13+$0x0], $0xffff;
	v57 =	vsub.s32 $0x5F3759DF, v54  }
0xf1: {  	v61 =	vmul.f32 v26, v49;
	v15 =	vadd.f32 v56, v15;
	v59 =	vmul.f32 v57, v55  }
0xf2: {  	v30 =	vor.u32 $0x34, v1;
	v62 =	vld.idx.msk [tilespmem:v50+s13+$0x0], $0xffff  }
0xf3: {  	v31 =	vmul.f32 v21, v52;
	v15 =	vadd.f32 v61, v15;
	v63 =	vmul.f32 v57, v59  }
0xf4: {  	v34 =	vor.u32 $0x35, v1;
	v32 =	vld.idx.msk [tilespmem:v53+s13+$0x0], $0xffff  }
0xf5: {  	v35 =	vmul.f32 v19, v58;
	v15 =	vadd.f32 v31, v15;
	v33 =	vsub.f32 $1.500000000e+00, v63  }
0xf6: {  	v39 =	vor.u32 $0x36, v1;
	v38 =	vld.idx.msk [tilespmem:v60+s13+$0x0], $0xffff  }
0xf7: {  	v2 =	vmul.f32 v2, v62;
	v15 =	vadd.f32 v35, v15;
	v21 =	vmul.f32 v57, v33  }
0xf8: {  	v42 =	vor.u32 $0x37, v1;
	v40 =	vld.idx.msk [tilespmem:v30+s13+$0x0], $0xffff  }
0xf9: {  	v3 =	vmul.f32 v3, v32;
	v2 =	vadd.f32 v2, v15;
	v41 =	vmul.f32 v21, v55  }
0xfa: {  	v43 =	vld.idx.msk [tilespmem:v34+s13+$0x0], $0xffff;
	v44 =	vor.u32 $0x38, v1  }
0xfb: {  	v2 =	vadd.f32 v3, v2;
	v3 =	vmul.f32 v4, v38;
	v18 =	vmul.f32 v41, v21  }
0xfc: {  	v46 =	vor.u32 $0x39, v1;
	v45 =	vld.idx.msk [tilespmem:v39+s13+$0x0], $0xffff  }
0xfd: {  	v2 =	vadd.f32 v3, v2;
	v3 =	vmul.f32 v5, v40;
	v18 =	vsub.f32 $1.500000000e+00, v18  }
0xfe: {  	v47 =	vld.idx.msk [tilespmem:v42+s13+$0x0], $0xffff;
	v49 =	vor.u32 $0x3A, v1  }
0xff: {  	v2 =	vadd.f32 v3, v2;
	v3 =	vmul.f32 v6, v43;
	v48 =	vmul.f32 v18, v21  }
0x100: {  	v52 =	vor.u32 $0x3B, v1;
	v50 =	vld.idx.msk [tilespmem:v44+s13+$0x0], $0xffff  }
0x101: {  	v2 =	vadd.f32 v3, v2;
	v3 =	vmul.f32 v7, v45;
	v51 =	vmul.f32 v48, v55  }
0x102: {  	v53 =	vld.idx.msk [tilespmem:v46+s13+$0x0], $0xffff;
	v55 =	vor.u32 $0x3C, v1  }
0x103: {  	v2 =	vadd.f32 v3, v2;
	v3 =	vmul.f32 v8, v47;
	v54 =	vmul.f32 v51, v48  }
0x104: {  	v56 =	vld.idx.msk [tilespmem:v49+s13+$0x0], $0xffff;
	v57 =	vor.u32 $0x3D, v1  }
0x105: {  	v2 =	vadd.f32 v3, v2;
	v3 =	vmul.f32 v9, v50;
	v7 =	vsub.f32 $1.500000000e+00, v54  }
0x106: {  	v58 =	vld.idx.msk [tilespmem:v52+s13+$0x0], $0xffff;
	v59 =	vor.u32 $0x3E, v1  }
0x107: {  	v2 =	vadd.f32 v3, v2;
	v3 =	vmul.f32 v10, v53;
	v7 =	vmul.f32 v7, v48  }
0x108: {  	v60 =	vld.idx.msk [tilespmem:v55+s13+$0x0], $0xffff  }
0x109: {  	v2 =	vadd.f32 v3, v2;
	v3 =	vmul.f32 v11, v56;
	v7 =	vmul.f32 v7, v17  }
0x10a: {  	v61 =	vld.idx.msk [tilespmem:v57+s13+$0x0], $0xffff;
	v1 =	vor.u32 $0x3F, v1  }
0x10b: {  	v2 =	vadd.f32 v3, v2;
	v3 =	vmul.f32 v12, v58;
	v7 =	vmax.f32 v7, $9.999999970e-07  }
0x10c: {  	v63 =	vld.idx.msk [tilespmem:v59+s13+$0x0], $0xffff;
	v62 =	vmul.f32 $8.000000000e+00, v7  }
0x10d: {  	v2 =	vadd.f32 v3, v2;
	v3 =	vmul.f32 v13, v60  }
0x10e: {  	(erf) = vrcp.f32 v62  }
0x10f: {  	v1 =	vld.idx.msk [tilespmem:v1+s13+$0x0], $0xffff;
	v2 =	vadd.f32 v3, v2;
	v3 =	vmul.f32 v14, v61;
	_ =	sdelay $0x1  }
0x110: {  	v2 =	vadd.f32 v3, v2;
	v3 =	vmul.f32 v37, v63;
	_ =	sdelay $0x1  }
0x111: {  	v2 =	vadd.f32 v3, v2  }
0x112: {  	v1 =	vmul.f32 v36, v1;
	_ =	sdelay $0x1  }
0x113: {  	v1 =	vadd.f32 v1, v2  }
0x114: {  	v2 =	vpop (erf)  }
0x115: {  	v1 =	vmul.f32 v2, v1;
	_ =	sdelay $0x1  }
0x116: {  	v1 =	vsub.f32 $0.0e+00, v1;
	_ =	sdelay $0x1  }
0x117: {  	v1 =	vmul.f32 $1.442695020e+00, v1;
	_ =	sdelay $0x1  }
0x118: {  	(erf) = vpow2.f32 v1;
	_ =	sdelay $0x8  }
0x119: {  	v1 =	vpop (erf)  }
0x11a: {  	v1 =	vadd.f32 $1.000000000e+00, v1;
	_ =	sdelay $0x1  }
0x11b: {  	(erf) = vrcp.f32 v1;
	_ =	sdelay $0x6  }
0x11c: {  	v1 =	vld [tilespmem:s28+$0x0];
	_ =	sdelay $0x1  }
0x11d: {  	v2 =	vpop (erf)  }
0x11e: {  	v2 =	vsub.f32 $1.000000000e+00, v2;
	_ =	sdelay $0x1  }
0x11f: {  	v1 =	vmul.f32 v2, v1;
	_ =	sdelay $0x1  }
0x120: {  	s31 =	simm.s32 $0x10;
	s1 =	simm.s32 $0x80;
	v1 =	vadd.f32 $1.000000000e+00, v1  }
0x121: {  	s29 =	simm.s32 $0x18600;
	s14 =	sand.u32 $0x70, s31;
	s12 =	sand.u32 $0xC00, s1  }
0x122: {  	s30 =	sor.u32 s14, s12;
	s12 =	simm.s32 $0x20;
	s0 =	simm.s32 $0x0;
	[tilespmem:s25+$0x0] =	vst v1  }
.LBB2_2:
0x123: {  	p0 =	sne.s32 s12, $0x1F0;
	v5 =	vld [tilespmem:s30+$0x480]  }
0x124: {  	v4 =	vld [tilespmem:s30+$0x400];
	_ =	sdelay $0x1  }
0x125: {  	v6 =	vld [tilespmem:s30+$0x500];
	_ =	sdelay $0x1  }
0x126: {  	v7 =	vld [tilespmem:s30+$0x580]  }
0x127: {  	v2 =	vmul.f32 v5, v5;
	v1 =	vmul.f32 v4, v4  }
0x128: {  	v8 =	vld [tilespmem:s30+$0x600]  }
0x129: {  	v1 =	vadd.f32 v2, v1;
	v2 =	vmul.f32 v6, v6  }
0x12a: {  	v9 =	vld [tilespmem:s30+$0x680]  }
0x12b: {  	v1 =	vadd.f32 v2, v1;
	v2 =	vmul.f32 v7, v7  }
0x12c: {  	s14 =	sor.u32 s1, s31;
	v10 =	vld [tilespmem:s30+$0x700]  }
0x12d: {  	s14 =	sor.u32 $0x380, s14;
	v1 =	vadd.f32 v2, v1;
	v2 =	vmul.f32 v8, v8  }
0x12e: {  	v11 =	vld [tilespmem:s14+$0x400]  }
0x12f: {  	v1 =	vadd.f32 v2, v1;
	v2 =	vmul.f32 v9, v9  }
0x130: {  	v12 =	vld [tilespmem:s30+$0x1400]  }
0x131: {  	v1 =	vadd.f32 v2, v1;
	v2 =	vmul.f32 v10, v10  }
0x132: {  	v13 =	vld [tilespmem:s30+$0x1480]  }
0x133: {  	v1 =	vadd.f32 v2, v1;
	v2 =	vmul.f32 v11, v11  }
0x134: {  	v14 =	vld [tilespmem:s30+$0x1500]  }
0x135: {  	v1 =	vadd.f32 v2, v1;
	v2 =	vmul.f32 v12, v12  }
0x136: {  	v15 =	vld [tilespmem:s30+$0x1580]  }
0x137: {  	v1 =	vadd.f32 v2, v1;
	v2 =	vmul.f32 v13, v13  }
0x138: {  	v16 =	vld [tilespmem:s30+$0x1600]  }
0x139: {  	v1 =	vadd.f32 v2, v1;
	v2 =	vmul.f32 v14, v14  }
0x13a: {  	v17 =	vld [tilespmem:s30+$0x1680]  }
0x13b: {  	v1 =	vadd.f32 v2, v1;
	v2 =	vmul.f32 v15, v15  }
0x13c: {  	s0 =	sadd.s32 $0x10, s0;
	v18 =	vld [tilespmem:s30+$0x1700]  }
0x13d: {  	v3 =	vld [tilespmem:s0+$0x0];
	v1 =	vadd.f32 v2, v1;
	v2 =	vmul.f32 v16, v16  }
0x13e: {  	v19 =	vld [tilespmem:s30+$0x1780]  }
0x13f: {  	v1 =	vadd.f32 v2, v1;
	v2 =	vmul.f32 v17, v17  }
0x140: {  	v20 =	vmov s31;
	s31 =	smov.u32 s12;
	v21 =	vld [tilespmem:s30+$0x2400]  }
0x141: {  	v20 =	vshll.u32 v20, $0x7;
	v1 =	vadd.f32 v2, v1;
	v2 =	vmul.f32 v18, v18  }
0x142: {  	v20 =	vor.u32 v0, v20;
	v3 =	vshrl.u32 v3, $0x4;
	v22 =	vld [tilespmem:s30+$0x2480]  }
0x143: {  	v3 =	vand.u32 $0x40, v3;
	v2 =	vadd.f32 v2, v1;
	v24 =	vmul.f32 v19, v19  }
0x144: {  	v1 =	vor.u32 v20, v3;
	v23 =	vld [tilespmem:s30+$0x2500]  }
0x145: {  	v2 =	vadd.f32 v24, v2;
	v3 =	vmul.f32 v21, v21  }
0x146: {  	v20 =	vor.u32 $0x1, v1;
	v24 =	vld [tilespmem:s30+$0x2580]  }
0x147: {  	v3 =	vadd.f32 v3, v2;
	v26 =	vmul.f32 v22, v22;
	v2 =	vld [tilespmem:s30+$0x2700]  }
0x148: {  	v27 =	vor.u32 $0x2, v1;
	v25 =	vld [tilespmem:s30+$0x2600]  }
0x149: {  	v28 =	vld.idx.msk [tilespmem:v1+s13+$0x0], $0xffff;
	v3 =	vadd.f32 v26, v3;
	v29 =	vmul.f32 v23, v23  }
0x14a: {  	v30 =	vor.u32 $0x3, v1;
	v26 =	vld [tilespmem:s30+$0x2680]  }
0x14b: {  	v31 =	vld.idx.msk [tilespmem:v20+s13+$0x0], $0xffff;
	v3 =	vadd.f32 v29, v3;
	v29 =	vmul.f32 v24, v24  }
0x14c: {  	v32 =	vor.u32 $0x4, v1;
	v20 =	vld [tilespmem:s30+$0x2780]  }
0x14d: {  	v27 =	vld.idx.msk [tilespmem:v27+s13+$0x0], $0xffff;
	v29 =	vadd.f32 v29, v3;
	v33 =	vmul.f32 v25, v25  }
0x14e: {  	v34 =	vor.u32 $0x5, v1;
	v3 =	vld [tilespmem:s30+$0x3400]  }
0x14f: {  	v28 =	vmul.f32 v4, v28;
	v30 =	vld.idx.msk [tilespmem:v30+s13+$0x0], $0xffff;
	v29 =	vadd.f32 v33, v29;
	v33 =	vmul.f32 v26, v26  }
0x150: {  	v35 =	vor.u32 $0x6, v1;
	v36 =	vmul.f32 v2, v2;
	v4 =	vld [tilespmem:s30+$0x3480]  }
0x151: {  	v28 =	vadd.f32 $0.0e+00, v28;
	v31 =	vmul.f32 v5, v31;
	v32 =	vld.idx.msk [tilespmem:v32+s13+$0x0], $0xffff;
	v29 =	vadd.f32 v33, v29  }
0x152: {  	v33 =	vor.u32 $0x7, v1;
	v37 =	vmul.f32 v20, v20;
	v5 =	vld [tilespmem:s30+$0x3500]  }
0x153: {  	v28 =	vadd.f32 v31, v28;
	v27 =	vmul.f32 v6, v27;
	v31 =	vld.idx.msk [tilespmem:v34+s13+$0x0], $0xffff;
	v29 =	vadd.f32 v36, v29  }
0x154: {  	v34 =	vor.u32 $0x8, v1;
	v36 =	vmul.f32 v3, v3;
	v6 =	vld [tilespmem:s30+$0x3580]  }
0x155: {  	v27 =	vadd.f32 v27, v28;
	v28 =	vmul.f32 v7, v30;
	v30 =	vld.idx.msk [tilespmem:v35+s13+$0x0], $0xffff;
	v29 =	vadd.f32 v37, v29  }
0x156: {  	v35 =	vor.u32 $0x9, v1;
	v37 =	vmul.f32 v4, v4;
	v7 =	vld [tilespmem:s30+$0x3600]  }
0x157: {  	v27 =	vadd.f32 v28, v27;
	v28 =	vmul.f32 v8, v32;
	v32 =	vld.idx.msk [tilespmem:v33+s13+$0x0], $0xffff;
	v29 =	vadd.f32 v36, v29  }
0x158: {  	v33 =	vor.u32 $0xA, v1;
	v36 =	vmul.f32 v5, v5;
	v8 =	vld [tilespmem:s30+$0x3680]  }
0x159: {  	v27 =	vadd.f32 v28, v27;
	v28 =	vmul.f32 v9, v31;
	v31 =	vld.idx.msk [tilespmem:v34+s13+$0x0], $0xffff;
	v29 =	vadd.f32 v37, v29  }
0x15a: {  	v34 =	vor.u32 $0xB, v1;
	v37 =	vmul.f32 v6, v6;
	v9 =	vld [tilespmem:s30+$0x3700]  }
0x15b: {  	v27 =	vadd.f32 v28, v27;
	v28 =	vmul.f32 v10, v30;
	v30 =	vld.idx.msk [tilespmem:v35+s13+$0x0], $0xffff;
	v29 =	vadd.f32 v36, v29  }
0x15c: {  	v35 =	vor.u32 $0xC, v1;
	v36 =	vmul.f32 v7, v7;
	v10 =	vld [tilespmem:s30+$0x3780]  }
0x15d: {  	v27 =	vadd.f32 v28, v27;
	v28 =	vmul.f32 v11, v32;
	v32 =	vld.idx.msk [tilespmem:v33+s13+$0x0], $0xffff;
	v29 =	vadd.f32 v37, v29  }
0x15e: {  	v33 =	vor.u32 $0xD, v1;
	v37 =	vmul.f32 v8, v8;
	v11 =	vld [tilespmem:s30+$0x4400]  }
0x15f: {  	v27 =	vadd.f32 v28, v27;
	v28 =	vmul.f32 v12, v31;
	v31 =	vld.idx.msk [tilespmem:v34+s13+$0x0], $0xffff;
	v29 =	vadd.f32 v36, v29  }
0x160: {  	v34 =	vor.u32 $0xE, v1;
	v36 =	vmul.f32 v9, v9;
	v12 =	vld [tilespmem:s30+$0x4480]  }
0x161: {  	v27 =	vadd.f32 v28, v27;
	v28 =	vmul.f32 v13, v30;
	v30 =	vld.idx.msk [tilespmem:v35+s13+$0x0], $0xffff;
	v29 =	vadd.f32 v37, v29  }
0x162: {  	v35 =	vor.u32 $0xF, v1;
	v37 =	vmul.f32 v10, v10;
	v13 =	vld [tilespmem:s30+$0x4500]  }
0x163: {  	v27 =	vadd.f32 v28, v27;
	v28 =	vmul.f32 v14, v32;
	v32 =	vld.idx.msk [tilespmem:v33+s13+$0x0], $0xffff;
	v29 =	vadd.f32 v36, v29  }
0x164: {  	v33 =	vor.u32 $0x10, v1;
	v36 =	vmul.f32 v11, v11;
	v14 =	vld [tilespmem:s30+$0x4580]  }
0x165: {  	v27 =	vadd.f32 v28, v27;
	v28 =	vmul.f32 v15, v31;
	v31 =	vld.idx.msk [tilespmem:v34+s13+$0x0], $0xffff;
	v29 =	vadd.f32 v37, v29  }
0x166: {  	v34 =	vor.u32 $0x11, v1;
	v37 =	vmul.f32 v12, v12;
	v15 =	vld [tilespmem:s30+$0x4600]  }
0x167: {  	v27 =	vadd.f32 v28, v27;
	v28 =	vmul.f32 v16, v30;
	v30 =	vld.idx.msk [tilespmem:v35+s13+$0x0], $0xffff;
	v29 =	vadd.f32 v36, v29  }
0x168: {  	v35 =	vor.u32 $0x12, v1;
	v36 =	vmul.f32 v13, v13;
	v16 =	vld [tilespmem:s30+$0x4680]  }
0x169: {  	v27 =	vadd.f32 v28, v27;
	v28 =	vmul.f32 v17, v32;
	v32 =	vld.idx.msk [tilespmem:v33+s13+$0x0], $0xffff;
	v29 =	vadd.f32 v37, v29  }
0x16a: {  	v33 =	vor.u32 $0x13, v1;
	v37 =	vmul.f32 v14, v14;
	v17 =	vld [tilespmem:s30+$0x4700]  }
0x16b: {  	v27 =	vadd.f32 v28, v27;
	v28 =	vmul.f32 v18, v31;
	v31 =	vld.idx.msk [tilespmem:v34+s13+$0x0], $0xffff;
	v29 =	vadd.f32 v36, v29  }
0x16c: {  	v34 =	vor.u32 $0x14, v1;
	v36 =	vmul.f32 v15, v15;
	v18 =	vld [tilespmem:s30+$0x4780]  }
0x16d: {  	v27 =	vadd.f32 v28, v27;
	v28 =	vmul.f32 v19, v30;
	v30 =	vld.idx.msk [tilespmem:v35+s13+$0x0], $0xffff;
	v29 =	vadd.f32 v37, v29  }
0x16e: {  	v35 =	vor.u32 $0x15, v1;
	v37 =	vmul.f32 v16, v16;
	v19 =	vld [tilespmem:s30+$0x5400]  }
0x16f: {  	v27 =	vadd.f32 v28, v27;
	v28 =	vmul.f32 v21, v32;
	v32 =	vld.idx.msk [tilespmem:v33+s13+$0x0], $0xffff;
	v29 =	vadd.f32 v36, v29  }
0x170: {  	v33 =	vor.u32 $0x16, v1;
	v36 =	vmul.f32 v17, v17;
	v21 =	vld [tilespmem:s30+$0x5480]  }
0x171: {  	v27 =	vadd.f32 v28, v27;
	v28 =	vmul.f32 v22, v31;
	v31 =	vld.idx.msk [tilespmem:v34+s13+$0x0], $0xffff;
	v29 =	vadd.f32 v37, v29  }
0x172: {  	v34 =	vor.u32 $0x17, v1;
	v37 =	vmul.f32 v18, v18;
	v22 =	vld [tilespmem:s30+$0x5500]  }
0x173: {  	v27 =	vadd.f32 v28, v27;
	v28 =	vmul.f32 v23, v30;
	v30 =	vld.idx.msk [tilespmem:v35+s13+$0x0], $0xffff;
	v29 =	vadd.f32 v36, v29  }
0x174: {  	v35 =	vor.u32 $0x18, v1;
	v36 =	vmul.f32 v19, v19;
	v23 =	vld [tilespmem:s30+$0x5580]  }
0x175: {  	v27 =	vadd.f32 v28, v27;
	v28 =	vmul.f32 v24, v32;
	v32 =	vld.idx.msk [tilespmem:v33+s13+$0x0], $0xffff;
	v29 =	vadd.f32 v37, v29  }
0x176: {  	v33 =	vor.u32 $0x19, v1;
	v37 =	vmul.f32 v21, v21;
	v24 =	vld [tilespmem:s30+$0x5600]  }
0x177: {  	v27 =	vadd.f32 v28, v27;
	v28 =	vmul.f32 v25, v31;
	v31 =	vld.idx.msk [tilespmem:v34+s13+$0x0], $0xffff;
	v29 =	vadd.f32 v36, v29  }
0x178: {  	v34 =	vor.u32 $0x1A, v1;
	v36 =	vmul.f32 v22, v22;
	v25 =	vld [tilespmem:s30+$0x5680]  }
0x179: {  	v27 =	vadd.f32 v28, v27;
	v28 =	vmul.f32 v26, v30;
	v30 =	vld.idx.msk [tilespmem:v35+s13+$0x0], $0xffff;
	v29 =	vadd.f32 v37, v29  }
0x17a: {  	v35 =	vor.u32 $0x1B, v1;
	v37 =	vmul.f32 v23, v23;
	v26 =	vld [tilespmem:s30+$0x5700]  }
0x17b: {  	v27 =	vadd.f32 v28, v27;
	v28 =	vmul.f32 v2, v32;
	v32 =	vld.idx.msk [tilespmem:v33+s13+$0x0], $0xffff;
	v29 =	vadd.f32 v36, v29  }
0x17c: {  	v33 =	vor.u32 $0x1C, v1;
	v36 =	vmul.f32 v24, v24;
	v2 =	vld [tilespmem:s30+$0x5780]  }
0x17d: {  	v27 =	vadd.f32 v28, v27;
	v28 =	vmul.f32 v20, v31;
	v31 =	vld.idx.msk [tilespmem:v34+s13+$0x0], $0xffff;
	v29 =	vadd.f32 v37, v29  }
0x17e: {  	v34 =	vor.u32 $0x1D, v1;
	v37 =	vmul.f32 v25, v25;
	v20 =	vld [tilespmem:s30+$0x6400]  }
0x17f: {  	v27 =	vadd.f32 v28, v27;
	v28 =	vmul.f32 v3, v30;
	v30 =	vld.idx.msk [tilespmem:v35+s13+$0x0], $0xffff;
	v29 =	vadd.f32 v36, v29  }
0x180: {  	v35 =	vor.u32 $0x1E, v1;
	v36 =	vmul.f32 v26, v26;
	v3 =	vld [tilespmem:s30+$0x6480]  }
0x181: {  	v27 =	vadd.f32 v28, v27;
	v28 =	vmul.f32 v4, v32;
	v32 =	vld.idx.msk [tilespmem:v33+s13+$0x0], $0xffff;
	v29 =	vadd.f32 v37, v29  }
0x182: {  	v33 =	vor.u32 $0x1F, v1;
	v37 =	vmul.f32 v2, v2;
	v4 =	vld [tilespmem:s30+$0x6500]  }
0x183: {  	v27 =	vadd.f32 v28, v27;
	v28 =	vmul.f32 v5, v31;
	v31 =	vld.idx.msk [tilespmem:v34+s13+$0x0], $0xffff;
	v29 =	vadd.f32 v36, v29  }
0x184: {  	v34 =	vor.u32 $0x20, v1;
	v36 =	vmul.f32 v20, v20;
	v5 =	vld [tilespmem:s30+$0x6580]  }
0x185: {  	v27 =	vadd.f32 v28, v27;
	v28 =	vmul.f32 v6, v30;
	v30 =	vld.idx.msk [tilespmem:v35+s13+$0x0], $0xffff;
	v29 =	vadd.f32 v37, v29  }
0x186: {  	v35 =	vor.u32 $0x21, v1;
	v37 =	vmul.f32 v3, v3;
	v6 =	vld [tilespmem:s30+$0x6600]  }
0x187: {  	v27 =	vadd.f32 v28, v27;
	v28 =	vmul.f32 v7, v32;
	v32 =	vld.idx.msk [tilespmem:v33+s13+$0x0], $0xffff;
	v29 =	vadd.f32 v36, v29  }
0x188: {  	v33 =	vor.u32 $0x22, v1;
	v36 =	vmul.f32 v4, v4;
	v7 =	vld [tilespmem:s30+$0x6680]  }
0x189: {  	v27 =	vadd.f32 v28, v27;
	v28 =	vmul.f32 v8, v31;
	v31 =	vld.idx.msk [tilespmem:v34+s13+$0x0], $0xffff;
	v29 =	vadd.f32 v37, v29  }
0x18a: {  	v34 =	vor.u32 $0x23, v1;
	v37 =	vmul.f32 v5, v5;
	v8 =	vld [tilespmem:s30+$0x6700]  }
0x18b: {  	v27 =	vadd.f32 v28, v27;
	v28 =	vmul.f32 v9, v30;
	v30 =	vld.idx.msk [tilespmem:v35+s13+$0x0], $0xffff;
	v29 =	vadd.f32 v36, v29  }
0x18c: {  	v35 =	vor.u32 $0x24, v1;
	v36 =	vmul.f32 v6, v6;
	v9 =	vld [tilespmem:s30+$0x6780]  }
0x18d: {  	v27 =	vadd.f32 v28, v27;
	v28 =	vmul.f32 v10, v32;
	v32 =	vld.idx.msk [tilespmem:v33+s13+$0x0], $0xffff;
	v29 =	vadd.f32 v37, v29  }
0x18e: {  	v33 =	vor.u32 $0x25, v1;
	v37 =	vmul.f32 v7, v7;
	v10 =	vld [tilespmem:s30+$0x7400]  }
0x18f: {  	v27 =	vadd.f32 v28, v27;
	v28 =	vmul.f32 v11, v31;
	v31 =	vld.idx.msk [tilespmem:v34+s13+$0x0], $0xffff;
	v29 =	vadd.f32 v36, v29  }
0x190: {  	v34 =	vor.u32 $0x26, v1;
	v36 =	vmul.f32 v8, v8;
	v11 =	vld [tilespmem:s30+$0x7480]  }
0x191: {  	v27 =	vadd.f32 v28, v27;
	v28 =	vmul.f32 v12, v30;
	v30 =	vld.idx.msk [tilespmem:v35+s13+$0x0], $0xffff;
	v29 =	vadd.f32 v37, v29  }
0x192: {  	v35 =	vor.u32 $0x27, v1;
	v37 =	vmul.f32 v9, v9;
	v12 =	vld [tilespmem:s30+$0x7500]  }
0x193: {  	v27 =	vadd.f32 v28, v27;
	v28 =	vmul.f32 v13, v32;
	v32 =	vld.idx.msk [tilespmem:v33+s13+$0x0], $0xffff;
	v29 =	vadd.f32 v36, v29  }
0x194: {  	v33 =	vor.u32 $0x28, v1;
	v36 =	vmul.f32 v10, v10;
	v13 =	vld [tilespmem:s30+$0x7580]  }
0x195: {  	v27 =	vadd.f32 v28, v27;
	v28 =	vmul.f32 v14, v31;
	v31 =	vld.idx.msk [tilespmem:v34+s13+$0x0], $0xffff;
	v29 =	vadd.f32 v37, v29  }
0x196: {  	v34 =	vor.u32 $0x29, v1;
	v37 =	vmul.f32 v11, v11;
	v14 =	vld [tilespmem:s30+$0x7600]  }
0x197: {  	v27 =	vadd.f32 v28, v27;
	v28 =	vmul.f32 v15, v30;
	v30 =	vld.idx.msk [tilespmem:v35+s13+$0x0], $0xffff;
	v29 =	vadd.f32 v36, v29  }
0x198: {  	v35 =	vor.u32 $0x2A, v1;
	v36 =	vmul.f32 v12, v12;
	v15 =	vld [tilespmem:s30+$0x7680]  }
0x199: {  	v27 =	vadd.f32 v28, v27;
	v28 =	vmul.f32 v16, v32;
	v32 =	vld.idx.msk [tilespmem:v33+s13+$0x0], $0xffff;
	v29 =	vadd.f32 v37, v29  }
0x19a: {  	v33 =	vor.u32 $0x2B, v1;
	v37 =	vmul.f32 v13, v13;
	v16 =	vld [tilespmem:s30+$0x7700]  }
0x19b: {  	v27 =	vadd.f32 v28, v27;
	v28 =	vmul.f32 v17, v31;
	v31 =	vld.idx.msk [tilespmem:v34+s13+$0x0], $0xffff;
	v29 =	vadd.f32 v36, v29  }
0x19c: {  	v34 =	vor.u32 $0x2C, v1;
	v36 =	vmul.f32 v14, v14;
	v17 =	vld [tilespmem:s30+$0x7780]  }
0x19d: {  	v27 =	vadd.f32 v28, v27;
	v18 =	vmul.f32 v18, v30;
	v28 =	vld.idx.msk [tilespmem:v35+s13+$0x0], $0xffff;
	v29 =	vadd.f32 v37, v29  }
0x19e: {  	v30 =	vor.u32 $0x2D, v1;
	v35 =	vmul.f32 v15, v15  }
0x19f: {  	v18 =	vadd.f32 v18, v27;
	v19 =	vmul.f32 v19, v32;
	v27 =	vld.idx.msk [tilespmem:v33+s13+$0x0], $0xffff;
	v29 =	vadd.f32 v36, v29  }
0x1a0: {  	v32 =	vor.u32 $0x2E, v1;
	v33 =	vmul.f32 v16, v16  }
0x1a1: {  	v18 =	vadd.f32 v19, v18;
	v19 =	vmul.f32 v21, v31;
	v21 =	vld.idx.msk [tilespmem:v34+s13+$0x0], $0xffff;
	v29 =	vadd.f32 v35, v29  }
0x1a2: {  	v31 =	vor.u32 $0x2F, v1;
	v34 =	vmul.f32 v17, v17  }
0x1a3: {  	v18 =	vadd.f32 v19, v18;
	v19 =	vmul.f32 v22, v28;
	v22 =	vld.idx.msk [tilespmem:v30+s13+$0x0], $0xffff;
	v28 =	vadd.f32 v33, v29  }
0x1a4: {  	v29 =	vor.u32 $0x30, v1  }
0x1a5: {  	v18 =	vadd.f32 v19, v18;
	v19 =	vmul.f32 v23, v27;
	v23 =	vld.idx.msk [tilespmem:v32+s13+$0x0], $0xffff;
	v27 =	vadd.f32 v34, v28  }
0x1a6: {  	v28 =	vor.u32 $0x31, v1  }
0x1a7: {  	v18 =	vadd.f32 v19, v18;
	v19 =	vmul.f32 v24, v21;
	v21 =	vld.idx.msk [tilespmem:v31+s13+$0x0], $0xffff;
	v24 =	vmax.f32 v27, $1.000000000e-30  }
0x1a8: {  	v27 =	vor.u32 $0x32, v1;
	v30 =	vshra.s32 v24, $0x1;
	v31 =	vmul.f32 $5.000000000e-01, v24  }
0x1a9: {  	v18 =	vadd.f32 v19, v18;
	v19 =	vmul.f32 v25, v22;
	v22 =	vld.idx.msk [tilespmem:v29+s13+$0x0], $0xffff;
	v25 =	vsub.s32 $0x5F3759DF, v30  }
0x1aa: {  	v29 =	vor.u32 $0x33, v1;
	v30 =	vmul.f32 v25, v31  }
0x1ab: {  	v18 =	vadd.f32 v19, v18;
	v19 =	vmul.f32 v26, v23;
	v23 =	vld.idx.msk [tilespmem:v28+s13+$0x0], $0xffff  }
0x1ac: {  	v26 =	vor.u32 $0x34, v1;
	v28 =	vmul.f32 v25, v30  }
0x1ad: {  	v18 =	vadd.f32 v19, v18;
	v2 =	vmul.f32 v2, v21;
	v19 =	vld.idx.msk [tilespmem:v27+s13+$0x0], $0xffff  }
0x1ae: {  	v21 =	vor.u32 $0x35, v1;
	v27 =	vsub.f32 $1.500000000e+00, v28  }
0x1af: {  	v2 =	vadd.f32 v2, v18;
	v18 =	vmul.f32 v20, v22;
	v20 =	vld.idx.msk [tilespmem:v29+s13+$0x0], $0xffff  }
0x1b0: {  	v22 =	vor.u32 $0x36, v1;
	v25 =	vmul.f32 v25, v27  }
0x1b1: {  	v2 =	vadd.f32 v18, v2;
	v3 =	vmul.f32 v3, v23;
	v18 =	vld.idx.msk [tilespmem:v26+s13+$0x0], $0xffff  }
0x1b2: {  	v23 =	vor.u32 $0x37, v1;
	v26 =	vmul.f32 v25, v31  }
0x1b3: {  	v2 =	vadd.f32 v3, v2;
	v3 =	vmul.f32 v4, v19;
	v4 =	vld.idx.msk [tilespmem:v21+s13+$0x0], $0xffff  }
0x1b4: {  	v19 =	vor.u32 $0x38, v1;
	v21 =	vmul.f32 v26, v25  }
0x1b5: {  	v2 =	vadd.f32 v3, v2;
	v3 =	vmul.f32 v5, v20;
	v5 =	vld.idx.msk [tilespmem:v22+s13+$0x0], $0xffff  }
0x1b6: {  	v20 =	vor.u32 $0x39, v1;
	v21 =	vsub.f32 $1.500000000e+00, v21  }
0x1b7: {  	v2 =	vadd.f32 v3, v2;
	v3 =	vmul.f32 v6, v18;
	v6 =	vld.idx.msk [tilespmem:v23+s13+$0x0], $0xffff  }
0x1b8: {  	v18 =	vor.u32 $0x3A, v1;
	v21 =	vmul.f32 v21, v25  }
0x1b9: {  	v2 =	vadd.f32 v3, v2;
	v3 =	vmul.f32 v7, v4;
	v4 =	vld.idx.msk [tilespmem:v19+s13+$0x0], $0xffff  }
0x1ba: {  	v7 =	vor.u32 $0x3B, v1;
	v19 =	vmul.f32 v21, v31  }
0x1bb: {  	v2 =	vadd.f32 v3, v2;
	v3 =	vmul.f32 v8, v5;
	v5 =	vld.idx.msk [tilespmem:v20+s13+$0x0], $0xffff  }
0x1bc: {  	v8 =	vor.u32 $0x3C, v1;
	v19 =	vmul.f32 v19, v21  }
0x1bd: {  	v2 =	vadd.f32 v3, v2;
	v3 =	vmul.f32 v9, v6;
	v6 =	vld.idx.msk [tilespmem:v18+s13+$0x0], $0xffff  }
0x1be: {  	v9 =	vor.u32 $0x3D, v1;
	v18 =	vsub.f32 $1.500000000e+00, v19  }
0x1bf: {  	v2 =	vadd.f32 v3, v2;
	v3 =	vmul.f32 v10, v4;
	v4 =	vld.idx.msk [tilespmem:v7+s13+$0x0], $0xffff  }
0x1c0: {  	v7 =	vor.u32 $0x3E, v1;
	v10 =	vmul.f32 v18, v21  }
0x1c1: {  	v2 =	vadd.f32 v3, v2;
	v3 =	vmul.f32 v11, v5;
	v5 =	vld.idx.msk [tilespmem:v8+s13+$0x0], $0xffff  }
0x1c2: {  	v1 =	vor.u32 $0x3F, v1;
	v8 =	vmul.f32 v10, v24  }
0x1c3: {  	v2 =	vadd.f32 v3, v2;
	v3 =	vmul.f32 v12, v6;
	v6 =	vld.idx.msk [tilespmem:v9+s13+$0x0], $0xffff  }
0x1c4: {  	v8 =	vmax.f32 v8, $9.999999970e-07  }
0x1c5: {  	v2 =	vadd.f32 v3, v2;
	v3 =	vmul.f32 v13, v4;
	v4 =	vld.idx.msk [tilespmem:v7+s13+$0x0], $0xffff;
	v7 =	vmul.f32 $8.000000000e+00, v8;
	_ =	sdelay $0x1  }
0x1c6: {  	v2 =	vadd.f32 v3, v2;
	v3 =	vmul.f32 v14, v5;
	v1 =	vld.idx.msk [tilespmem:v1+s13+$0x0], $0xffff;
	(erf) = vrcp.f32 v7;
	_ =	sdelay $0x1  }
0x1c7: {  	v2 =	vadd.f32 v3, v2;
	v3 =	vmul.f32 v15, v6;
	_ =	sdelay $0x1  }
0x1c8: {  	v2 =	vadd.f32 v3, v2;
	v3 =	vmul.f32 v16, v4;
	_ =	sdelay $0x1  }
0x1c9: {  	v3 =	vadd.f32 v3, v2;
	v1 =	vmul.f32 v17, v1;
	_ =	sdelay $0x1  }
0x1ca: {  	v1 =	vadd.f32 v1, v3  }
0x1cb: {  	v2 =	vpop (erf)  }
0x1cc: {  	v1 =	vmul.f32 v2, v1;
	_ =	sdelay $0x1  }
0x1cd: {  	v1 =	vsub.f32 $0.0e+00, v1;
	_ =	sdelay $0x1  }
0x1ce: {  	v1 =	vmul.f32 $1.442695020e+00, v1;
	_ =	sdelay $0x1  }
0x1cf: {  	(erf) = vpow2.f32 v1;
	_ =	sdelay $0x8  }
0x1d0: {  	v1 =	vpop (erf)  }
0x1d1: {  	v1 =	vadd.f32 $1.000000000e+00, v1;
	_ =	sdelay $0x1  }
0x1d2: {  	(erf) = vrcp.f32 v1;
	_ =	sdelay $0x5  }
0x1d3: {  	s28 =	sadd.s32 $0x10, s28  }
0x1d4: {  	v1 =	vld [tilespmem:s28+$0x0];
	_ =	sdelay $0x1  }
0x1d5: {  	v2 =	vpop (erf)  }
0x1d6: {  	v2 =	vsub.f32 $1.000000000e+00, v2;
	_ =	sdelay $0x1  }
.Ltmp0:
0x1d7: {  	v1 =	vmul.f32 v2, v1;
	(pc) =	sbr.rel @p0 .LBB2_2-.Ltmp0, $4  }
0x1d8: {  	_ = 	snop  }
0x1d9: {  	s1 =	sadd.s32 $0x80, s1;
	v1 =	vadd.f32 $1.000000000e+00, v1  }
0x1da: {  	s29 =	sadd.s32 $0x10, s29;
	s14 =	sand.u32 $0x70, s12;
	s30 =	sand.u32 $0xC00, s1  }
0x1db: {  	s12 =	sadd.s32 $0x10, s12;
	s30 =	sor.u32 s14, s30;
	[tilespmem:s29+$0x0] =	vst v1  }
0x1dc: {  	v4 =	vld [tilespmem:s30+$0x480]  }
0x1dd: {  	v3 =	vld [tilespmem:s30+$0x400];
	_ =	sdelay $0x1  }
0x1de: {  	v5 =	vld [tilespmem:s30+$0x500];
	_ =	sdelay $0x1  }
0x1df: {  	v6 =	vld [tilespmem:s30+$0x580]  }
0x1e0: {  	v1 =	vmul.f32 v3, v3;
	v2 =	vmul.f32 v4, v4  }
0x1e1: {  	v7 =	vld [tilespmem:s30+$0x600]  }
0x1e2: {  	v1 =	vadd.f32 v2, v1;
	v2 =	vmul.f32 v5, v5  }
0x1e3: {  	v8 =	vld [tilespmem:s30+$0x680]  }
0x1e4: {  	v1 =	vadd.f32 v2, v1;
	v2 =	vmul.f32 v6, v6  }
0x1e5: {  	v9 =	vld [tilespmem:s30+$0x700];
	s1 =	sor.u32 s1, s31  }
0x1e6: {  	s1 =	sor.u32 $0x380, s1;
	v1 =	vadd.f32 v2, v1;
	v2 =	vmul.f32 v7, v7  }
0x1e7: {  	v10 =	vld [tilespmem:s1+$0x400]  }
0x1e8: {  	v1 =	vadd.f32 v2, v1;
	v2 =	vmul.f32 v8, v8  }
0x1e9: {  	v11 =	vld [tilespmem:s30+$0x1400]  }
0x1ea: {  	v1 =	vadd.f32 v2, v1;
	v2 =	vmul.f32 v9, v9  }
0x1eb: {  	v12 =	vld [tilespmem:s30+$0x1480]  }
0x1ec: {  	v1 =	vadd.f32 v2, v1;
	v2 =	vmul.f32 v10, v10  }
0x1ed: {  	v13 =	vld [tilespmem:s30+$0x1500]  }
0x1ee: {  	v1 =	vadd.f32 v2, v1;
	v2 =	vmul.f32 v11, v11  }
0x1ef: {  	v14 =	vld [tilespmem:s30+$0x1580]  }
0x1f0: {  	v1 =	vadd.f32 v2, v1;
	v2 =	vmul.f32 v12, v12  }
0x1f1: {  	v15 =	vld [tilespmem:s30+$0x1600]  }
0x1f2: {  	v1 =	vadd.f32 v2, v1;
	v2 =	vmul.f32 v13, v13  }
0x1f3: {  	v16 =	vld [tilespmem:s30+$0x1680]  }
0x1f4: {  	v1 =	vadd.f32 v2, v1;
	v2 =	vmul.f32 v14, v14  }
0x1f5: {  	v17 =	vld [tilespmem:s30+$0x1700];
	s0 =	sadd.s32 $0x10, s0  }
0x1f6: {  	v19 =	vld [tilespmem:s0+$0x0];
	v1 =	vadd.f32 v2, v1;
	v2 =	vmul.f32 v15, v15  }
0x1f7: {  	v18 =	vld [tilespmem:s30+$0x1780]  }
0x1f8: {  	v1 =	vadd.f32 v2, v1;
	v2 =	vmul.f32 v16, v16  }
0x1f9: {  	v21 =	vmov s31;
	v20 =	vld [tilespmem:s30+$0x2400]  }
0x1fa: {  	v21 =	vshll.u32 v21, $0x7;
	v1 =	vadd.f32 v2, v1;
	v2 =	vmul.f32 v17, v17  }
0x1fb: {  	v22 =	vld [tilespmem:s30+$0x2480];
	v21 =	vor.u32 v0, v21;
	v19 =	vshrl.u32 v19, $0x4  }
0x1fc: {  	v24 =	vmul.f32 v18, v18;
	v19 =	vand.u32 $0x40, v19;
	v2 =	vadd.f32 v2, v1  }
0x1fd: {  	v23 =	vld [tilespmem:s30+$0x2500];
	v1 =	vor.u32 v21, v19  }
0x1fe: {  	v49 =	vmul.f32 v20, v20;
	v2 =	vadd.f32 v24, v2  }
0x1ff: {  	v27 =	vor.u32 $0x1, v1;
	v24 =	vld [tilespmem:s30+$0x2580]  }
0x200: {  	v50 =	vmul.f32 v22, v22;
	v2 =	vadd.f32 v49, v2  }
0x201: {  	v25 =	vld [tilespmem:s30+$0x2600];
	v28 =	vor.u32 $0x2, v1  }
0x202: {  	v51 =	vmul.f32 v23, v23;
	v29 =	vld.idx.msk [tilespmem:v1+s13+$0x0], $0xffff;
	v2 =	vadd.f32 v50, v2  }
0x203: {  	v26 =	vld [tilespmem:s30+$0x2680];
	v30 =	vor.u32 $0x3, v1  }
0x204: {  	v27 =	vld.idx.msk [tilespmem:v27+s13+$0x0], $0xffff;
	v31 =	vmul.f32 v24, v24;
	v2 =	vadd.f32 v51, v2  }
0x205: {  	v21 =	vld [tilespmem:s30+$0x2700];
	v32 =	vor.u32 $0x4, v1  }
0x206: {  	v33 =	vmul.f32 v25, v25;
	v28 =	vld.idx.msk [tilespmem:v28+s13+$0x0], $0xffff;
	v31 =	vadd.f32 v31, v2  }
0x207: {  	v19 =	vld [tilespmem:s30+$0x2780];
	v34 =	vor.u32 $0x5, v1;
	v29 =	vmul.f32 v3, v29  }
0x208: {  	v52 =	vmul.f32 v26, v26;
	v30 =	vld.idx.msk [tilespmem:v30+s13+$0x0], $0xffff;
	v31 =	vadd.f32 v33, v31  }
0x209: {  	v35 =	vor.u32 $0x6, v1;
	v2 =	vld [tilespmem:s30+$0x3400];
	v27 =	vmul.f32 v4, v27;
	v29 =	vadd.f32 $0.0e+00, v29  }
0x20a: {  	v36 =	vmul.f32 v21, v21;
	v32 =	vld.idx.msk [tilespmem:v32+s13+$0x0], $0xffff;
	v31 =	vadd.f32 v52, v31  }
0x20b: {  	v53 =	vor.u32 $0x7, v1;
	v3 =	vld [tilespmem:s30+$0x3480];
	v28 =	vmul.f32 v5, v28;
	v27 =	vadd.f32 v27, v29  }
0x20c: {  	v37 =	vmul.f32 v19, v19;
	v55 =	vld.idx.msk [tilespmem:v34+s13+$0x0], $0xffff;
	v54 =	vadd.f32 v36, v31  }
0x20d: {  	v56 =	vor.u32 $0x8, v1;
	v4 =	vld [tilespmem:s30+$0x3500];
	v58 =	vmul.f32 v6, v30;
	v27 =	vadd.f32 v28, v27  }
0x20e: {  	v59 =	vld.idx.msk [tilespmem:v35+s13+$0x0], $0xffff;
	v57 =	vmul.f32 v2, v2;
	v29 =	vadd.f32 v37, v54  }
0x20f: {  	v60 =	vor.u32 $0x9, v1;
	v5 =	vld [tilespmem:s30+$0x3580];
	v62 =	vmul.f32 v7, v32;
	v27 =	vadd.f32 v58, v27  }
0x210: {  	v63 =	vld.idx.msk [tilespmem:v53+s13+$0x0], $0xffff;
	v61 =	vmul.f32 v3, v3;
	v29 =	vadd.f32 v57, v29  }
0x211: {  	v40 =	vor.u32 $0xA, v1;
	v6 =	vld [tilespmem:s30+$0x3600];
	v42 =	vmul.f32 v8, v55;
	v27 =	vadd.f32 v62, v27  }
0x212: {  	v43 =	vld.idx.msk [tilespmem:v56+s13+$0x0], $0xffff;
	v41 =	vmul.f32 v4, v4;
	v29 =	vadd.f32 v61, v29  }
0x213: {  	v44 =	vor.u32 $0xB, v1;
	v7 =	vld [tilespmem:s30+$0x3680];
	v46 =	vmul.f32 v9, v59;
	v27 =	vadd.f32 v42, v27  }
0x214: {  	v47 =	vld.idx.msk [tilespmem:v60+s13+$0x0], $0xffff;
	v45 =	vmul.f32 v5, v5;
	v29 =	vadd.f32 v41, v29  }
0x215: {  	v48 =	vor.u32 $0xC, v1;
	v8 =	vld [tilespmem:s30+$0x3700];
	v50 =	vmul.f32 v10, v63;
	v27 =	vadd.f32 v46, v27  }
0x216: {  	v51 =	vld.idx.msk [tilespmem:v40+s13+$0x0], $0xffff;
	v49 =	vmul.f32 v6, v6;
	v29 =	vadd.f32 v45, v29  }
0x217: {  	v9 =	vld [tilespmem:s30+$0x3780];
	v52 =	vor.u32 $0xD, v1;
	v54 =	vmul.f32 v11, v43;
	v27 =	vadd.f32 v50, v27  }
0x218: {  	v55 =	vld.idx.msk [tilespmem:v44+s13+$0x0], $0xffff;
	v53 =	vmul.f32 v7, v7;
	v29 =	vadd.f32 v49, v29  }
0x219: {  	v56 =	vor.u32 $0xE, v1;
	v10 =	vld [tilespmem:s30+$0x4400];
	v58 =	vmul.f32 v12, v47;
	v27 =	vadd.f32 v54, v27  }
0x21a: {  	v59 =	vld.idx.msk [tilespmem:v48+s13+$0x0], $0xffff;
	v57 =	vmul.f32 v8, v8;
	v29 =	vadd.f32 v53, v29  }
0x21b: {  	v60 =	vor.u32 $0xF, v1;
	v11 =	vld [tilespmem:s30+$0x4480];
	v62 =	vmul.f32 v13, v51;
	v27 =	vadd.f32 v58, v27  }
0x21c: {  	v63 =	vld.idx.msk [tilespmem:v52+s13+$0x0], $0xffff;
	v61 =	vmul.f32 v9, v9;
	v29 =	vadd.f32 v57, v29  }
0x21d: {  	v40 =	vor.u32 $0x10, v1;
	v12 =	vld [tilespmem:s30+$0x4500];
	v42 =	vmul.f32 v14, v55;
	v27 =	vadd.f32 v62, v27  }
0x21e: {  	v43 =	vld.idx.msk [tilespmem:v56+s13+$0x0], $0xffff;
	v41 =	vmul.f32 v10, v10;
	v29 =	vadd.f32 v61, v29  }
0x21f: {  	v44 =	vor.u32 $0x11, v1;
	v13 =	vld [tilespmem:s30+$0x4580];
	v46 =	vmul.f32 v15, v59;
	v27 =	vadd.f32 v42, v27  }
0x220: {  	v47 =	vld.idx.msk [tilespmem:v60+s13+$0x0], $0xffff;
	v45 =	vmul.f32 v11, v11;
	v29 =	vadd.f32 v41, v29  }
0x221: {  	v48 =	vor.u32 $0x12, v1;
	v14 =	vld [tilespmem:s30+$0x4600];
	v50 =	vmul.f32 v16, v63;
	v27 =	vadd.f32 v46, v27  }
0x222: {  	v51 =	vld.idx.msk [tilespmem:v40+s13+$0x0], $0xffff;
	v49 =	vmul.f32 v12, v12;
	v29 =	vadd.f32 v45, v29  }
0x223: {  	v52 =	vor.u32 $0x13, v1;
	v15 =	vld [tilespmem:s30+$0x4680];
	v54 =	vmul.f32 v17, v43;
	v27 =	vadd.f32 v50, v27  }
0x224: {  	v55 =	vld.idx.msk [tilespmem:v44+s13+$0x0], $0xffff;
	v53 =	vmul.f32 v13, v13;
	v29 =	vadd.f32 v49, v29  }
0x225: {  	v56 =	vor.u32 $0x14, v1;
	v16 =	vld [tilespmem:s30+$0x4700];
	v58 =	vmul.f32 v18, v47;
	v27 =	vadd.f32 v54, v27  }
0x226: {  	v59 =	vld.idx.msk [tilespmem:v48+s13+$0x0], $0xffff;
	v57 =	vmul.f32 v14, v14;
	v29 =	vadd.f32 v53, v29  }
0x227: {  	v60 =	vor.u32 $0x15, v1;
	v17 =	vld [tilespmem:s30+$0x4780];
	v62 =	vmul.f32 v20, v51;
	v27 =	vadd.f32 v58, v27  }
0x228: {  	v63 =	vld.idx.msk [tilespmem:v52+s13+$0x0], $0xffff;
	v61 =	vmul.f32 v15, v15;
	v29 =	vadd.f32 v57, v29  }
0x229: {  	v40 =	vor.u32 $0x16, v1;
	v18 =	vld [tilespmem:s30+$0x5400];
	v42 =	vmul.f32 v22, v55;
	v27 =	vadd.f32 v62, v27  }
0x22a: {  	v43 =	vld.idx.msk [tilespmem:v56+s13+$0x0], $0xffff;
	v41 =	vmul.f32 v16, v16;
	v29 =	vadd.f32 v61, v29  }
0x22b: {  	v44 =	vor.u32 $0x17, v1;
	v20 =	vld [tilespmem:s30+$0x5480];
	v46 =	vmul.f32 v23, v59;
	v27 =	vadd.f32 v42, v27  }
0x22c: {  	v47 =	vld.idx.msk [tilespmem:v60+s13+$0x0], $0xffff;
	v45 =	vmul.f32 v17, v17;
	v29 =	vadd.f32 v41, v29  }
0x22d: {  	v48 =	vor.u32 $0x18, v1;
	v22 =	vld [tilespmem:s30+$0x5500];
	v50 =	vmul.f32 v24, v63;
	v27 =	vadd.f32 v46, v27  }
0x22e: {  	v51 =	vld.idx.msk [tilespmem:v40+s13+$0x0], $0xffff;
	v49 =	vmul.f32 v18, v18;
	v29 =	vadd.f32 v45, v29  }
0x22f: {  	v52 =	vor.u32 $0x19, v1;
	v23 =	vld [tilespmem:s30+$0x5580];
	v54 =	vmul.f32 v25, v43;
	v27 =	vadd.f32 v50, v27  }
0x230: {  	v55 =	vld.idx.msk [tilespmem:v44+s13+$0x0], $0xffff;
	v53 =	vmul.f32 v20, v20;
	v29 =	vadd.f32 v49, v29  }
0x231: {  	v56 =	vor.u32 $0x1A, v1;
	v24 =	vld [tilespmem:s30+$0x5600];
	v58 =	vmul.f32 v26, v47;
	v27 =	vadd.f32 v54, v27  }
0x232: {  	v59 =	vld.idx.msk [tilespmem:v48+s13+$0x0], $0xffff;
	v57 =	vmul.f32 v22, v22;
	v29 =	vadd.f32 v53, v29  }
0x233: {  	v60 =	vor.u32 $0x1B, v1;
	v25 =	vld [tilespmem:s30+$0x5680];
	v62 =	vmul.f32 v21, v51;
	v27 =	vadd.f32 v58, v27  }
0x234: {  	v63 =	vld.idx.msk [tilespmem:v52+s13+$0x0], $0xffff;
	v61 =	vmul.f32 v23, v23;
	v29 =	vadd.f32 v57, v29  }
0x235: {  	v40 =	vor.u32 $0x1C, v1;
	v26 =	vld [tilespmem:s30+$0x5700];
	v42 =	vmul.f32 v19, v55;
	v27 =	vadd.f32 v62, v27  }
0x236: {  	v43 =	vld.idx.msk [tilespmem:v56+s13+$0x0], $0xffff;
	v41 =	vmul.f32 v24, v24;
	v29 =	vadd.f32 v61, v29  }
0x237: {  	v44 =	vor.u32 $0x1D, v1;
	v21 =	vld [tilespmem:s30+$0x5780];
	v46 =	vmul.f32 v2, v59;
	v27 =	vadd.f32 v42, v27  }
0x238: {  	v47 =	vld.idx.msk [tilespmem:v60+s13+$0x0], $0xffff;
	v45 =	vmul.f32 v25, v25;
	v29 =	vadd.f32 v41, v29  }
0x239: {  	v48 =	vor.u32 $0x1E, v1;
	v19 =	vld [tilespmem:s30+$0x6400];
	v50 =	vmul.f32 v3, v63;
	v27 =	vadd.f32 v46, v27  }
0x23a: {  	v51 =	vld.idx.msk [tilespmem:v40+s13+$0x0], $0xffff;
	v49 =	vmul.f32 v26, v26;
	v29 =	vadd.f32 v45, v29  }
0x23b: {  	v52 =	vor.u32 $0x1F, v1;
	v2 =	vld [tilespmem:s30+$0x6480];
	v54 =	vmul.f32 v4, v43;
	v27 =	vadd.f32 v50, v27  }
0x23c: {  	v55 =	vld.idx.msk [tilespmem:v44+s13+$0x0], $0xffff;
	v53 =	vmul.f32 v21, v21;
	v29 =	vadd.f32 v49, v29  }
0x23d: {  	v56 =	vor.u32 $0x20, v1;
	v3 =	vld [tilespmem:s30+$0x6500];
	v58 =	vmul.f32 v5, v47;
	v27 =	vadd.f32 v54, v27  }
0x23e: {  	v59 =	vld.idx.msk [tilespmem:v48+s13+$0x0], $0xffff;
	v57 =	vmul.f32 v19, v19;
	v29 =	vadd.f32 v53, v29  }
0x23f: {  	v60 =	vor.u32 $0x21, v1;
	v4 =	vld [tilespmem:s30+$0x6580];
	v62 =	vmul.f32 v6, v51;
	v27 =	vadd.f32 v58, v27  }
0x240: {  	v63 =	vld.idx.msk [tilespmem:v52+s13+$0x0], $0xffff;
	v61 =	vmul.f32 v2, v2;
	v29 =	vadd.f32 v57, v29  }
0x241: {  	v40 =	vor.u32 $0x22, v1;
	v5 =	vld [tilespmem:s30+$0x6600];
	v42 =	vmul.f32 v7, v55;
	v27 =	vadd.f32 v62, v27  }
0x242: {  	v43 =	vld.idx.msk [tilespmem:v56+s13+$0x0], $0xffff;
	v41 =	vmul.f32 v3, v3;
	v29 =	vadd.f32 v61, v29  }
0x243: {  	v44 =	vor.u32 $0x23, v1;
	v6 =	vld [tilespmem:s30+$0x6680];
	v46 =	vmul.f32 v8, v59;
	v27 =	vadd.f32 v42, v27  }
0x244: {  	v47 =	vld.idx.msk [tilespmem:v60+s13+$0x0], $0xffff;
	v45 =	vmul.f32 v4, v4;
	v29 =	vadd.f32 v41, v29  }
0x245: {  	v48 =	vor.u32 $0x24, v1;
	v7 =	vld [tilespmem:s30+$0x6700];
	v50 =	vmul.f32 v9, v63;
	v27 =	vadd.f32 v46, v27  }
0x246: {  	v51 =	vld.idx.msk [tilespmem:v40+s13+$0x0], $0xffff;
	v49 =	vmul.f32 v5, v5;
	v29 =	vadd.f32 v45, v29  }
0x247: {  	v52 =	vor.u32 $0x25, v1;
	v8 =	vld [tilespmem:s30+$0x6780];
	v54 =	vmul.f32 v10, v43;
	v27 =	vadd.f32 v50, v27  }
0x248: {  	v55 =	vld.idx.msk [tilespmem:v44+s13+$0x0], $0xffff;
	v53 =	vmul.f32 v6, v6;
	v29 =	vadd.f32 v49, v29  }
0x249: {  	v56 =	vor.u32 $0x26, v1;
	v9 =	vld [tilespmem:s30+$0x7400];
	v58 =	vmul.f32 v11, v47;
	v27 =	vadd.f32 v54, v27  }
0x24a: {  	v59 =	vld.idx.msk [tilespmem:v48+s13+$0x0], $0xffff;
	v57 =	vmul.f32 v7, v7;
	v29 =	vadd.f32 v53, v29  }
0x24b: {  	v60 =	vor.u32 $0x27, v1;
	v10 =	vld [tilespmem:s30+$0x7480];
	v62 =	vmul.f32 v12, v51;
	v27 =	vadd.f32 v58, v27  }
0x24c: {  	v63 =	vld.idx.msk [tilespmem:v52+s13+$0x0], $0xffff;
	v61 =	vmul.f32 v8, v8;
	v29 =	vadd.f32 v57, v29  }
0x24d: {  	v40 =	vor.u32 $0x28, v1;
	v11 =	vld [tilespmem:s30+$0x7500];
	v42 =	vmul.f32 v13, v55;
	v27 =	vadd.f32 v62, v27  }
0x24e: {  	v43 =	vld.idx.msk [tilespmem:v56+s13+$0x0], $0xffff;
	v41 =	vmul.f32 v9, v9;
	v29 =	vadd.f32 v61, v29  }
0x24f: {  	v44 =	vor.u32 $0x29, v1;
	v12 =	vld [tilespmem:s30+$0x7580];
	v46 =	vmul.f32 v14, v59;
	v27 =	vadd.f32 v42, v27  }
0x250: {  	v47 =	vld.idx.msk [tilespmem:v60+s13+$0x0], $0xffff;
	v45 =	vmul.f32 v10, v10;
	v29 =	vadd.f32 v41, v29  }
0x251: {  	v48 =	vor.u32 $0x2A, v1;
	v15 =	vmul.f32 v15, v63;
	v13 =	vld [tilespmem:s30+$0x7600];
	v27 =	vadd.f32 v46, v27  }
0x252: {  	v51 =	vld.idx.msk [tilespmem:v40+s13+$0x0], $0xffff;
	v49 =	vmul.f32 v11, v11;
	v50 =	vadd.f32 v45, v29  }
0x253: {  	v52 =	vor.u32 $0x2B, v1;
	v16 =	vmul.f32 v16, v43;
	v14 =	vld [tilespmem:s30+$0x7680];
	v15 =	vadd.f32 v15, v27  }
0x254: {  	v55 =	vld.idx.msk [tilespmem:v44+s13+$0x0], $0xffff;
	v53 =	vmul.f32 v12, v12;
	v54 =	vadd.f32 v49, v50  }
0x255: {  	v37 =	vld [tilespmem:s30+$0x7700];
	v56 =	vor.u32 $0x2C, v1;
	v58 =	vmul.f32 v17, v47;
	v15 =	vadd.f32 v16, v15  }
0x256: {  	v60 =	vld.idx.msk [tilespmem:v48+s13+$0x0], $0xffff;
	v57 =	vmul.f32 v13, v13;
	v61 =	vor.u32 $0x2D, v1;
	v59 =	vadd.f32 v53, v54  }
0x257: {  	v36 =	vld [tilespmem:s30+$0x7780];
	v63 =	vmul.f32 v18, v51;
	v15 =	vadd.f32 v58, v15  }
0x258: {  	v38 =	vld.idx.msk [tilespmem:v52+s13+$0x0], $0xffff;
	v62 =	vmul.f32 v14, v14;
	v17 =	vadd.f32 v57, v59  }
0x259: {  	v39 =	vor.u32 $0x2E, v1;
	v41 =	vmul.f32 v20, v55;
	v15 =	vadd.f32 v63, v15  }
0x25a: {  	v40 =	vmul.f32 v37, v37;
	v42 =	vld.idx.msk [tilespmem:v56+s13+$0x0], $0xffff;
	v17 =	vadd.f32 v62, v17  }
0x25b: {  	v43 =	vor.u32 $0x2F, v1;
	v45 =	vmul.f32 v22, v60;
	v46 =	vld.idx.msk [tilespmem:v61+s13+$0x0], $0xffff;
	v15 =	vadd.f32 v41, v15  }
0x25c: {  	v44 =	vmul.f32 v36, v36;
	v17 =	vadd.f32 v40, v17  }
0x25d: {  	v48 =	vmul.f32 v23, v38;
	v47 =	vor.u32 $0x30, v1;
	v15 =	vadd.f32 v45, v15  }
0x25e: {  	v49 =	vld.idx.msk [tilespmem:v39+s13+$0x0], $0xffff;
	v17 =	vadd.f32 v44, v17  }
0x25f: {  	v51 =	vmul.f32 v24, v42;
	v50 =	vor.u32 $0x31, v1;
	v15 =	vadd.f32 v48, v15  }
0x260: {  	v52 =	vld.idx.msk [tilespmem:v43+s13+$0x0], $0xffff;
	v53 =	vor.u32 $0x32, v1;
	v56 =	vmul.f32 v25, v46;
	v17 =	vmax.f32 v17, $1.000000000e-30  }
0x261: {  	v15 =	vadd.f32 v51, v15;
	v54 =	vshra.s32 v17, $0x1;
	v55 =	vmul.f32 $5.000000000e-01, v17  }
0x262: {  	v60 =	vor.u32 $0x33, v1;
	v58 =	vld.idx.msk [tilespmem:v47+s13+$0x0], $0xffff;
	v57 =	vsub.s32 $0x5F3759DF, v54  }
0x263: {  	v61 =	vmul.f32 v26, v49;
	v15 =	vadd.f32 v56, v15;
	v59 =	vmul.f32 v57, v55  }
0x264: {  	v30 =	vor.u32 $0x34, v1;
	v62 =	vld.idx.msk [tilespmem:v50+s13+$0x0], $0xffff  }
0x265: {  	v31 =	vmul.f32 v21, v52;
	v15 =	vadd.f32 v61, v15;
	v63 =	vmul.f32 v57, v59  }
0x266: {  	v34 =	vor.u32 $0x35, v1;
	v32 =	vld.idx.msk [tilespmem:v53+s13+$0x0], $0xffff  }
0x267: {  	v35 =	vmul.f32 v19, v58;
	v15 =	vadd.f32 v31, v15;
	v33 =	vsub.f32 $1.500000000e+00, v63  }
0x268: {  	v39 =	vor.u32 $0x36, v1;
	v38 =	vld.idx.msk [tilespmem:v60+s13+$0x0], $0xffff  }
0x269: {  	v2 =	vmul.f32 v2, v62;
	v15 =	vadd.f32 v35, v15;
	v21 =	vmul.f32 v57, v33  }
0x26a: {  	v42 =	vor.u32 $0x37, v1;
	v40 =	vld.idx.msk [tilespmem:v30+s13+$0x0], $0xffff  }
0x26b: {  	v3 =	vmul.f32 v3, v32;
	v2 =	vadd.f32 v2, v15;
	v41 =	vmul.f32 v21, v55  }
0x26c: {  	v43 =	vld.idx.msk [tilespmem:v34+s13+$0x0], $0xffff;
	v44 =	vor.u32 $0x38, v1  }
0x26d: {  	v2 =	vadd.f32 v3, v2;
	v3 =	vmul.f32 v4, v38;
	v18 =	vmul.f32 v41, v21  }
0x26e: {  	v46 =	vor.u32 $0x39, v1;
	v45 =	vld.idx.msk [tilespmem:v39+s13+$0x0], $0xffff  }
0x26f: {  	v2 =	vadd.f32 v3, v2;
	v3 =	vmul.f32 v5, v40;
	v18 =	vsub.f32 $1.500000000e+00, v18  }
0x270: {  	v47 =	vld.idx.msk [tilespmem:v42+s13+$0x0], $0xffff;
	v49 =	vor.u32 $0x3A, v1  }
0x271: {  	v2 =	vadd.f32 v3, v2;
	v3 =	vmul.f32 v6, v43;
	v48 =	vmul.f32 v18, v21  }
0x272: {  	v52 =	vor.u32 $0x3B, v1;
	v50 =	vld.idx.msk [tilespmem:v44+s13+$0x0], $0xffff  }
0x273: {  	v2 =	vadd.f32 v3, v2;
	v3 =	vmul.f32 v7, v45;
	v51 =	vmul.f32 v48, v55  }
0x274: {  	v53 =	vld.idx.msk [tilespmem:v46+s13+$0x0], $0xffff;
	v55 =	vor.u32 $0x3C, v1  }
0x275: {  	v2 =	vadd.f32 v3, v2;
	v3 =	vmul.f32 v8, v47;
	v54 =	vmul.f32 v51, v48  }
0x276: {  	v56 =	vld.idx.msk [tilespmem:v49+s13+$0x0], $0xffff;
	v57 =	vor.u32 $0x3D, v1  }
0x277: {  	v2 =	vadd.f32 v3, v2;
	v3 =	vmul.f32 v9, v50;
	v7 =	vsub.f32 $1.500000000e+00, v54  }
0x278: {  	v58 =	vld.idx.msk [tilespmem:v52+s13+$0x0], $0xffff;
	v59 =	vor.u32 $0x3E, v1  }
0x279: {  	v2 =	vadd.f32 v3, v2;
	v3 =	vmul.f32 v10, v53;
	v7 =	vmul.f32 v7, v48  }
0x27a: {  	v60 =	vld.idx.msk [tilespmem:v55+s13+$0x0], $0xffff  }
0x27b: {  	v2 =	vadd.f32 v3, v2;
	v3 =	vmul.f32 v11, v56;
	v7 =	vmul.f32 v7, v17  }
0x27c: {  	v61 =	vld.idx.msk [tilespmem:v57+s13+$0x0], $0xffff;
	v1 =	vor.u32 $0x3F, v1  }
0x27d: {  	v2 =	vadd.f32 v3, v2;
	v3 =	vmul.f32 v12, v58;
	v7 =	vmax.f32 v7, $9.999999970e-07  }
0x27e: {  	v63 =	vld.idx.msk [tilespmem:v59+s13+$0x0], $0xffff;
	v62 =	vmul.f32 $8.000000000e+00, v7  }
0x27f: {  	v2 =	vadd.f32 v3, v2;
	v3 =	vmul.f32 v13, v60  }
0x280: {  	(erf) = vrcp.f32 v62  }
0x281: {  	v1 =	vld.idx.msk [tilespmem:v1+s13+$0x0], $0xffff;
	v2 =	vadd.f32 v3, v2;
	v3 =	vmul.f32 v14, v61;
	_ =	sdelay $0x1  }
0x282: {  	v2 =	vadd.f32 v3, v2;
	v3 =	vmul.f32 v37, v63;
	_ =	sdelay $0x1  }
0x283: {  	v2 =	vadd.f32 v3, v2  }
0x284: {  	v1 =	vmul.f32 v36, v1;
	_ =	sdelay $0x1  }
0x285: {  	v1 =	vadd.f32 v1, v2  }
0x286: {  	v2 =	vpop (erf)  }
0x287: {  	v1 =	vmul.f32 v2, v1;
	_ =	sdelay $0x1  }
0x288: {  	v1 =	vsub.f32 $0.0e+00, v1;
	_ =	sdelay $0x1  }
0x289: {  	v1 =	vmul.f32 $1.442695020e+00, v1;
	_ =	sdelay $0x1  }
0x28a: {  	(erf) = vpow2.f32 v1;
	_ =	sdelay $0x8  }
0x28b: {  	v1 =	vpop (erf)  }
0x28c: {  	v1 =	vadd.f32 $1.000000000e+00, v1;
	_ =	sdelay $0x1  }
0x28d: {  	(erf) = vrcp.f32 v1;
	_ =	sdelay $0x5  }
0x28e: {  	s30 =	sadd.s32 $0x10, s28  }
0x28f: {  	v1 =	vld [tilespmem:s30+$0x0];
	_ =	sdelay $0x1  }
0x290: {  	v2 =	vpop (erf)  }
0x291: {  	v2 =	vsub.f32 $1.000000000e+00, v2;
	_ =	sdelay $0x1  }
0x292: {  	v1 =	vmul.f32 v2, v1;
	_ =	sdelay $0x1  }
0x293: {  	v1 =	vadd.f32 $1.000000000e+00, v1  }
0x294: {  	s31 =	sadd.s32 $0x10, s29  }
0x295: {  	[tilespmem:s31+$0x0] =	vst v1  }
0x296: {  	[hbm4b:s5+s11] =	stream.strided.scatter [tilespmem:s25], [sflag:$0x2], $0x200, s24, s11, $0x38;
	[tilespmem:$0x18800] =	vst v63  }
0x297: {  	s26 =	sadd.s32 $0x1, s26;
	_ =	swait.ge [sflag:s10], $0x200  }
0x298: {  	p0 =	sne.s32 s26, s9;
	[sflag:s10] =	ssyncset.done $0x0  }
.Ltmp1:
0x299: {  	[sflag:s10] =	ssyncadd.s32 $0xFFFFFE00;
	(pc) =	sbr.rel @p0 .LBB2_1-.Ltmp1, $4  }
0x29a: {  	[hbm4b:s8+s11] =	stream.strided.scatter [tilespmem:s25], [sflag:$0x2], $0x200, s24, s11, $0x38;
	[tilespmem:$0x18800] =	vst v63  }
0x29b: {  	_ =	swait.ge [sflag:s10], $0x200  }
0x29c: {  	[sflag:s10] =	ssyncset.done $0x0  }
0x29d: {  	[sflag:s10] =	ssyncadd.s32 $0xFFFFFE00  }
0x29e: {  	_ =	sfence.sel $0x180000  }
0x29f: {  	[bflag:$0x0] =	sbarrier.arrive $0xFFFF  }
0x2a0: {  	_ =	strace $0x90000047  }
0x2a1: {  	s0 =	stileid.u32;
	[bflag:$0x2] =	sbarrier.arrive $0xFFFF  }
0x2a2: {  	p0 =	sne.s32 s0, $0x0;
	s0 =	rddreg [dreg:$0x5]  }
0x2a3: {  	s0 =	sadd.s32 @!p0 $0x100000, s0  }
0x2a4: {  	[sflag:s0] =	ssyncadd.tile.s32 @!p0 $0x1;
	_ =	shalt  }
.Lfunc_end2:
_tile_overlayer_lowered:
.L_overlay_start_2:
0x2a5: {  	(tag) =	ssettag $0x2  }
0x2a6: {  	s0 =	rddreg [dreg:$0x0];
	s2 =	stileid.u32  }
0x2a7: {  	s1 =	rddreg [dreg:$0x1];
	p0 =	sne.s32 s2, $0x0  }
0x2a8: {  	s3 =	rddreg [dreg:$0x2];
	[bflag:$0x3] =	sbarrier.arrive $0xFFFF;
	s2 =	simm.s32 @!p0 $0x1C02  }
0x2a9: {  	[timem:s3], [sflag:s2] =	dma.local @!p0 [hbm:s0], s1  }
0x2aa: {  	s0 =	simm.s32 @!p0 $0x2  }
0x2ab: {  	_ =	swait.ge @!p0 [sflag:s0], s1  }
0x2ac: {  	s1 =	ssub.s32 @!p0 $0x0, s1;
	[sflag:s0] =	ssyncset.done @!p0 $0x0  }
0x2ad: {  	[sflag:s0] =	ssyncadd.s32 @!p0 s1  }
0x2ae: {  	[bflag:$0x3] =	sbarrier.arrive $0xFFFF  }
0x2af: {  	_ =	shalt  }

</sc_bundles>
